<compile_context>
chip_gen: v7x
topology: tpu7x:2x2x1
jax: 0.10.2.dev20260603
libtpu: 0.0.44.dev20260713+nightly
codegen_flags: <defaults>
</compile_context>

<pallas_src>
import functools
import math

import jax
import jax.numpy as jnp
import numpy as np
from jax import lax
from jax.experimental import pallas as pl
from jax.experimental.pallas import tpu as pltpu
from jax.experimental.pallas import tpu_sc as plsc

N_Q = 10000
N_IN = 10000
K = 16
D = 128
H = 8
HD = 16
LEN_DIM = 32
TIME_DIM = 32
FC = 64
R_MAX = 0.5
R_MIN = 0.05

QH = N_Q // 2
QB = 200
NBLK = QH // QB
QBE = 200
NBLKE = QH // QBE
EK = K * QBE
QP = 5120
TW = 256

_CHUNK = 128
_NCHUNK = (K * QP) // _CHUNK
_NW = 32
_PER_W = _NCHUNK // _NW

def _freqs():
    half = LEN_DIM // 2
    i = lax.broadcasted_iota(jnp.int32, (1, half), 1).astype(jnp.float32)
    return jnp.exp(-math.log(10000.0) * i / (half - 1))


def _prep_body(ipos_ref, ix_ref, qx_ref, wval_ref, wskip_ref, bout_ref,
               temb_ref, wr1_ref, br1_ref, table_ref, skip_ref, pre1_ref):
    table_ref[:, 0:D] = jnp.dot(ix_ref[...], wval_ref[...],
                                preferred_element_type=jnp.float32)
    table_ref[:, D:D + 8] = jnp.concatenate(
        [ipos_ref[...], jnp.zeros((N_IN, 5), jnp.float32)], axis=1)
    skip_ref[...] = (
        jnp.dot(qx_ref[...], wskip_ref[...], preferred_element_type=jnp.float32)
        + bout_ref[...])
    pre1_ref[...] = (
        jnp.dot(temb_ref[...], wr1_ref[LEN_DIM:, :],
                preferred_element_type=jnp.float32)
        + br1_ref[...])


def _knn_body(qpos_ref, ipt_ref, idx_ref, d2_ref):
    qp = qpos_ref[...]
    ipt = ipt_ref[...]
    s = None
    for c in range(3):
        dc = ipt[c:c + 1, :] - qp[:, c:c + 1]
        s = dc * dc if s is None else s + dc * dc
    iota = lax.broadcasted_iota(jnp.int32, (QB, N_IN), 1)
    m = jnp.min(s, axis=1, keepdims=True)
    for k in range(K):
        cand = jnp.where(s == m, iota, N_IN)
        ib = jnp.min(cand, axis=1, keepdims=True)
        idx_ref[:, k:k + 1] = ib
        d2_ref[:, k:k + 1] = m
        if k < K - 1:
            m = jnp.min(jnp.where(s > m, s, jnp.float32(jnp.inf)),
                        axis=1, keepdims=True)


_NBUF = 2
_NSTEP = _PER_W // _NBUF


@functools.lru_cache(maxsize=1)
def _sc_gather_fn():
    mesh = plsc.VectorSubcoreMesh(core_axis_name="c", subcore_axis_name="s")

    @functools.partial(
        pl.kernel, mesh=mesh,
        out_type=jax.ShapeDtypeStruct((K * QP, TW), jnp.float32),
        scratch_types=[
            pltpu.VMEM((_PER_W * _CHUNK,), jnp.int32),
            pltpu.VMEM((_NBUF * _CHUNK, TW), jnp.float32),
            pltpu.SemaphoreType.DMA,
        ],
    )
    def gather(table_hbm, idx_hbm, out_hbm, idx_v, rows_v, sem):
        wid = lax.axis_index("s") * 2 + lax.axis_index("c")
        base_w = wid * _PER_W * _CHUNK
        pltpu.sync_copy(idx_hbm.at[pl.ds(base_w, _PER_W * _CHUNK)], idx_v)

        def step(j, carry):
            copies = []
            for b in range(_NBUF):
                copies.append(pltpu.async_copy(
                    table_hbm.at[idx_v.at[pl.ds((j * _NBUF + b) * _CHUNK,
                                                _CHUNK)]],
                    rows_v.at[pl.ds(b * _CHUNK, _CHUNK)], sem))
            for b in range(_NBUF):
                copies[b].wait()
            pltpu.sync_copy(
                rows_v,
                out_hbm.at[pl.ds(base_w + j * _NBUF * _CHUNK, _NBUF * _CHUNK)])
            return carry

        lax.fori_loop(0, _NSTEP, step, 0)

    return gather


def _edge_body(g_ref, d2_ref, qpos_ref, skip_ref, w1l_ref, pre1_ref, wr2_ref,
               br2_ref, a_ref, wsht_ref, bexp_ref, out_ref, le_ref, sh_ref):
    qp = qpos_ref[...]
    w1l = w1l_ref[...]
    pre1 = pre1_ref[...]
    wr2 = wr2_ref[...]
    br2 = br2_ref[...]
    amat = a_ref[...]
    wsht = wsht_ref[...]
    bexp = bexp_ref[...]
    freqs = _freqs()

    def rad(k):
        return jnp.sqrt(d2_ref[:, k:k + 1] + 1e-12)

    for k in range(K):
        r = rad(k)
        pos = g_ref[k][:, D:D + 3]
        unit = (pos - qp) / r
        sh_ref[k * QBE:(k + 1) * QBE, :] = jnp.concatenate(
            [jnp.ones((QBE, 1), jnp.float32), unit], axis=1)
        ang = r * freqs
        le_ref[k * QBE:(k + 1) * QBE, :] = jnp.concatenate(
            [jnp.sin(ang), jnp.cos(ang)], axis=1)

    h1 = jax.nn.relu(
        jnp.dot(le_ref[...], w1l, preferred_element_type=jnp.float32) + pre1)
    radial = jnp.dot(h1, wr2, preferred_element_type=jnp.float32) + br2
    g2 = g_ref[...].reshape(EK, TW)
    v = g2[:, 0:D] * jax.nn.silu(radial)
    lgv = jax.nn.leaky_relu(
        jnp.dot(v, amat, preferred_element_type=jnp.float32), 0.2)
    shl = jnp.dot(sh_ref[...], wsht, preferred_element_type=jnp.float32)
    lg = lgv + shl

    m = jnp.full((QBE, H), -1e30, jnp.float32)
    for k in range(K):
        lk = jnp.where(rad(k) < R_MAX, lg[k * QBE:(k + 1) * QBE, :], -1e9)
        m = jnp.maximum(m, lk)
    ssum = jnp.zeros((QBE, H), jnp.float32)
    acc = jnp.zeros((QBE, D), jnp.float32)
    for k in range(K):
        r = rad(k)
        inrange = r < R_MAX
        lk = jnp.where(inrange, lg[k * QBE:(k + 1) * QBE, :], -1e9)
        p = jnp.exp(lk - m)
        ssum = ssum + p
        w_edge = jnp.where(inrange, 0.5 * (jnp.cos(jnp.pi * r / R_MAX) + 1.0), 0.0)
        w_edge = w_edge * jax.nn.sigmoid((r - R_MIN) / (0.1 * R_MIN))
        wexp = jnp.dot(p * w_edge, bexp, preferred_element_type=jnp.float32)
        acc = acc + v[k * QBE:(k + 1) * QBE, :] * wexp
    sexp = jnp.dot(ssum, bexp, preferred_element_type=jnp.float32)
    out_ref[...] = acc / (sexp + 1e-9) + skip_ref[...]


def _sc_gather(table, idx_flat):
    return _sc_gather_fn()(table, idx_flat)


def kernel(query_pos, query_x, input_pos, input_x, time_emb, W_r1, b_r1,
           W_r2, b_r2, W_val, W_alpha, W_sh, W_skip, b_out, query_b):
    f32 = jnp.float32
    table, skip, pre1 = pl.pallas_call(
        _prep_body,
        out_shape=[
            jax.ShapeDtypeStruct((N_IN, TW), f32),
            jax.ShapeDtypeStruct((N_Q, D), f32),
            jax.ShapeDtypeStruct((1, FC), f32),
        ],
    )(input_pos, input_x, query_x, W_val, W_skip, b_out.reshape(1, D),
      time_emb, W_r1, b_r1.reshape(1, FC))

    amat = (W_alpha[:, :, None] * jnp.eye(H, dtype=f32)[:, None, :]).reshape(D, H)
    bexp = jnp.kron(jnp.eye(H, dtype=f32), jnp.ones((1, HD), f32))
    ipt = input_pos.T
    w1l = W_r1[:LEN_DIM]
    br2r = b_r2.reshape(1, D)
    wsht = W_sh.T

    outs = []
    for hh in range(2):
        qpos_h = query_pos[hh * QH:(hh + 1) * QH]
        skip_h = skip[hh * QH:(hh + 1) * QH]
        idx, d2 = pl.pallas_call(
            _knn_body,
            grid=(NBLK,),
            in_specs=[
                pl.BlockSpec((QB, 3), lambda i: (i, 0)),
                pl.BlockSpec((3, N_IN), lambda i: (0, 0)),
            ],
            out_specs=[pl.BlockSpec((QB, K), lambda i: (i, 0))] * 2,
            out_shape=[
                jax.ShapeDtypeStruct((QH, K), jnp.int32),
                jax.ShapeDtypeStruct((QH, K), f32),
            ],
        )(qpos_h, ipt)

        idx_pad = jnp.zeros((K, QP), jnp.int32).at[:, :QH].set(idx.T).reshape(-1)
        g3 = _sc_gather(table, idx_pad).reshape(K, QP, TW)

        out_h = pl.pallas_call(
            _edge_body,
            grid=(NBLKE,),
            in_specs=[
                pl.BlockSpec((K, QBE, TW), lambda i: (0, i, 0)),
                pl.BlockSpec((QBE, K), lambda i: (i, 0)),
                pl.BlockSpec((QBE, 3), lambda i: (i, 0)),
                pl.BlockSpec((QBE, D), lambda i: (i, 0)),
                pl.BlockSpec((LEN_DIM, FC), lambda i: (0, 0)),
                pl.BlockSpec((1, FC), lambda i: (0, 0)),
                pl.BlockSpec((FC, D), lambda i: (0, 0)),
                pl.BlockSpec((1, D), lambda i: (0, 0)),
                pl.BlockSpec((D, H), lambda i: (0, 0)),
                pl.BlockSpec((4, H), lambda i: (0, 0)),
                pl.BlockSpec((H, D), lambda i: (0, 0)),
            ],
            out_specs=pl.BlockSpec((QBE, D), lambda i: (i, 0)),
            out_shape=jax.ShapeDtypeStruct((QH, D), f32),
            scratch_shapes=[
                pltpu.VMEM((EK, LEN_DIM), f32),
                pltpu.VMEM((EK, 4), f32),
            ],
        )(g3, d2, qpos_h, skip_h, w1l, pre1, W_r2, br2r, amat, wsht, bexp)
        outs.append(out_h)
    return jnp.concatenate(outs, axis=0)

# --- scband reference (transcript-rebuilt; emitter-appended) ---
"""Pipeline reference for scband-tensor-field-64914135711932 (READ-ONLY COPY).

The authoritative reference and input builder live on the scoring server;
editing this copy changes nothing except your own understanding.
"""

import jax, jax.numpy as jnp
import numpy as np
import math

N_Q = 10000
N_IN = 10000
K = 16
D = 128
H = 8
HD = 16
LEN_DIM = 32
TIME_DIM = 32
FC = 64
R_MAX = 0.5
R_MIN = 0.05
E = N_Q * K


def setup_inputs(seed: int = 0) -> dict:
    key = jax.random.key(seed)
    ks = jax.random.split(key, 12)
    return {
        "query_pos": jax.random.uniform(ks[0], (N_Q, 3), dtype=jnp.float32),
        "query_x": jax.random.normal(ks[1], (N_Q, D), dtype=jnp.float32),
        "input_pos": jax.random.uniform(ks[2], (N_IN, 3), dtype=jnp.float32),
        "input_x": jax.random.normal(ks[3], (N_IN, D), dtype=jnp.float32),
        "time_emb": jax.random.normal(ks[4], (1, TIME_DIM), dtype=jnp.float32),
        "W_r1": jax.random.normal(ks[5], (LEN_DIM + TIME_DIM, FC), dtype=jnp.float32) * 0.1,
        "b_r1": jnp.zeros((FC,), dtype=jnp.float32),
        "W_r2": jax.random.normal(ks[6], (FC, D), dtype=jnp.float32) * 0.1,
        "b_r2": jnp.zeros((D,), dtype=jnp.float32),
        "W_val": jax.random.normal(ks[7], (D, D), dtype=jnp.float32) * (1.0 / math.sqrt(D)),
        "W_alpha": jax.random.normal(ks[8], (H, HD), dtype=jnp.float32) * 0.1,
        "W_sh": jax.random.normal(ks[9], (H, 4), dtype=jnp.float32) * 0.1,
        "W_skip": jax.random.normal(ks[10], (D, D), dtype=jnp.float32) * (1.0 / math.sqrt(D)),
        "b_out": jnp.zeros((D,), dtype=jnp.float32),
        "query_b": jnp.zeros((N_Q,), dtype=jnp.int32),
    }


def _knn(qpos, ipos, k):
    # chunked brute-force kNN (RadiusBipartite graph parser with max_neighbor)
    n_chunks = 10
    chunks = qpos.reshape(n_chunks, N_Q // n_chunks, 3)
    def chunk_fn(qc):
        d2 = jnp.sum((qc[:, None, :] - ipos[None, :, :]) ** 2, axis=-1)
        _, idx = jax.lax.top_k(-d2, k)
        return idx
    idx = jax.lax.map(chunk_fn, chunks)
    return idx.reshape(-1, k)


def _sinusoidal(r, dim):
    half = dim // 2
    freqs = jnp.exp(-math.log(10000.0) * jnp.arange(half, dtype=jnp.float32) / (half - 1))
    a = r[:, None] * freqs[None, :]
    return jnp.concatenate([jnp.sin(a), jnp.cos(a)], axis=-1)


def _forward(query_pos, query_x, input_pos, input_x, time_emb, W_r1, b_r1, W_r2, b_r2,
             W_val, W_alpha, W_sh, W_skip, b_out, query_b, edge_src, edge_dst):
    # geometry / edge attributes (spherical harmonics l=0 + l=1)
    vec = input_pos[edge_src] - query_pos[edge_dst]
    r = jnp.sqrt(jnp.sum(vec ** 2, axis=-1) + 1e-12)
    unit = vec / r[:, None]
    sh = jnp.concatenate([jnp.ones((E, 1), dtype=vec.dtype), unit], axis=-1)
    # smooth radial cutoffs (r_maxcut cosine cutoff, r_mincut_nonscalar soft mincut)
    w_edge = jnp.where(r < R_MAX, 0.5 * (jnp.cos(jnp.pi * r / R_MAX) + 1.0), 0.0)
    w_edge = w_edge * jax.nn.sigmoid((r - R_MIN) / (0.1 * R_MIN))
    # edge scalars: sinusoidal length embedding cat time embedding (index_select by b then edge_dst)
    len_emb = _sinusoidal(r, LEN_DIM)
    t = time_emb[query_b][edge_dst]
    edge_scalars = jnp.concatenate([len_emb, t], axis=-1)
    radial = jax.nn.relu(edge_scalars @ W_r1 + b_r1) @ W_r2 + b_r2
    # per-edge value messages gathered from src nodes, gated by radial MLP
    v = (input_x[edge_src] @ W_val) * jax.nn.silu(radial)
    vh = v.reshape(E, H, HD)
    # mlp-attention logits per head + sh-conditioned term
    logit = jax.nn.leaky_relu(jnp.einsum("ehd,hd->eh", vh, W_alpha), 0.2)
    logit = logit + jnp.einsum("ec,hc->eh", sh, W_sh)
    logit = jnp.where((r < R_MAX)[:, None], logit, -1e9)
    # segment softmax over destination nodes
    mx = jax.ops.segment_max(logit, edge_dst, num_segments=N_Q)
    ex = jnp.exp(logit - mx[edge_dst])
    den = jax.ops.segment_sum(ex, edge_dst, num_segments=N_Q) + 1e-9
    alpha = ex / den[edge_dst]
    msg = vh * alpha[:, :, None] * w_edge[:, None, None]
    out = jax.ops.segment_sum(msg.reshape(E, D), edge_dst, num_segments=N_Q)
    # skip connection on dst (query) features + output projection bias
    out = out + query_x @ W_skip + b_out
    return out


def reference(query_pos, query_x, input_pos, input_x, time_emb, W_r1, b_r1, W_r2, b_r2,
              W_val, W_alpha, W_sh, W_skip, b_out, query_b):
    idx = _knn(query_pos, input_pos, K)
    edge_src = idx.reshape(-1)
    edge_dst = jnp.repeat(jnp.arange(N_Q, dtype=jnp.int32), K)
    return _forward(query_pos, query_x, input_pos, input_x, time_emb, W_r1, b_r1, W_r2, b_r2,
                    W_val, W_alpha, W_sh, W_skip, b_out, query_b, edge_src, edge_dst)

if __name__ == "__main__":
    import jax
    _d = setup_inputs()
    print(jax.jit(kernel)(*tuple(_d.values())))

</pallas_src>

<mosaic_0001>
#map = affine_map<(d0, d1) -> (0, 0)>
#map1 = affine_map<(d0, d1) -> (0)>
module attributes {stable_mosaic.version = 14 : i64} {
  func.func @gather(%arg0: i32, %arg1: i32, %arg2: memref<10000x256xf32, #tpu.memory_space<hbm>>, %arg3: memref<81920xi32, #tpu.memory_space<hbm>>, %arg4: memref<81920x256xf32, #tpu.memory_space<hbm>>, %arg5: memref<2560xi32, #tpu.memory_space<vmem>>, %arg6: memref<256x256xf32, #tpu.memory_space<vmem>>, %arg7: memref<!tpu.dma_semaphore, #tpu.memory_space<semaphore_mem>>) attributes {dimension_semantics = [#tpu.dimension_semantics<core_parallel>, #tpu.dimension_semantics<subcore_parallel>], iteration_bounds = array<i64: 2, 16>, scalar_prefetch = 0 : i64, scratch_operands = 3 : i64, tpu.core_type = #tpu.core_type<sc_vector_subcore>, window_params = [{transform_indices = #map}, {transform_indices = #map1}, {transform_indices = #map}]} {
    %mul3A = arith.constant 2 : i32
    %mul3A_0 = arith.muli %arg1, %mul3A : i32
    %add3A = arith.addi %mul3A_0, %arg0 : i32
    %mul3A_1 = arith.constant 20 : i32
    %mul3A_2 = arith.muli %add3A, %mul3A_1 : i32
    %mul3A_3 = arith.constant 128 : i32
    %mul3A_4 = arith.muli %mul3A_2, %mul3A_3 : i32
    "tpu.region"() ({
      %run_scoped3A = tpu.sem_alloc : memref<!tpu.dma_semaphore, #tpu.memory_space<semaphore_mem>>
      %dma_start3A = tpu.memref_slice %arg3[%mul3A_4] : memref<81920xi32, #tpu.memory_space<hbm>> -> memref<2560xi32, #tpu.memory_space<hbm>>
      %dma_start3A_10 = tpu.memref_slice %arg3[%mul3A_4] : memref<81920xi32, #tpu.memory_space<hbm>> -> memref<2560xi32, #tpu.memory_space<hbm>>
      tpu.enqueue_dma source(%dma_start3A_10 : memref<2560xi32, #tpu.memory_space<hbm>>) target(%arg5 : memref<2560xi32, #tpu.memory_space<vmem>>) target_semaphore(%run_scoped3A : memref<!tpu.dma_semaphore, #tpu.memory_space<semaphore_mem>>)
      %dma_wait3A = tpu.memref_slice %arg3[%mul3A_4] : memref<81920xi32, #tpu.memory_space<hbm>> -> memref<2560xi32, #tpu.memory_space<hbm>>
      %dma_wait3A_11 = tpu.memref_slice %arg3[%mul3A_4] : memref<81920xi32, #tpu.memory_space<hbm>> -> memref<2560xi32, #tpu.memory_space<hbm>>
      tpu.wait_dma2 semaphore(%run_scoped3A : memref<!tpu.dma_semaphore, #tpu.memory_space<semaphore_mem>>) src(%dma_wait3A_11 : memref<2560xi32, #tpu.memory_space<hbm>>) dst(%arg5 : memref<2560xi32, #tpu.memory_space<vmem>>)
      tpu.yield
    }) : () -> ()
    %scan3A = arith.constant 0 : i32
    %scan3A_5 = arith.constant 0 : i32
    %scan3A_6 = arith.constant 10 : i32
    %scan3A_7 = arith.addi %scan3A_5, %scan3A_6 : i32
    %scan3A_8 = arith.constant 1 : i32
    scf.for %scan3A_10 = %scan3A_5 to %scan3A_7 step %scan3A_8  : i32 {
      %mul3A_11 = arith.constant 2 : i32
      %mul3A_12 = arith.muli %scan3A_10, %mul3A_11 : i32
      %add3A_13 = arith.constant 0 : i32
      %add3A_14 = arith.addi %mul3A_12, %add3A_13 : i32
      %mul3A_15 = arith.constant 128 : i32
      %mul3A_16 = arith.muli %add3A_14, %mul3A_15 : i32
      %dma_start3A = arith.constant 0 : i32
      %dma_start3A_17 = arith.constant 0 : i32
      %dma_start3A_18 = tpu.memref_slice %arg6[%dma_start3A, %dma_start3A_17] : memref<256x256xf32, #tpu.memory_space<vmem>> -> memref<128x256xf32, #tpu.memory_space<vmem>>
      %dma_start3A_19 = tpu.memref_slice %arg5[%mul3A_16] : memref<2560xi32, #tpu.memory_space<vmem>> -> memref<128xi32, #tpu.memory_space<vmem>>
      %dma_start3A_20 = arith.constant 0 : i32
      %dma_start3A_21 = arith.constant 0 : i32
      %dma_start3A_22 = tpu.memref_slice %arg2[%dma_start3A_20, %dma_start3A_21] : memref<10000x256xf32, #tpu.memory_space<hbm>> -> memref<10000x256xf32, #tpu.memory_space<hbm>>
      tpu.enqueue_indirect_dma source(%dma_start3A_22 : memref<10000x256xf32, #tpu.memory_space<hbm>>) target(%dma_start3A_18 : memref<128x256xf32, #tpu.memory_space<vmem>>) offsets(%dma_start3A_19 : memref<128xi32, #tpu.memory_space<vmem>>) semaphore(%arg7 : memref<!tpu.dma_semaphore, #tpu.memory_space<semaphore_mem>>)
      %mul3A_23 = arith.constant 2 : i32
      %mul3A_24 = arith.muli %scan3A_10, %mul3A_23 : i32
      %add3A_25 = arith.constant 1 : i32
      %add3A_26 = arith.addi %mul3A_24, %add3A_25 : i32
      %mul3A_27 = arith.constant 128 : i32
      %mul3A_28 = arith.muli %add3A_26, %mul3A_27 : i32
      %dma_start3A_29 = arith.constant 128 : i32
      %dma_start3A_30 = arith.constant 0 : i32
      %dma_start3A_31 = tpu.memref_slice %arg6[%dma_start3A_29, %dma_start3A_30] : memref<256x256xf32, #tpu.memory_space<vmem>> -> memref<128x256xf32, #tpu.memory_space<vmem>>
      %dma_start3A_32 = tpu.memref_slice %arg5[%mul3A_28] : memref<2560xi32, #tpu.memory_space<vmem>> -> memref<128xi32, #tpu.memory_space<vmem>>
      %dma_start3A_33 = arith.constant 0 : i32
      %dma_start3A_34 = arith.constant 0 : i32
      %dma_start3A_35 = tpu.memref_slice %arg2[%dma_start3A_33, %dma_start3A_34] : memref<10000x256xf32, #tpu.memory_space<hbm>> -> memref<10000x256xf32, #tpu.memory_space<hbm>>
      tpu.enqueue_indirect_dma source(%dma_start3A_35 : memref<10000x256xf32, #tpu.memory_space<hbm>>) target(%dma_start3A_31 : memref<128x256xf32, #tpu.memory_space<vmem>>) offsets(%dma_start3A_32 : memref<128xi32, #tpu.memory_space<vmem>>) semaphore(%arg7 : memref<!tpu.dma_semaphore, #tpu.memory_space<semaphore_mem>>)
      %dma_wait3A = arith.constant 0 : i32
      %dma_wait3A_36 = arith.constant 0 : i32
      %dma_wait3A_37 = tpu.memref_slice %arg6[%dma_wait3A, %dma_wait3A_36] : memref<256x256xf32, #tpu.memory_space<vmem>> -> memref<128x256xf32, #tpu.memory_space<vmem>>
      %dma_wait3A_38 = tpu.memref_slice %arg5[%mul3A_16] : memref<2560xi32, #tpu.memory_space<vmem>> -> memref<128xi32, #tpu.memory_space<vmem>>
      %dma_wait3A_39 = arith.constant 0 : i32
      %dma_wait3A_40 = arith.constant 0 : i32
      %dma_wait3A_41 = tpu.memref_slice %arg2[%dma_wait3A_39, %dma_wait3A_40] : memref<10000x256xf32, #tpu.memory_space<hbm>> -> memref<10000x256xf32, #tpu.memory_space<hbm>>
      tpu.wait_indirect_dma semaphore(%arg7 : memref<!tpu.dma_semaphore, #tpu.memory_space<semaphore_mem>>) src(%dma_wait3A_41 : memref<10000x256xf32, #tpu.memory_space<hbm>>) dst(%dma_wait3A_37 : memref<128x256xf32, #tpu.memory_space<vmem>>)
      %dma_wait3A_42 = arith.constant 128 : i32
      %dma_wait3A_43 = arith.constant 0 : i32
      %dma_wait3A_44 = tpu.memref_slice %arg6[%dma_wait3A_42, %dma_wait3A_43] : memref<256x256xf32, #tpu.memory_space<vmem>> -> memref<128x256xf32, #tpu.memory_space<vmem>>
      %dma_wait3A_45 = tpu.memref_slice %arg5[%mul3A_28] : memref<2560xi32, #tpu.memory_space<vmem>> -> memref<128xi32, #tpu.memory_space<vmem>>
      %dma_wait3A_46 = arith.constant 0 : i32
      %dma_wait3A_47 = arith.constant 0 : i32
      %dma_wait3A_48 = tpu.memref_slice %arg2[%dma_wait3A_46, %dma_wait3A_47] : memref<10000x256xf32, #tpu.memory_space<hbm>> -> memref<10000x256xf32, #tpu.memory_space<hbm>>
      tpu.wait_indirect_dma semaphore(%arg7 : memref<!tpu.dma_semaphore, #tpu.memory_space<semaphore_mem>>) src(%dma_wait3A_48 : memref<10000x256xf32, #tpu.memory_space<hbm>>) dst(%dma_wait3A_44 : memref<128x256xf32, #tpu.memory_space<vmem>>)
      %mul3A_49 = arith.constant 2 : i32
      %mul3A_50 = arith.muli %scan3A_10, %mul3A_49 : i32
      %mul3A_51 = arith.constant 128 : i32
      %mul3A_52 = arith.muli %mul3A_50, %mul3A_51 : i32
      %add3A_53 = arith.addi %mul3A_4, %mul3A_52 : i32
      "tpu.region"() ({
        %run_scoped3A = tpu.sem_alloc : memref<!tpu.dma_semaphore, #tpu.memory_space<semaphore_mem>>
        %dma_start3A_54 = arith.constant 0 : i32
        %dma_start3A_55 = tpu.memref_slice %arg4[%add3A_53, %dma_start3A_54] : memref<81920x256xf32, #tpu.memory_space<hbm>> -> memref<256x256xf32, #tpu.memory_space<hbm>>
        %dma_start3A_56 = arith.constant 0 : i32
        %dma_start3A_57 = tpu.memref_slice %arg4[%add3A_53, %dma_start3A_56] : memref<81920x256xf32, #tpu.memory_space<hbm>> -> memref<256x256xf32, #tpu.memory_space<hbm>>
        tpu.enqueue_dma source(%arg6 : memref<256x256xf32, #tpu.memory_space<vmem>>) target(%dma_start3A_57 : memref<256x256xf32, #tpu.memory_space<hbm>>) target_semaphore(%run_scoped3A : memref<!tpu.dma_semaphore, #tpu.memory_space<semaphore_mem>>)
        %dma_wait3A_58 = arith.constant 0 : i32
        %dma_wait3A_59 = tpu.memref_slice %arg4[%add3A_53, %dma_wait3A_58] : memref<81920x256xf32, #tpu.memory_space<hbm>> -> memref<256x256xf32, #tpu.memory_space<hbm>>
        %dma_wait3A_60 = arith.constant 0 : i32
        %dma_wait3A_61 = tpu.memref_slice %arg4[%add3A_53, %dma_wait3A_60] : memref<81920x256xf32, #tpu.memory_space<hbm>> -> memref<256x256xf32, #tpu.memory_space<hbm>>
        tpu.wait_dma2 semaphore(%run_scoped3A : memref<!tpu.dma_semaphore, #tpu.memory_space<semaphore_mem>>) src(%arg6 : memref<256x256xf32, #tpu.memory_space<vmem>>) dst(%dma_wait3A_61 : memref<256x256xf32, #tpu.memory_space<hbm>>)
        tpu.yield
      }) : () -> ()
    }
    %scan3A_9 = arith.constant 10 : i32
    return
  }
}

#map = affine_map<(d0, d1) -> (0, 0)>
#map1 = affine_map<(d0, d1) -> (0)>
module attributes {stable_mosaic.version = 14 : i64} {
  func.func @gather(%arg0: i32, %arg1: i32, %arg2: memref<10000x256xf32, #tpu.memory_space<hbm>>, %arg3: memref<81920xi32, #tpu.memory_space<hbm>>, %arg4: memref<81920x256xf32, #tpu.memory_space<hbm>>, %arg5: memref<2560xi32, #tpu.memory_space<vmem>>, %arg6: memref<256x256xf32, #tpu.memory_space<vmem>>, %arg7: memref<!tpu.dma_semaphore, #tpu.memory_space<semaphore_mem>>) attributes {dimension_semantics = [#tpu.dimension_semantics<core_parallel>, #tpu.dimension_semantics<subcore_parallel>], iteration_bounds = array<i64: 2, 16>, scalar_prefetch = 0 : i64, scratch_operands = 3 : i64, tpu.core_type = #tpu.core_type<sc_vector_subcore>, window_params = [{transform_indices = #map}, {transform_indices = #map1}, {transform_indices = #map}]} {
    %mul3A = arith.constant 2 : i32
    %mul3A_0 = arith.muli %arg1, %mul3A : i32
    %add3A = arith.addi %mul3A_0, %arg0 : i32
    %mul3A_1 = arith.constant 20 : i32
    %mul3A_2 = arith.muli %add3A, %mul3A_1 : i32
    %mul3A_3 = arith.constant 128 : i32
    %mul3A_4 = arith.muli %mul3A_2, %mul3A_3 : i32
    "tpu.region"() ({
      %run_scoped3A = tpu.sem_alloc : memref<!tpu.dma_semaphore, #tpu.memory_space<semaphore_mem>>
      %dma_start3A = tpu.memref_slice %arg3[%mul3A_4] : memref<81920xi32, #tpu.memory_space<hbm>> -> memref<2560xi32, #tpu.memory_space<hbm>>
      %dma_start3A_10 = tpu.memref_slice %arg3[%mul3A_4] : memref<81920xi32, #tpu.memory_space<hbm>> -> memref<2560xi32, #tpu.memory_space<hbm>>
      tpu.enqueue_dma source(%dma_start3A_10 : memref<2560xi32, #tpu.memory_space<hbm>>) target(%arg5 : memref<2560xi32, #tpu.memory_space<vmem>>) target_semaphore(%run_scoped3A : memref<!tpu.dma_semaphore, #tpu.memory_space<semaphore_mem>>)
      %dma_wait3A = tpu.memref_slice %arg3[%mul3A_4] : memref<81920xi32, #tpu.memory_space<hbm>> -> memref<2560xi32, #tpu.memory_space<hbm>>
      %dma_wait3A_11 = tpu.memref_slice %arg3[%mul3A_4] : memref<81920xi32, #tpu.memory_space<hbm>> -> memref<2560xi32, #tpu.memory_space<hbm>>
      tpu.wait_dma2 semaphore(%run_scoped3A : memref<!tpu.dma_semaphore, #tpu.memory_space<semaphore_mem>>) src(%dma_wait3A_11 : memref<2560xi32, #tpu.memory_space<hbm>>) dst(%arg5 : memref<2560xi32, #tpu.memory_space<vmem>>)
      tpu.yield
    }) : () -> ()
    %scan3A = arith.constant 0 : i32
    %scan3A_5 = arith.constant 0 : i32
    %scan3A_6 = arith.constant 10 : i32
    %scan3A_7 = arith.addi %scan3A_5, %scan3A_6 : i32
    %scan3A_8 = arith.constant 1 : i32
    scf.for %scan3A_10 = %scan3A_5 to %scan3A_7 step %scan3A_8  : i32 {
      %mul3A_11 = arith.constant 2 : i32
      %mul3A_12 = arith.muli %scan3A_10, %mul3A_11 : i32
      %add3A_13 = arith.constant 0 : i32
      %add3A_14 = arith.addi %mul3A_12, %add3A_13 : i32
      %mul3A_15 = arith.constant 128 : i32
      %mul3A_16 = arith.muli %add3A_14, %mul3A_15 : i32
      %dma_start3A = arith.constant 0 : i32
      %dma_start3A_17 = arith.constant 0 : i32
      %dma_start3A_18 = tpu.memref_slice %arg6[%dma_start3A, %dma_start3A_17] : memref<256x256xf32, #tpu.memory_space<vmem>> -> memref<128x256xf32, #tpu.memory_space<vmem>>
      %dma_start3A_19 = tpu.memref_slice %arg5[%mul3A_16] : memref<2560xi32, #tpu.memory_space<vmem>> -> memref<128xi32, #tpu.memory_space<vmem>>
      %dma_start3A_20 = arith.constant 0 : i32
      %dma_start3A_21 = arith.constant 0 : i32
      %dma_start3A_22 = tpu.memref_slice %arg2[%dma_start3A_20, %dma_start3A_21] : memref<10000x256xf32, #tpu.memory_space<hbm>> -> memref<10000x256xf32, #tpu.memory_space<hbm>>
      tpu.enqueue_indirect_dma source(%dma_start3A_22 : memref<10000x256xf32, #tpu.memory_space<hbm>>) target(%dma_start3A_18 : memref<128x256xf32, #tpu.memory_space<vmem>>) offsets(%dma_start3A_19 : memref<128xi32, #tpu.memory_space<vmem>>) semaphore(%arg7 : memref<!tpu.dma_semaphore, #tpu.memory_space<semaphore_mem>>)
      %mul3A_23 = arith.constant 2 : i32
      %mul3A_24 = arith.muli %scan3A_10, %mul3A_23 : i32
      %add3A_25 = arith.constant 1 : i32
      %add3A_26 = arith.addi %mul3A_24, %add3A_25 : i32
      %mul3A_27 = arith.constant 128 : i32
      %mul3A_28 = arith.muli %add3A_26, %mul3A_27 : i32
      %dma_start3A_29 = arith.constant 128 : i32
      %dma_start3A_30 = arith.constant 0 : i32
      %dma_start3A_31 = tpu.memref_slice %arg6[%dma_start3A_29, %dma_start3A_30] : memref<256x256xf32, #tpu.memory_space<vmem>> -> memref<128x256xf32, #tpu.memory_space<vmem>>
      %dma_start3A_32 = tpu.memref_slice %arg5[%mul3A_28] : memref<2560xi32, #tpu.memory_space<vmem>> -> memref<128xi32, #tpu.memory_space<vmem>>
      %dma_start3A_33 = arith.constant 0 : i32
      %dma_start3A_34 = arith.constant 0 : i32
      %dma_start3A_35 = tpu.memref_slice %arg2[%dma_start3A_33, %dma_start3A_34] : memref<10000x256xf32, #tpu.memory_space<hbm>> -> memref<10000x256xf32, #tpu.memory_space<hbm>>
      tpu.enqueue_indirect_dma source(%dma_start3A_35 : memref<10000x256xf32, #tpu.memory_space<hbm>>) target(%dma_start3A_31 : memref<128x256xf32, #tpu.memory_space<vmem>>) offsets(%dma_start3A_32 : memref<128xi32, #tpu.memory_space<vmem>>) semaphore(%arg7 : memref<!tpu.dma_semaphore, #tpu.memory_space<semaphore_mem>>)
      %dma_wait3A = arith.constant 0 : i32
      %dma_wait3A_36 = arith.constant 0 : i32
      %dma_wait3A_37 = tpu.memref_slice %arg6[%dma_wait3A, %dma_wait3A_36] : memref<256x256xf32, #tpu.memory_space<vmem>> -> memref<128x256xf32, #tpu.memory_space<vmem>>
      %dma_wait3A_38 = tpu.memref_slice %arg5[%mul3A_16] : memref<2560xi32, #tpu.memory_space<vmem>> -> memref<128xi32, #tpu.memory_space<vmem>>
      %dma_wait3A_39 = arith.constant 0 : i32
      %dma_wait3A_40 = arith.constant 0 : i32
      %dma_wait3A_41 = tpu.memref_slice %arg2[%dma_wait3A_39, %dma_wait3A_40] : memref<10000x256xf32, #tpu.memory_space<hbm>> -> memref<10000x256xf32, #tpu.memory_space<hbm>>
      tpu.wait_indirect_dma semaphore(%arg7 : memref<!tpu.dma_semaphore, #tpu.memory_space<semaphore_mem>>) src(%dma_wait3A_41 : memref<10000x256xf32, #tpu.memory_space<hbm>>) dst(%dma_wait3A_37 : memref<128x256xf32, #tpu.memory_space<vmem>>)
      %dma_wait3A_42 = arith.constant 128 : i32
      %dma_wait3A_43 = arith.constant 0 : i32
      %dma_wait3A_44 = tpu.memref_slice %arg6[%dma_wait3A_42, %dma_wait3A_43] : memref<256x256xf32, #tpu.memory_space<vmem>> -> memref<128x256xf32, #tpu.memory_space<vmem>>
      %dma_wait3A_45 = tpu.memref_slice %arg5[%mul3A_28] : memref<2560xi32, #tpu.memory_space<vmem>> -> memref<128xi32, #tpu.memory_space<vmem>>
      %dma_wait3A_46 = arith.constant 0 : i32
      %dma_wait3A_47 = arith.constant 0 : i32
      %dma_wait3A_48 = tpu.memref_slice %arg2[%dma_wait3A_46, %dma_wait3A_47] : memref<10000x256xf32, #tpu.memory_space<hbm>> -> memref<10000x256xf32, #tpu.memory_space<hbm>>
      tpu.wait_indirect_dma semaphore(%arg7 : memref<!tpu.dma_semaphore, #tpu.memory_space<semaphore_mem>>) src(%dma_wait3A_48 : memref<10000x256xf32, #tpu.memory_space<hbm>>) dst(%dma_wait3A_44 : memref<128x256xf32, #tpu.memory_space<vmem>>)
      %mul3A_49 = arith.constant 2 : i32
      %mul3A_50 = arith.muli %scan3A_10, %mul3A_49 : i32
      %mul3A_51 = arith.constant 128 : i32
      %mul3A_52 = arith.muli %mul3A_50, %mul3A_51 : i32
      %add3A_53 = arith.addi %mul3A_4, %mul3A_52 : i32
      "tpu.region"() ({
        %run_scoped3A = tpu.sem_alloc : memref<!tpu.dma_semaphore, #tpu.memory_space<semaphore_mem>>
        %dma_start3A_54 = arith.constant 0 : i32
        %dma_start3A_55 = tpu.memref_slice %arg4[%add3A_53, %dma_start3A_54] : memref<81920x256xf32, #tpu.memory_space<hbm>> -> memref<256x256xf32, #tpu.memory_space<hbm>>
        %dma_start3A_56 = arith.constant 0 : i32
        %dma_start3A_57 = tpu.memref_slice %arg4[%add3A_53, %dma_start3A_56] : memref<81920x256xf32, #tpu.memory_space<hbm>> -> memref<256x256xf32, #tpu.memory_space<hbm>>
        tpu.enqueue_dma source(%arg6 : memref<256x256xf32, #tpu.memory_space<vmem>>) target(%dma_start3A_57 : memref<256x256xf32, #tpu.memory_space<hbm>>) target_semaphore(%run_scoped3A : memref<!tpu.dma_semaphore, #tpu.memory_space<semaphore_mem>>)
        %dma_wait3A_58 = arith.constant 0 : i32
        %dma_wait3A_59 = tpu.memref_slice %arg4[%add3A_53, %dma_wait3A_58] : memref<81920x256xf32, #tpu.memory_space<hbm>> -> memref<256x256xf32, #tpu.memory_space<hbm>>
        %dma_wait3A_60 = arith.constant 0 : i32
        %dma_wait3A_61 = tpu.memref_slice %arg4[%add3A_53, %dma_wait3A_60] : memref<81920x256xf32, #tpu.memory_space<hbm>> -> memref<256x256xf32, #tpu.memory_space<hbm>>
        tpu.wait_dma2 semaphore(%run_scoped3A : memref<!tpu.dma_semaphore, #tpu.memory_space<semaphore_mem>>) src(%arg6 : memref<256x256xf32, #tpu.memory_space<vmem>>) dst(%dma_wait3A_61 : memref<256x256xf32, #tpu.memory_space<hbm>>)
        tpu.yield
      }) : () -> ()
    }
    %scan3A_9 = arith.constant 10 : i32
    return
  }
}

module attributes {stable_mosaic.version = 14 : i64} {
  func.func @_knn_body(%arg0: i32, %arg1: memref<200x3xf32, #tpu.memory_space<vmem>>, %arg2: memref<3x10000xf32, #tpu.memory_space<vmem>>, %arg3: memref<200x16xi32, #tpu.memory_space<vmem>>, %arg4: memref<200x16xf32, #tpu.memory_space<vmem>>) attributes {dimension_semantics = [#tpu.dimension_semantics<arbitrary>], iteration_bounds = array<i64: 25>, scalar_prefetch = 0 : i64, scratch_operands = 0 : i64, tpu.core_type = #tpu.core_type<tc>, window_params = [{transform_indices = @transform_0, window_bounds = array<i64: 200, 3>}, {pipeline_mode = #tpu.pipeline_mode<synchronous>, transform_indices = @transform_1, window_bounds = array<i64: 3, 10000>}, {transform_indices = @transform_2, window_bounds = array<i64: 200, 16>}, {transform_indices = @transform_3, window_bounds = array<i64: 200, 16>}]} {
    %get3A = arith.constant 0 : index
    %get3A_0 = arith.constant 0 : index
    %get3A_1 = vector.load %arg1[%get3A, %get3A_0] : memref<200x3xf32, #tpu.memory_space<vmem>>, vector<200x3xf32>
    %get3A_2 = arith.constant 0 : index
    %get3A_3 = arith.constant 0 : index
    %get3A_4 = vector.load %arg2[%get3A_2, %get3A_3] : memref<3x10000xf32, #tpu.memory_space<vmem>>, vector<3x10000xf32>
    %slice3A = vector.extract_strided_slice %get3A_4 {offsets = [0, 0], sizes = [1, 10000], strides = [1, 1]} : vector<3x10000xf32> to vector<1x10000xf32>
    %slice3A_5 = vector.extract_strided_slice %get3A_1 {offsets = [0, 0], sizes = [200, 1], strides = [1, 1]} : vector<200x3xf32> to vector<200x1xf32>
    %sub3A = vector.broadcast %slice3A : vector<1x10000xf32> to vector<200x10000xf32>
    %sub3A_6 = vector.broadcast %slice3A_5 : vector<200x1xf32> to vector<200x10000xf32>
    %sub3A_7 = arith.subf %sub3A, %sub3A_6 : vector<200x10000xf32>
    %mul3A = arith.mulf %sub3A_7, %sub3A_7 : vector<200x10000xf32>
    %slice3A_8 = vector.extract_strided_slice %get3A_4 {offsets = [1, 0], sizes = [1, 10000], strides = [1, 1]} : vector<3x10000xf32> to vector<1x10000xf32>
    %slice3A_9 = vector.extract_strided_slice %get3A_1 {offsets = [0, 1], sizes = [200, 1], strides = [1, 1]} : vector<200x3xf32> to vector<200x1xf32>
    %sub3A_10 = vector.broadcast %slice3A_8 : vector<1x10000xf32> to vector<200x10000xf32>
    %sub3A_11 = vector.broadcast %slice3A_9 : vector<200x1xf32> to vector<200x10000xf32>
    %sub3A_12 = arith.subf %sub3A_10, %sub3A_11 : vector<200x10000xf32>
    %mul3A_13 = arith.mulf %sub3A_12, %sub3A_12 : vector<200x10000xf32>
    %add3A = arith.addf %mul3A, %mul3A_13 : vector<200x10000xf32>
    %slice3A_14 = vector.extract_strided_slice %get3A_4 {offsets = [2, 0], sizes = [1, 10000], strides = [1, 1]} : vector<3x10000xf32> to vector<1x10000xf32>
    %slice3A_15 = vector.extract_strided_slice %get3A_1 {offsets = [0, 2], sizes = [200, 1], strides = [1, 1]} : vector<200x3xf32> to vector<200x1xf32>
    %sub3A_16 = vector.broadcast %slice3A_14 : vector<1x10000xf32> to vector<200x10000xf32>
    %sub3A_17 = vector.broadcast %slice3A_15 : vector<200x1xf32> to vector<200x10000xf32>
    %sub3A_18 = arith.subf %sub3A_16, %sub3A_17 : vector<200x10000xf32>
    %mul3A_19 = arith.mulf %sub3A_18, %sub3A_18 : vector<200x10000xf32>
    %add3A_20 = arith.addf %add3A, %mul3A_19 : vector<200x10000xf32>
    %iota3A = tpu.iota {dimensions = array<i32: 1>} : vector<200x10000xi32>
    %reduce_min3A = arith.constant dense<0x7F800000> : vector<200xf32>
    %reduce_min3A_21 = vector.multi_reduction <minimumf>, %add3A_20, %reduce_min3A [1] : vector<200x10000xf32> to vector<200xf32>
    %broadcast_in_dim3A = vector.shape_cast %reduce_min3A_21 : vector<200xf32> to vector<200x1xf32>
    %eq3A = vector.broadcast %broadcast_in_dim3A : vector<200x1xf32> to vector<200x10000xf32>
    %eq3A_22 = arith.cmpf oeq, %add3A_20, %eq3A : vector<200x10000xf32>
    %jit3A = arith.constant 10000 : i32
    %broadcast_in_dim3A_23 = vector.broadcast %jit3A : i32 to vector<200x10000xi32>
    %select_n3A = arith.select %eq3A_22, %iota3A, %broadcast_in_dim3A_23 : vector<200x10000xi1>, vector<200x10000xi32>
    %reduce_min3A_24 = arith.constant dense<2147483647> : vector<200xi32>
    %reduce_min3A_25 = vector.multi_reduction <minsi>, %select_n3A, %reduce_min3A_24 [1] : vector<200x10000xi32> to vector<200xi32>
    %broadcast_in_dim3A_26 = vector.shape_cast %reduce_min3A_25 : vector<200xi32> to vector<200x1xi32>
    %swap3A = arith.constant 0 : index
    %swap3A_27 = arith.constant 0 : index
    %swap3A_28 = vector.load %arg3[%swap3A, %swap3A_27] : memref<200x16xi32, #tpu.memory_space<vmem>>, vector<200x1xi32>
    tpu.vector_store %arg3[%swap3A, %swap3A_27], %broadcast_in_dim3A_26 {strides = array<i32>} : memref<200x16xi32, #tpu.memory_space<vmem>>, vector<200x1xi32>,
    %swap3A_29 = arith.constant 0 : index
    %swap3A_30 = arith.constant 0 : index
    %swap3A_31 = vector.load %arg4[%swap3A_29, %swap3A_30] : memref<200x16xf32, #tpu.memory_space<vmem>>, vector<200x1xf32>
    tpu.vector_store %arg4[%swap3A_29, %swap3A_30], %broadcast_in_dim3A {strides = array<i32>} : memref<200x16xf32, #tpu.memory_space<vmem>>, vector<200x1xf32>,
    %gt3A = vector.broadcast %broadcast_in_dim3A : vector<200x1xf32> to vector<200x10000xf32>
    %gt3A_32 = arith.cmpf ogt, %add3A_20, %gt3A : vector<200x10000xf32>
    %jit3A_33 = arith.constant 0x7F800000 : f32
    %broadcast_in_dim3A_34 = vector.broadcast %jit3A_33 : f32 to vector<200x10000xf32>
    %select_n3A_35 = arith.select %gt3A_32, %add3A_20, %broadcast_in_dim3A_34 : vector<200x10000xi1>, vector<200x10000xf32>
    %reduce_min3A_36 = arith.constant dense<0x7F800000> : vector<200xf32>
    %reduce_min3A_37 = vector.multi_reduction <minimumf>, %select_n3A_35, %reduce_min3A_36 [1] : vector<200x10000xf32> to vector<200xf32>
    %broadcast_in_dim3A_38 = vector.shape_cast %reduce_min3A_37 : vector<200xf32> to vector<200x1xf32>
    %eq3A_39 = vector.broadcast %broadcast_in_dim3A_38 : vector<200x1xf32> to vector<200x10000xf32>
    %eq3A_40 = arith.cmpf oeq, %add3A_20, %eq3A_39 : vector<200x10000xf32>
    %jit3A_41 = arith.constant 10000 : i32
    %broadcast_in_dim3A_42 = vector.broadcast %jit3A_41 : i32 to vector<200x10000xi32>
    %select_n3A_43 = arith.select %eq3A_40, %iota3A, %broadcast_in_dim3A_42 : vector<200x10000xi1>, vector<200x10000xi32>
    %reduce_min3A_44 = arith.constant dense<2147483647> : vector<200xi32>
    %reduce_min3A_45 = vector.multi_reduction <minsi>, %select_n3A_43, %reduce_min3A_44 [1] : vector<200x10000xi32> to vector<200xi32>
    %broadcast_in_dim3A_46 = vector.shape_cast %reduce_min3A_45 : vector<200xi32> to vector<200x1xi32>
    %swap3A_47 = arith.constant 0 : index
    %swap3A_48 = arith.constant 1 : index
    %swap3A_49 = vector.load %arg3[%swap3A_47, %swap3A_48] : memref<200x16xi32, #tpu.memory_space<vmem>>, vector<200x1xi32>
    tpu.vector_store %arg3[%swap3A_47, %swap3A_48], %broadcast_in_dim3A_46 {strides = array<i32>} : memref<200x16xi32, #tpu.memory_space<vmem>>, vector<200x1xi32>,
    %swap3A_50 = arith.constant 0 : index
    %swap3A_51 = arith.constant 1 : index
    %swap3A_52 = vector.load %arg4[%swap3A_50, %swap3A_51] : memref<200x16xf32, #tpu.memory_space<vmem>>, vector<200x1xf32>
    tpu.vector_store %arg4[%swap3A_50, %swap3A_51], %broadcast_in_dim3A_38 {strides = array<i32>} : memref<200x16xf32, #tpu.memory_space<vmem>>, vector<200x1xf32>,
    %gt3A_53 = vector.broadcast %broadcast_in_dim3A_38 : vector<200x1xf32> to vector<200x10000xf32>
    %gt3A_54 = arith.cmpf ogt, %add3A_20, %gt3A_53 : vector<200x10000xf32>
    %jit3A_55 = arith.constant 0x7F800000 : f32
    %broadcast_in_dim3A_56 = vector.broadcast %jit3A_55 : f32 to vector<200x10000xf32>
    %select_n3A_57 = arith.select %gt3A_54, %add3A_20, %broadcast_in_dim3A_56 : vector<200x10000xi1>, vector<200x10000xf32>
    %reduce_min3A_58 = arith.constant dense<0x7F800000> : vector<200xf32>
    %reduce_min3A_59 = vector.multi_reduction <minimumf>, %select_n3A_57, %reduce_min3A_58 [1] : vector<200x10000xf32> to vector<200xf32>
    %broadcast_in_dim3A_60 = vector.shape_cast %reduce_min3A_59 : vector<200xf32> to vector<200x1xf32>
    %eq3A_61 = vector.broadcast %broadcast_in_dim3A_60 : vector<200x1xf32> to vector<200x10000xf32>
    %eq3A_62 = arith.cmpf oeq, %add3A_20, %eq3A_61 : vector<200x10000xf32>
    %jit3A_63 = arith.constant 10000 : i32
    %broadcast_in_dim3A_64 = vector.broadcast %jit3A_63 : i32 to vector<200x10000xi32>
    %select_n3A_65 = arith.select %eq3A_62, %iota3A, %broadcast_in_dim3A_64 : vector<200x10000xi1>, vector<200x10000xi32>
    %reduce_min3A_66 = arith.constant dense<2147483647> : vector<200xi32>
    %reduce_min3A_67 = vector.multi_reduction <minsi>, %select_n3A_65, %reduce_min3A_66 [1] : vector<200x10000xi32> to vector<200xi32>
    %broadcast_in_dim3A_68 = vector.shape_cast %reduce_min3A_67 : vector<200xi32> to vector<200x1xi32>
    %swap3A_69 = arith.constant 0 : index
    %swap3A_70 = arith.constant 2 : index
    %swap3A_71 = vector.load %arg3[%swap3A_69, %swap3A_70] : memref<200x16xi32, #tpu.memory_space<vmem>>, vector<200x1xi32>
    tpu.vector_store %arg3[%swap3A_69, %swap3A_70], %broadcast_in_dim3A_68 {strides = array<i32>} : memref<200x16xi32, #tpu.memory_space<vmem>>, vector<200x1xi32>,
    %swap3A_72 = arith.constant 0 : index
    %swap3A_73 = arith.constant 2 : index
    %swap3A_74 = vector.load %arg4[%swap3A_72, %swap3A_73] : memref<200x16xf32, #tpu.memory_space<vmem>>, vector<200x1xf32>
    tpu.vector_store %arg4[%swap3A_72, %swap3A_73], %broadcast_in_dim3A_60 {strides = array<i32>} : memref<200x16xf32, #tpu.memory_space<vmem>>, vector<200x1xf32>,
    %gt3A_75 = vector.broadcast %broadcast_in_dim3A_60 : vector<200x1xf32> to vector<200x10000xf32>
    %gt3A_76 = arith.cmpf ogt, %add3A_20, %gt3A_75 : vector<200x10000xf32>
    %jit3A_77 = arith.constant 0x7F800000 : f32
    %broadcast_in_dim3A_78 = vector.broadcast %jit3A_77 : f32 to vector<200x10000xf32>
    %select_n3A_79 = arith.select %gt3A_76, %add3A_20, %broadcast_in_dim3A_78 : vector<200x10000xi1>, vector<200x10000xf32>
    %reduce_min3A_80 = arith.constant dense<0x7F800000> : vector<200xf32>
    %reduce_min3A_81 = vector.multi_reduction <minimumf>, %select_n3A_79, %reduce_min3A_80 [1] : vector<200x10000xf32> to vector<200xf32>
    %broadcast_in_dim3A_82 = vector.shape_cast %reduce_min3A_81 : vector<200xf32> to vector<200x1xf32>
    %eq3A_83 = vector.broadcast %broadcast_in_dim3A_82 : vector<200x1xf32> to vector<200x10000xf32>
    %eq3A_84 = arith.cmpf oeq, %add3A_20, %eq3A_83 : vector<200x10000xf32>
    %jit3A_85 = arith.constant 10000 : i32
    %broadcast_in_dim3A_86 = vector.broadcast %jit3A_85 : i32 to vector<200x10000xi32>
    %select_n3A_87 = arith.select %eq3A_84, %iota3A, %broadcast_in_dim3A_86 : vector<200x10000xi1>, vector<200x10000xi32>
    %reduce_min3A_88 = arith.constant dense<2147483647> : vector<200xi32>
    %reduce_min3A_89 = vector.multi_reduction <minsi>, %select_n3A_87, %reduce_min3A_88 [1] : vector<200x10000xi32> to vector<200xi32>
    %broadcast_in_dim3A_90 = vector.shape_cast %reduce_min3A_89 : vector<200xi32> to vector<200x1xi32>
    %swap3A_91 = arith.constant 0 : index
    %swap3A_92 = arith.constant 3 : index
    %swap3A_93 = vector.load %arg3[%swap3A_91, %swap3A_92] : memref<200x16xi32, #tpu.memory_space<vmem>>, vector<200x1xi32>
    tpu.vector_store %arg3[%swap3A_91, %swap3A_92], %broadcast_in_dim3A_90 {strides = array<i32>} : memref<200x16xi32, #tpu.memory_space<vmem>>, vector<200x1xi32>,
    %swap3A_94 = arith.constant 0 : index
    %swap3A_95 = arith.constant 3 : index
    %swap3A_96 = vector.load %arg4[%swap3A_94, %swap3A_95] : memref<200x16xf32, #tpu.memory_space<vmem>>, vector<200x1xf32>
    tpu.vector_store %arg4[%swap3A_94, %swap3A_95], %broadcast_in_dim3A_82 {strides = array<i32>} : memref<200x16xf32, #tpu.memory_space<vmem>>, vector<200x1xf32>,
    %gt3A_97 = vector.broadcast %broadcast_in_dim3A_82 : vector<200x1xf32> to vector<200x10000xf32>
    %gt3A_98 = arith.cmpf ogt, %add3A_20, %gt3A_97 : vector<200x10000xf32>
    %jit3A_99 = arith.constant 0x7F800000 : f32
    %broadcast_in_dim3A_100 = vector.broadcast %jit3A_99 : f32 to vector<200x10000xf32>
    %select_n3A_101 = arith.select %gt3A_98, %add3A_20, %broadcast_in_dim3A_100 : vector<200x10000xi1>, vector<200x10000xf32>
    %reduce_min3A_102 = arith.constant dense<0x7F800000> : vector<200xf32>
    %reduce_min3A_103 = vector.multi_reduction <minimumf>, %select_n3A_101, %reduce_min3A_102 [1] : vector<200x10000xf32> to vector<200xf32>
    %broadcast_in_dim3A_104 = vector.shape_cast %reduce_min3A_103 : vector<200xf32> to vector<200x1xf32>
    %eq3A_105 = vector.broadcast %broadcast_in_dim3A_104 : vector<200x1xf32> to vector<200x10000xf32>
    %eq3A_106 = arith.cmpf oeq, %add3A_20, %eq3A_105 : vector<200x10000xf32>
    %jit3A_107 = arith.constant 10000 : i32
    %broadcast_in_dim3A_108 = vector.broadcast %jit3A_107 : i32 to vector<200x10000xi32>
    %select_n3A_109 = arith.select %eq3A_106, %iota3A, %broadcast_in_dim3A_108 : vector<200x10000xi1>, vector<200x10000xi32>
    %reduce_min3A_110 = arith.constant dense<2147483647> : vector<200xi32>
    %reduce_min3A_111 = vector.multi_reduction <minsi>, %select_n3A_109, %reduce_min3A_110 [1] : vector<200x10000xi32> to vector<200xi32>
    %broadcast_in_dim3A_112 = vector.shape_cast %reduce_min3A_111 : vector<200xi32> to vector<200x1xi32>
    %swap3A_113 = arith.constant 0 : index
    %swap3A_114 = arith.constant 4 : index
    %swap3A_115 = vector.load %arg3[%swap3A_113, %swap3A_114] : memref<200x16xi32, #tpu.memory_space<vmem>>, vector<200x1xi32>
    tpu.vector_store %arg3[%swap3A_113, %swap3A_114], %broadcast_in_dim3A_112 {strides = array<i32>} : memref<200x16xi32, #tpu.memory_space<vmem>>, vector<200x1xi32>,
    %swap3A_116 = arith.constant 0 : index
    %swap3A_117 = arith.constant 4 : index
    %swap3A_118 = vector.load %arg4[%swap3A_116, %swap3A_117] : memref<200x16xf32, #tpu.memory_space<vmem>>, vector<200x1xf32>
    tpu.vector_store %arg4[%swap3A_116, %swap3A_117], %broadcast_in_dim3A_104 {strides = array<i32>} : memref<200x16xf32, #tpu.memory_space<vmem>>, vector<200x1xf32>,
    %gt3A_119 = vector.broadcast %broadcast_in_dim3A_104 : vector<200x1xf32> to vector<200x10000xf32>
    %gt3A_120 = arith.cmpf ogt, %add3A_20, %gt3A_119 : vector<200x10000xf32>
    %jit3A_121 = arith.constant 0x7F800000 : f32
    %broadcast_in_dim3A_122 = vector.broadcast %jit3A_121 : f32 to vector<200x10000xf32>
    %select_n3A_123 = arith.select %gt3A_120, %add3A_20, %broadcast_in_dim3A_122 : vector<200x10000xi1>, vector<200x10000xf32>
    %reduce_min3A_124 = arith.constant dense<0x7F800000> : vector<200xf32>
    %reduce_min3A_125 = vector.multi_reduction <minimumf>, %select_n3A_123, %reduce_min3A_124 [1] : vector<200x10000xf32> to vector<200xf32>
    %broadcast_in_dim3A_126 = vector.shape_cast %reduce_min3A_125 : vector<200xf32> to vector<200x1xf32>
    %eq3A_127 = vector.broadcast %broadcast_in_dim3A_126 : vector<200x1xf32> to vector<200x10000xf32>
    %eq3A_128 = arith.cmpf oeq, %add3A_20, %eq3A_127 : vector<200x10000xf32>
    %jit3A_129 = arith.constant 10000 : i32
    %broadcast_in_dim3A_130 = vector.broadcast %jit3A_129 : i32 to vector<200x10000xi32>
    %select_n3A_131 = arith.select %eq3A_128, %iota3A, %broadcast_in_dim3A_130 : vector<200x10000xi1>, vector<200x10000xi32>
    %reduce_min3A_132 = arith.constant dense<2147483647> : vector<200xi32>
    %reduce_min3A_133 = vector.multi_reduction <minsi>, %select_n3A_131, %reduce_min3A_132 [1] : vector<200x10000xi32> to vector<200xi32>
    %broadcast_in_dim3A_134 = vector.shape_cast %reduce_min3A_133 : vector<200xi32> to vector<200x1xi32>
    %swap3A_135 = arith.constant 0 : index
    %swap3A_136 = arith.constant 5 : index
    %swap3A_137 = vector.load %arg3[%swap3A_135, %swap3A_136] : memref<200x16xi32, #tpu.memory_space<vmem>>, vector<200x1xi32>
    tpu.vector_store %arg3[%swap3A_135, %swap3A_136], %broadcast_in_dim3A_134 {strides = array<i32>} : memref<200x16xi32, #tpu.memory_space<vmem>>, vector<200x1xi32>,
    %swap3A_138 = arith.constant 0 : index
    %swap3A_139 = arith.constant 5 : index
    %swap3A_140 = vector.load %arg4[%swap3A_138, %swap3A_139] : memref<200x16xf32, #tpu.memory_space<vmem>>, vector<200x1xf32>
    tpu.vector_store %arg4[%swap3A_138, %swap3A_139], %broadcast_in_dim3A_126 {strides = array<i32>} : memref<200x16xf32, #tpu.memory_space<vmem>>, vector<200x1xf32>,
    %gt3A_141 = vector.broadcast %broadcast_in_dim3A_126 : vector<200x1xf32> to vector<200x10000xf32>
    %gt3A_142 = arith.cmpf ogt, %add3A_20, %gt3A_141 : vector<200x10000xf32>
    %jit3A_143 = arith.constant 0x7F800000 : f32
    %broadcast_in_dim3A_144 = vector.broadcast %jit3A_143 : f32 to vector<200x10000xf32>
    %select_n3A_145 = arith.select %gt3A_142, %add3A_20, %broadcast_in_dim3A_144 : vector<200x10000xi1>, vector<200x10000xf32>
    %reduce_min3A_146 = arith.constant dense<0x7F800000> : vector<200xf32>
    %reduce_min3A_147 = vector.multi_reduction <minimumf>, %select_n3A_145, %reduce_min3A_146 [1] : vector<200x10000xf32> to vector<200xf32>
    %broadcast_in_dim3A_148 = vector.shape_cast %reduce_min3A_147 : vector<200xf32> to vector<200x1xf32>
    %eq3A_149 = vector.broadcast %broadcast_in_dim3A_148 : vector<200x1xf32> to vector<200x10000xf32>
    %eq3A_150 = arith.cmpf oeq, %add3A_20, %eq3A_149 : vector<200x10000xf32>
    %jit3A_151 = arith.constant 10000 : i32
    %broadcast_in_dim3A_152 = vector.broadcast %jit3A_151 : i32 to vector<200x10000xi32>
    %select_n3A_153 = arith.select %eq3A_150, %iota3A, %broadcast_in_dim3A_152 : vector<200x10000xi1>, vector<200x10000xi32>
    %reduce_min3A_154 = arith.constant dense<2147483647> : vector<200xi32>
    %reduce_min3A_155 = vector.multi_reduction <minsi>, %select_n3A_153, %reduce_min3A_154 [1] : vector<200x10000xi32> to vector<200xi32>
    %broadcast_in_dim3A_156 = vector.shape_cast %reduce_min3A_155 : vector<200xi32> to vector<200x1xi32>
    %swap3A_157 = arith.constant 0 : index
    %swap3A_158 = arith.constant 6 : index
    %swap3A_159 = vector.load %arg3[%swap3A_157, %swap3A_158] : memref<200x16xi32, #tpu.memory_space<vmem>>, vector<200x1xi32>
    tpu.vector_store %arg3[%swap3A_157, %swap3A_158], %broadcast_in_dim3A_156 {strides = array<i32>} : memref<200x16xi32, #tpu.memory_space<vmem>>, vector<200x1xi32>,
    %swap3A_160 = arith.constant 0 : index
    %swap3A_161 = arith.constant 6 : index
    %swap3A_162 = vector.load %arg4[%swap3A_160, %swap3A_161] : memref<200x16xf32, #tpu.memory_space<vmem>>, vector<200x1xf32>
    tpu.vector_store %arg4[%swap3A_160, %swap3A_161], %broadcast_in_dim3A_148 {strides = array<i32>} : memref<200x16xf32, #tpu.memory_space<vmem>>, vector<200x1xf32>,
    %gt3A_163 = vector.broadcast %broadcast_in_dim3A_148 : vector<200x1xf32> to vector<200x10000xf32>
    %gt3A_164 = arith.cmpf ogt, %add3A_20, %gt3A_163 : vector<200x10000xf32>
    %jit3A_165 = arith.constant 0x7F800000 : f32
    %broadcast_in_dim3A_166 = vector.broadcast %jit3A_165 : f32 to vector<200x10000xf32>
    %select_n3A_167 = arith.select %gt3A_164, %add3A_20, %broadcast_in_dim3A_166 : vector<200x10000xi1>, vector<200x10000xf32>
    %reduce_min3A_168 = arith.constant dense<0x7F800000> : vector<200xf32>
    %reduce_min3A_169 = vector.multi_reduction <minimumf>, %select_n3A_167, %reduce_min3A_168 [1] : vector<200x10000xf32> to vector<200xf32>
    %broadcast_in_dim3A_170 = vector.shape_cast %reduce_min3A_169 : vector<200xf32> to vector<200x1xf32>
    %eq3A_171 = vector.broadcast %broadcast_in_dim3A_170 : vector<200x1xf32> to vector<200x10000xf32>
    %eq3A_172 = arith.cmpf oeq, %add3A_20, %eq3A_171 : vector<200x10000xf32>
    %jit3A_173 = arith.constant 10000 : i32
    %broadcast_in_dim3A_174 = vector.broadcast %jit3A_173 : i32 to vector<200x10000xi32>
    %select_n3A_175 = arith.select %eq3A_172, %iota3A, %broadcast_in_dim3A_174 : vector<200x10000xi1>, vector<200x10000xi32>
    %reduce_min3A_176 = arith.constant dense<2147483647> : vector<200xi32>
    %reduce_min3A_177 = vector.multi_reduction <minsi>, %select_n3A_175, %reduce_min3A_176 [1] : vector<200x10000xi32> to vector<200xi32>
    %broadcast_in_dim3A_178 = vector.shape_cast %reduce_min3A_177 : vector<200xi32> to vector<200x1xi32>
    %swap3A_179 = arith.constant 0 : index
    %swap3A_180 = arith.constant 7 : index
    %swap3A_181 = vector.load %arg3[%swap3A_179, %swap3A_180] : memref<200x16xi32, #tpu.memory_space<vmem>>, vector<200x1xi32>
    tpu.vector_store %arg3[%swap3A_179, %swap3A_180], %broadcast_in_dim3A_178 {strides = array<i32>} : memref<200x16xi32, #tpu.memory_space<vmem>>, vector<200x1xi32>,
    %swap3A_182 = arith.constant 0 : index
    %swap3A_183 = arith.constant 7 : index
    %swap3A_184 = vector.load %arg4[%swap3A_182, %swap3A_183] : memref<200x16xf32, #tpu.memory_space<vmem>>, vector<200x1xf32>
    tpu.vector_store %arg4[%swap3A_182, %swap3A_183], %broadcast_in_dim3A_170 {strides = array<i32>} : memref<200x16xf32, #tpu.memory_space<vmem>>, vector<200x1xf32>,
    %gt3A_185 = vector.broadcast %broadcast_in_dim3A_170 : vector<200x1xf32> to vector<200x10000xf32>
    %gt3A_186 = arith.cmpf ogt, %add3A_20, %gt3A_185 : vector<200x10000xf32>
    %jit3A_187 = arith.constant 0x7F800000 : f32
    %broadcast_in_dim3A_188 = vector.broadcast %jit3A_187 : f32 to vector<200x10000xf32>
    %select_n3A_189 = arith.select %gt3A_186, %add3A_20, %broadcast_in_dim3A_188 : vector<200x10000xi1>, vector<200x10000xf32>
    %reduce_min3A_190 = arith.constant dense<0x7F800000> : vector<200xf32>
    %reduce_min3A_191 = vector.multi_reduction <minimumf>, %select_n3A_189, %reduce_min3A_190 [1] : vector<200x10000xf32> to vector<200xf32>
    %broadcast_in_dim3A_192 = vector.shape_cast %reduce_min3A_191 : vector<200xf32> to vector<200x1xf32>
    %eq3A_193 = vector.broadcast %broadcast_in_dim3A_192 : vector<200x1xf32> to vector<200x10000xf32>
    %eq3A_194 = arith.cmpf oeq, %add3A_20, %eq3A_193 : vector<200x10000xf32>
    %jit3A_195 = arith.constant 10000 : i32
    %broadcast_in_dim3A_196 = vector.broadcast %jit3A_195 : i32 to vector<200x10000xi32>
    %select_n3A_197 = arith.select %eq3A_194, %iota3A, %broadcast_in_dim3A_196 : vector<200x10000xi1>, vector<200x10000xi32>
    %reduce_min3A_198 = arith.constant dense<2147483647> : vector<200xi32>
    %reduce_min3A_199 = vector.multi_reduction <minsi>, %select_n3A_197, %reduce_min3A_198 [1] : vector<200x10000xi32> to vector<200xi32>
    %broadcast_in_dim3A_200 = vector.shape_cast %reduce_min3A_199 : vector<200xi32> to vector<200x1xi32>
    %swap3A_201 = arith.constant 0 : index
    %swap3A_202 = arith.constant 8 : index
    %swap3A_203 = vector.load %arg3[%swap3A_201, %swap3A_202] : memref<200x16xi32, #tpu.memory_space<vmem>>, vector<200x1xi32>
    tpu.vector_store %arg3[%swap3A_201, %swap3A_202], %broadcast_in_dim3A_200 {strides = array<i32>} : memref<200x16xi32, #tpu.memory_space<vmem>>, vector<200x1xi32>,
    %swap3A_204 = arith.constant 0 : index
    %swap3A_205 = arith.constant 8 : index
    %swap3A_206 = vector.load %arg4[%swap3A_204, %swap3A_205] : memref<200x16xf32, #tpu.memory_space<vmem>>, vector<200x1xf32>
    tpu.vector_store %arg4[%swap3A_204, %swap3A_205], %broadcast_in_dim3A_192 {strides = array<i32>} : memref<200x16xf32, #tpu.memory_space<vmem>>, vector<200x1xf32>,
    %gt3A_207 = vector.broadcast %broadcast_in_dim3A_192 : vector<200x1xf32> to vector<200x10000xf32>
    %gt3A_208 = arith.cmpf ogt, %add3A_20, %gt3A_207 : vector<200x10000xf32>
    %jit3A_209 = arith.constant 0x7F800000 : f32
    %broadcast_in_dim3A_210 = vector.broadcast %jit3A_209 : f32 to vector<200x10000xf32>
    %select_n3A_211 = arith.select %gt3A_208, %add3A_20, %broadcast_in_dim3A_210 : vector<200x10000xi1>, vector<200x10000xf32>
    %reduce_min3A_212 = arith.constant dense<0x7F800000> : vector<200xf32>
    %reduce_min3A_213 = vector.multi_reduction <minimumf>, %select_n3A_211, %reduce_min3A_212 [1] : vector<200x10000xf32> to vector<200xf32>
    %broadcast_in_dim3A_214 = vector.shape_cast %reduce_min3A_213 : vector<200xf32> to vector<200x1xf32>
    %eq3A_215 = vector.broadcast %broadcast_in_dim3A_214 : vector<200x1xf32> to vector<200x10000xf32>
    %eq3A_216 = arith.cmpf oeq, %add3A_20, %eq3A_215 : vector<200x10000xf32>
    %jit3A_217 = arith.constant 10000 : i32
    %broadcast_in_dim3A_218 = vector.broadcast %jit3A_217 : i32 to vector<200x10000xi32>
    %select_n3A_219 = arith.select %eq3A_216, %iota3A, %broadcast_in_dim3A_218 : vector<200x10000xi1>, vector<200x10000xi32>
    %reduce_min3A_220 = arith.constant dense<2147483647> : vector<200xi32>
    %reduce_min3A_221 = vector.multi_reduction <minsi>, %select_n3A_219, %reduce_min3A_220 [1] : vector<200x10000xi32> to vector<200xi32>
    %broadcast_in_dim3A_222 = vector.shape_cast %reduce_min3A_221 : vector<200xi32> to vector<200x1xi32>
    %swap3A_223 = arith.constant 0 : index
    %swap3A_224 = arith.constant 9 : index
    %swap3A_225 = vector.load %arg3[%swap3A_223, %swap3A_224] : memref<200x16xi32, #tpu.memory_space<vmem>>, vector<200x1xi32>
    tpu.vector_store %arg3[%swap3A_223, %swap3A_224], %broadcast_in_dim3A_222 {strides = array<i32>} : memref<200x16xi32, #tpu.memory_space<vmem>>, vector<200x1xi32>,
    %swap3A_226 = arith.constant 0 : index
    %swap3A_227 = arith.constant 9 : index
    %swap3A_228 = vector.load %arg4[%swap3A_226, %swap3A_227] : memref<200x16xf32, #tpu.memory_space<vmem>>, vector<200x1xf32>
    tpu.vector_store %arg4[%swap3A_226, %swap3A_227], %broadcast_in_dim3A_214 {strides = array<i32>} : memref<200x16xf32, #tpu.memory_space<vmem>>, vector<200x1xf32>,
    %gt3A_229 = vector.broadcast %broadcast_in_dim3A_214 : vector<200x1xf32> to vector<200x10000xf32>
    %gt3A_230 = arith.cmpf ogt, %add3A_20, %gt3A_229 : vector<200x10000xf32>
    %jit3A_231 = arith.constant 0x7F800000 : f32
    %broadcast_in_dim3A_232 = vector.broadcast %jit3A_231 : f32 to vector<200x10000xf32>
    %select_n3A_233 = arith.select %gt3A_230, %add3A_20, %broadcast_in_dim3A_232 : vector<200x10000xi1>, vector<200x10000xf32>
    %reduce_min3A_234 = arith.constant dense<0x7F800000> : vector<200xf32>
    %reduce_min3A_235 = vector.multi_reduction <minimumf>, %select_n3A_233, %reduce_min3A_234 [1] : vector<200x10000xf32> to vector<200xf32>
    %broadcast_in_dim3A_236 = vector.shape_cast %reduce_min3A_235 : vector<200xf32> to vector<200x1xf32>
    %eq3A_237 = vector.broadcast %broadcast_in_dim3A_236 : vector<200x1xf32> to vector<200x10000xf32>
    %eq3A_238 = arith.cmpf oeq, %add3A_20, %eq3A_237 : vector<200x10000xf32>
    %jit3A_239 = arith.constant 10000 : i32
    %broadcast_in_dim3A_240 = vector.broadcast %jit3A_239 : i32 to vector<200x10000xi32>
    %select_n3A_241 = arith.select %eq3A_238, %iota3A, %broadcast_in_dim3A_240 : vector<200x10000xi1>, vector<200x10000xi32>
    %reduce_min3A_242 = arith.constant dense<2147483647> : vector<200xi32>
    %reduce_min3A_243 = vector.multi_reduction <minsi>, %select_n3A_241, %reduce_min3A_242 [1] : vector<200x10000xi32> to vector<200xi32>
    %broadcast_in_dim3A_244 = vector.shape_cast %reduce_min3A_243 : vector<200xi32> to vector<200x1xi32>
    %swap3A_245 = arith.constant 0 : index
    %swap3A_246 = arith.constant 10 : index
    %swap3A_247 = vector.load %arg3[%swap3A_245, %swap3A_246] : memref<200x16xi32, #tpu.memory_space<vmem>>, vector<200x1xi32>
    tpu.vector_store %arg3[%swap3A_245, %swap3A_246], %broadcast_in_dim3A_244 {strides = array<i32>} : memref<200x16xi32, #tpu.memory_space<vmem>>, vector<200x1xi32>,
    %swap3A_248 = arith.constant 0 : index
    %swap3A_249 = arith.constant 10 : index
    %swap3A_250 = vector.load %arg4[%swap3A_248, %swap3A_249] : memref<200x16xf32, #tpu.memory_space<vmem>>, vector<200x1xf32>
    tpu.vector_store %arg4[%swap3A_248, %swap3A_249], %broadcast_in_dim3A_236 {strides = array<i32>} : memref<200x16xf32, #tpu.memory_space<vmem>>, vector<200x1xf32>,
    %gt3A_251 = vector.broadcast %broadcast_in_dim3A_236 : vector<200x1xf32> to vector<200x10000xf32>
    %gt3A_252 = arith.cmpf ogt, %add3A_20, %gt3A_251 : vector<200x10000xf32>
    %jit3A_253 = arith.constant 0x7F800000 : f32
    %broadcast_in_dim3A_254 = vector.broadcast %jit3A_253 : f32 to vector<200x10000xf32>
    %select_n3A_255 = arith.select %gt3A_252, %add3A_20, %broadcast_in_dim3A_254 : vector<200x10000xi1>, vector<200x10000xf32>
    %reduce_min3A_256 = arith.constant dense<0x7F800000> : vector<200xf32>
    %reduce_min3A_257 = vector.multi_reduction <minimumf>, %select_n3A_255, %reduce_min3A_256 [1] : vector<200x10000xf32> to vector<200xf32>
    %broadcast_in_dim3A_258 = vector.shape_cast %reduce_min3A_257 : vector<200xf32> to vector<200x1xf32>
    %eq3A_259 = vector.broadcast %broadcast_in_dim3A_258 : vector<200x1xf32> to vector<200x10000xf32>
    %eq3A_260 = arith.cmpf oeq, %add3A_20, %eq3A_259 : vector<200x10000xf32>
    %jit3A_261 = arith.constant 10000 : i32
    %broadcast_in_dim3A_262 = vector.broadcast %jit3A_261 : i32 to vector<200x10000xi32>
    %select_n3A_263 = arith.select %eq3A_260, %iota3A, %broadcast_in_dim3A_262 : vector<200x10000xi1>, vector<200x10000xi32>
    %reduce_min3A_264 = arith.constant dense<2147483647> : vector<200xi32>
    %reduce_min3A_265 = vector.multi_reduction <minsi>, %select_n3A_263, %reduce_min3A_264 [1] : vector<200x10000xi32> to vector<200xi32>
    %broadcast_in_dim3A_266 = vector.shape_cast %reduce_min3A_265 : vector<200xi32> to vector<200x1xi32>
    %swap3A_267 = arith.constant 0 : index
    %swap3A_268 = arith.constant 11 : index
    %swap3A_269 = vector.load %arg3[%swap3A_267, %swap3A_268] : memref<200x16xi32, #tpu.memory_space<vmem>>, vector<200x1xi32>
    tpu.vector_store %arg3[%swap3A_267, %swap3A_268], %broadcast_in_dim3A_266 {strides = array<i32>} : memref<200x16xi32, #tpu.memory_space<vmem>>, vector<200x1xi32>,
    %swap3A_270 = arith.constant 0 : index
    %swap3A_271 = arith.constant 11 : index
    %swap3A_272 = vector.load %arg4[%swap3A_270, %swap3A_271] : memref<200x16xf32, #tpu.memory_space<vmem>>, vector<200x1xf32>
    tpu.vector_store %arg4[%swap3A_270, %swap3A_271], %broadcast_in_dim3A_258 {strides = array<i32>} : memref<200x16xf32, #tpu.memory_space<vmem>>, vector<200x1xf32>,
    %gt3A_273 = vector.broadcast %broadcast_in_dim3A_258 : vector<200x1xf32> to vector<200x10000xf32>
    %gt3A_274 = arith.cmpf ogt, %add3A_20, %gt3A_273 : vector<200x10000xf32>
    %jit3A_275 = arith.constant 0x7F800000 : f32
    %broadcast_in_dim3A_276 = vector.broadcast %jit3A_275 : f32 to vector<200x10000xf32>
    %select_n3A_277 = arith.select %gt3A_274, %add3A_20, %broadcast_in_dim3A_276 : vector<200x10000xi1>, vector<200x10000xf32>
    %reduce_min3A_278 = arith.constant dense<0x7F800000> : vector<200xf32>
    %reduce_min3A_279 = vector.multi_reduction <minimumf>, %select_n3A_277, %reduce_min3A_278 [1] : vector<200x10000xf32> to vector<200xf32>
    %broadcast_in_dim3A_280 = vector.shape_cast %reduce_min3A_279 : vector<200xf32> to vector<200x1xf32>
    %eq3A_281 = vector.broadcast %broadcast_in_dim3A_280 : vector<200x1xf32> to vector<200x10000xf32>
    %eq3A_282 = arith.cmpf oeq, %add3A_20, %eq3A_281 : vector<200x10000xf32>
    %jit3A_283 = arith.constant 10000 : i32
    %broadcast_in_dim3A_284 = vector.broadcast %jit3A_283 : i32 to vector<200x10000xi32>
    %select_n3A_285 = arith.select %eq3A_282, %iota3A, %broadcast_in_dim3A_284 : vector<200x10000xi1>, vector<200x10000xi32>
    %reduce_min3A_286 = arith.constant dense<2147483647> : vector<200xi32>
    %reduce_min3A_287 = vector.multi_reduction <minsi>, %select_n3A_285, %reduce_min3A_286 [1] : vector<200x10000xi32> to vector<200xi32>
    %broadcast_in_dim3A_288 = vector.shape_cast %reduce_min3A_287 : vector<200xi32> to vector<200x1xi32>
    %swap3A_289 = arith.constant 0 : index
    %swap3A_290 = arith.constant 12 : index
    %swap3A_291 = vector.load %arg3[%swap3A_289, %swap3A_290] : memref<200x16xi32, #tpu.memory_space<vmem>>, vector<200x1xi32>
    tpu.vector_store %arg3[%swap3A_289, %swap3A_290], %broadcast_in_dim3A_288 {strides = array<i32>} : memref<200x16xi32, #tpu.memory_space<vmem>>, vector<200x1xi32>,
    %swap3A_292 = arith.constant 0 : index
    %swap3A_293 = arith.constant 12 : index
    %swap3A_294 = vector.load %arg4[%swap3A_292, %swap3A_293] : memref<200x16xf32, #tpu.memory_space<vmem>>, vector<200x1xf32>
    tpu.vector_store %arg4[%swap3A_292, %swap3A_293], %broadcast_in_dim3A_280 {strides = array<i32>} : memref<200x16xf32, #tpu.memory_space<vmem>>, vector<200x1xf32>,
    %gt3A_295 = vector.broadcast %broadcast_in_dim3A_280 : vector<200x1xf32> to vector<200x10000xf32>
    %gt3A_296 = arith.cmpf ogt, %add3A_20, %gt3A_295 : vector<200x10000xf32>
    %jit3A_297 = arith.constant 0x7F800000 : f32
    %broadcast_in_dim3A_298 = vector.broadcast %jit3A_297 : f32 to vector<200x10000xf32>
    %select_n3A_299 = arith.select %gt3A_296, %add3A_20, %broadcast_in_dim3A_298 : vector<200x10000xi1>, vector<200x10000xf32>
    %reduce_min3A_300 = arith.constant dense<0x7F800000> : vector<200xf32>
    %reduce_min3A_301 = vector.multi_reduction <minimumf>, %select_n3A_299, %reduce_min3A_300 [1] : vector<200x10000xf32> to vector<200xf32>
    %broadcast_in_dim3A_302 = vector.shape_cast %reduce_min3A_301 : vector<200xf32> to vector<200x1xf32>
    %eq3A_303 = vector.broadcast %broadcast_in_dim3A_302 : vector<200x1xf32> to vector<200x10000xf32>
    %eq3A_304 = arith.cmpf oeq, %add3A_20, %eq3A_303 : vector<200x10000xf32>
    %jit3A_305 = arith.constant 10000 : i32
    %broadcast_in_dim3A_306 = vector.broadcast %jit3A_305 : i32 to vector<200x10000xi32>
    %select_n3A_307 = arith.select %eq3A_304, %iota3A, %broadcast_in_dim3A_306 : vector<200x10000xi1>, vector<200x10000xi32>
    %reduce_min3A_308 = arith.constant dense<2147483647> : vector<200xi32>
    %reduce_min3A_309 = vector.multi_reduction <minsi>, %select_n3A_307, %reduce_min3A_308 [1] : vector<200x10000xi32> to vector<200xi32>
    %broadcast_in_dim3A_310 = vector.shape_cast %reduce_min3A_309 : vector<200xi32> to vector<200x1xi32>
    %swap3A_311 = arith.constant 0 : index
    %swap3A_312 = arith.constant 13 : index
    %swap3A_313 = vector.load %arg3[%swap3A_311, %swap3A_312] : memref<200x16xi32, #tpu.memory_space<vmem>>, vector<200x1xi32>
    tpu.vector_store %arg3[%swap3A_311, %swap3A_312], %broadcast_in_dim3A_310 {strides = array<i32>} : memref<200x16xi32, #tpu.memory_space<vmem>>, vector<200x1xi32>,
    %swap3A_314 = arith.constant 0 : index
    %swap3A_315 = arith.constant 13 : index
    %swap3A_316 = vector.load %arg4[%swap3A_314, %swap3A_315] : memref<200x16xf32, #tpu.memory_space<vmem>>, vector<200x1xf32>
    tpu.vector_store %arg4[%swap3A_314, %swap3A_315], %broadcast_in_dim3A_302 {strides = array<i32>} : memref<200x16xf32, #tpu.memory_space<vmem>>, vector<200x1xf32>,
    %gt3A_317 = vector.broadcast %broadcast_in_dim3A_302 : vector<200x1xf32> to vector<200x10000xf32>
    %gt3A_318 = arith.cmpf ogt, %add3A_20, %gt3A_317 : vector<200x10000xf32>
    %jit3A_319 = arith.constant 0x7F800000 : f32
    %broadcast_in_dim3A_320 = vector.broadcast %jit3A_319 : f32 to vector<200x10000xf32>
    %select_n3A_321 = arith.select %gt3A_318, %add3A_20, %broadcast_in_dim3A_320 : vector<200x10000xi1>, vector<200x10000xf32>
    %reduce_min3A_322 = arith.constant dense<0x7F800000> : vector<200xf32>
    %reduce_min3A_323 = vector.multi_reduction <minimumf>, %select_n3A_321, %reduce_min3A_322 [1] : vector<200x10000xf32> to vector<200xf32>
    %broadcast_in_dim3A_324 = vector.shape_cast %reduce_min3A_323 : vector<200xf32> to vector<200x1xf32>
    %eq3A_325 = vector.broadcast %broadcast_in_dim3A_324 : vector<200x1xf32> to vector<200x10000xf32>
    %eq3A_326 = arith.cmpf oeq, %add3A_20, %eq3A_325 : vector<200x10000xf32>
    %jit3A_327 = arith.constant 10000 : i32
    %broadcast_in_dim3A_328 = vector.broadcast %jit3A_327 : i32 to vector<200x10000xi32>
    %select_n3A_329 = arith.select %eq3A_326, %iota3A, %broadcast_in_dim3A_328 : vector<200x10000xi1>, vector<200x10000xi32>
    %reduce_min3A_330 = arith.constant dense<2147483647> : vector<200xi32>
    %reduce_min3A_331 = vector.multi_reduction <minsi>, %select_n3A_329, %reduce_min3A_330 [1] : vector<200x10000xi32> to vector<200xi32>
    %broadcast_in_dim3A_332 = vector.shape_cast %reduce_min3A_331 : vector<200xi32> to vector<200x1xi32>
    %swap3A_333 = arith.constant 0 : index
    %swap3A_334 = arith.constant 14 : index
    %swap3A_335 = vector.load %arg3[%swap3A_333, %swap3A_334] : memref<200x16xi32, #tpu.memory_space<vmem>>, vector<200x1xi32>
    tpu.vector_store %arg3[%swap3A_333, %swap3A_334], %broadcast_in_dim3A_332 {strides = array<i32>} : memref<200x16xi32, #tpu.memory_space<vmem>>, vector<200x1xi32>,
    %swap3A_336 = arith.constant 0 : index
    %swap3A_337 = arith.constant 14 : index
    %swap3A_338 = vector.load %arg4[%swap3A_336, %swap3A_337] : memref<200x16xf32, #tpu.memory_space<vmem>>, vector<200x1xf32>
    tpu.vector_store %arg4[%swap3A_336, %swap3A_337], %broadcast_in_dim3A_324 {strides = array<i32>} : memref<200x16xf32, #tpu.memory_space<vmem>>, vector<200x1xf32>,
    %gt3A_339 = vector.broadcast %broadcast_in_dim3A_324 : vector<200x1xf32> to vector<200x10000xf32>
    %gt3A_340 = arith.cmpf ogt, %add3A_20, %gt3A_339 : vector<200x10000xf32>
    %jit3A_341 = arith.constant 0x7F800000 : f32
    %broadcast_in_dim3A_342 = vector.broadcast %jit3A_341 : f32 to vector<200x10000xf32>
    %select_n3A_343 = arith.select %gt3A_340, %add3A_20, %broadcast_in_dim3A_342 : vector<200x10000xi1>, vector<200x10000xf32>
    %reduce_min3A_344 = arith.constant dense<0x7F800000> : vector<200xf32>
    %reduce_min3A_345 = vector.multi_reduction <minimumf>, %select_n3A_343, %reduce_min3A_344 [1] : vector<200x10000xf32> to vector<200xf32>
    %broadcast_in_dim3A_346 = vector.shape_cast %reduce_min3A_345 : vector<200xf32> to vector<200x1xf32>
    %eq3A_347 = vector.broadcast %broadcast_in_dim3A_346 : vector<200x1xf32> to vector<200x10000xf32>
    %eq3A_348 = arith.cmpf oeq, %add3A_20, %eq3A_347 : vector<200x10000xf32>
    %jit3A_349 = arith.constant 10000 : i32
    %broadcast_in_dim3A_350 = vector.broadcast %jit3A_349 : i32 to vector<200x10000xi32>
    %select_n3A_351 = arith.select %eq3A_348, %iota3A, %broadcast_in_dim3A_350 : vector<200x10000xi1>, vector<200x10000xi32>
    %reduce_min3A_352 = arith.constant dense<2147483647> : vector<200xi32>
    %reduce_min3A_353 = vector.multi_reduction <minsi>, %select_n3A_351, %reduce_min3A_352 [1] : vector<200x10000xi32> to vector<200xi32>
    %broadcast_in_dim3A_354 = vector.shape_cast %reduce_min3A_353 : vector<200xi32> to vector<200x1xi32>
    %swap3A_355 = arith.constant 0 : index
    %swap3A_356 = arith.constant 15 : index
    %swap3A_357 = vector.load %arg3[%swap3A_355, %swap3A_356] : memref<200x16xi32, #tpu.memory_space<vmem>>, vector<200x1xi32>
    tpu.vector_store %arg3[%swap3A_355, %swap3A_356], %broadcast_in_dim3A_354 {strides = array<i32>} : memref<200x16xi32, #tpu.memory_space<vmem>>, vector<200x1xi32>,
    %swap3A_358 = arith.constant 0 : index
    %swap3A_359 = arith.constant 15 : index
    %swap3A_360 = vector.load %arg4[%swap3A_358, %swap3A_359] : memref<200x16xf32, #tpu.memory_space<vmem>>, vector<200x1xf32>
    tpu.vector_store %arg4[%swap3A_358, %swap3A_359], %broadcast_in_dim3A_346 {strides = array<i32>} : memref<200x16xf32, #tpu.memory_space<vmem>>, vector<200x1xf32>,
    return
  }
  func.func @transform_0(%arg0: i32) -> (i32, i32) {
    %c0_i32 = arith.constant 0 : i32
    %c0_i32_0 = arith.constant 0 : i32
    return %arg0, %c0_i32 : i32, i32
  }
  func.func @transform_1(%arg0: i32) -> (i32, i32) {
    %c0_i32 = arith.constant 0 : i32
    %c0_i32_0 = arith.constant 0 : i32
    %c0_i32_1 = arith.constant 0 : i32
    return %c0_i32, %c0_i32_0 : i32, i32
  }
  func.func @transform_2(%arg0: i32) -> (i32, i32) {
    %c0_i32 = arith.constant 0 : i32
    %c0_i32_0 = arith.constant 0 : i32
    return %arg0, %c0_i32 : i32, i32
  }
  func.func @transform_3(%arg0: i32) -> (i32, i32) {
    %c0_i32 = arith.constant 0 : i32
    %c0_i32_0 = arith.constant 0 : i32
    return %arg0, %c0_i32 : i32, i32
  }
}

module attributes {stable_mosaic.version = 14 : i64} {
  func.func @_prep_body(%arg0: memref<10000x3xf32, #tpu.memory_space<vmem>>, %arg1: memref<10000x128xf32, #tpu.memory_space<vmem>>, %arg2: memref<10000x128xf32, #tpu.memory_space<vmem>>, %arg3: memref<128x128xf32, #tpu.memory_space<vmem>>, %arg4: memref<128x128xf32, #tpu.memory_space<vmem>>, %arg5: memref<1x128xf32, #tpu.memory_space<vmem>>, %arg6: memref<1x32xf32, #tpu.memory_space<vmem>>, %arg7: memref<64x64xf32, #tpu.memory_space<vmem>>, %arg8: memref<1x64xf32, #tpu.memory_space<vmem>>, %arg9: memref<10000x256xf32, #tpu.memory_space<vmem>>, %arg10: memref<10000x128xf32, #tpu.memory_space<vmem>>, %arg11: memref<1x64xf32, #tpu.memory_space<vmem>>) attributes {dimension_semantics = [], scalar_prefetch = 0 : i64, scratch_operands = 0 : i64, tpu.core_type = #tpu.core_type<tc>} {
    %get3A = arith.constant 0 : index
    %get3A_0 = arith.constant 0 : index
    %get3A_1 = vector.load %arg1[%get3A, %get3A_0] : memref<10000x128xf32, #tpu.memory_space<vmem>>, vector<10000x128xf32>
    %get3A_2 = arith.constant 0 : index
    %get3A_3 = arith.constant 0 : index
    %get3A_4 = vector.load %arg3[%get3A_2, %get3A_3] : memref<128x128xf32, #tpu.memory_space<vmem>>, vector<128x128xf32>
    %dot_general3A = arith.constant dense<0.000000e+00> : vector<10000x128xf32>
    %dot_general3A_5 = tpu.matmul %get3A_1, %get3A_4, %dot_general3A {dimension_numbers = #tpu.dot_dimension_numbers<[1], [0], [0], [1], [0, 0, 1, 1], [], []>, transpose_lhs_hint = false} : vector<10000x128xf32>, vector<128x128xf32>, vector<10000x128xf32> -> vector<10000x128xf32>
    %swap3A = arith.constant 0 : index
    %swap3A_6 = arith.constant 0 : index
    %swap3A_7 = vector.load %arg9[%swap3A, %swap3A_6] : memref<10000x256xf32, #tpu.memory_space<vmem>>, vector<10000x128xf32>
    tpu.vector_store %arg9[%swap3A, %swap3A_6], %dot_general3A_5 {strides = array<i32>} : memref<10000x256xf32, #tpu.memory_space<vmem>>, vector<10000x128xf32>,
    %get3A_8 = arith.constant 0 : index
    %get3A_9 = arith.constant 0 : index
    %get3A_10 = vector.load %arg0[%get3A_8, %get3A_9] : memref<10000x3xf32, #tpu.memory_space<vmem>>, vector<10000x3xf32>
    %broadcast_in_dim3A = arith.constant 0.000000e+00 : f32
    %broadcast_in_dim3A_11 = vector.broadcast %broadcast_in_dim3A : f32 to vector<10000x5xf32>
    %concatenate3A = tpu.concatenate %get3A_10, %broadcast_in_dim3A_11 in 1 : vector<10000x3xf32>, vector<10000x5xf32> -> vector<10000x8xf32>
    %swap3A_12 = arith.constant 0 : index
    %swap3A_13 = arith.constant 128 : index
    %swap3A_14 = vector.load %arg9[%swap3A_12, %swap3A_13] : memref<10000x256xf32, #tpu.memory_space<vmem>>, vector<10000x8xf32>
    tpu.vector_store %arg9[%swap3A_12, %swap3A_13], %concatenate3A {strides = array<i32>} : memref<10000x256xf32, #tpu.memory_space<vmem>>, vector<10000x8xf32>,
    %get3A_15 = arith.constant 0 : index
    %get3A_16 = arith.constant 0 : index
    %get3A_17 = vector.load %arg2[%get3A_15, %get3A_16] : memref<10000x128xf32, #tpu.memory_space<vmem>>, vector<10000x128xf32>
    %get3A_18 = arith.constant 0 : index
    %get3A_19 = arith.constant 0 : index
    %get3A_20 = vector.load %arg4[%get3A_18, %get3A_19] : memref<128x128xf32, #tpu.memory_space<vmem>>, vector<128x128xf32>
    %dot_general3A_21 = arith.constant dense<0.000000e+00> : vector<10000x128xf32>
    %dot_general3A_22 = tpu.matmul %get3A_17, %get3A_20, %dot_general3A_21 {dimension_numbers = #tpu.dot_dimension_numbers<[1], [0], [0], [1], [0, 0, 1, 1], [], []>, transpose_lhs_hint = false} : vector<10000x128xf32>, vector<128x128xf32>, vector<10000x128xf32> -> vector<10000x128xf32>
    %get3A_23 = arith.constant 0 : index
    %get3A_24 = arith.constant 0 : index
    %get3A_25 = vector.load %arg5[%get3A_23, %get3A_24] : memref<1x128xf32, #tpu.memory_space<vmem>>, vector<1x128xf32>
    %add3A = vector.broadcast %get3A_25 : vector<1x128xf32> to vector<10000x128xf32>
    %add3A_26 = arith.addf %dot_general3A_22, %add3A : vector<10000x128xf32>
    %swap3A_27 = arith.constant 0 : index
    %swap3A_28 = arith.constant 0 : index
    %swap3A_29 = vector.load %arg10[%swap3A_27, %swap3A_28] : memref<10000x128xf32, #tpu.memory_space<vmem>>, vector<10000x128xf32>
    tpu.vector_store %arg10[%swap3A_27, %swap3A_28], %add3A_26 {strides = array<i32>} : memref<10000x128xf32, #tpu.memory_space<vmem>>, vector<10000x128xf32>,
    %get3A_30 = arith.constant 0 : index
    %get3A_31 = arith.constant 0 : index
    %get3A_32 = vector.load %arg6[%get3A_30, %get3A_31] : memref<1x32xf32, #tpu.memory_space<vmem>>, vector<1x32xf32>
    %get3A_33 = arith.constant 32 : index
    %get3A_34 = arith.constant 0 : index
    %get3A_35 = vector.load %arg7[%get3A_33, %get3A_34] : memref<64x64xf32, #tpu.memory_space<vmem>>, vector<32x64xf32>
    %dot_general3A_36 = arith.constant dense<0.000000e+00> : vector<1x64xf32>
    %dot_general3A_37 = tpu.matmul %get3A_32, %get3A_35, %dot_general3A_36 {dimension_numbers = #tpu.dot_dimension_numbers<[1], [0], [0], [1], [0, 0, 1, 1], [], []>, transpose_lhs_hint = false} : vector<1x32xf32>, vector<32x64xf32>, vector<1x64xf32> -> vector<1x64xf32>
    %get3A_38 = arith.constant 0 : index
    %get3A_39 = arith.constant 0 : index
    %get3A_40 = vector.load %arg8[%get3A_38, %get3A_39] : memref<1x64xf32, #tpu.memory_space<vmem>>, vector<1x64xf32>
    %add3A_41 = arith.addf %dot_general3A_37, %get3A_40 : vector<1x64xf32>
    %swap3A_42 = arith.constant 0 : index
    %swap3A_43 = arith.constant 0 : index
    %swap3A_44 = vector.load %arg11[%swap3A_42, %swap3A_43] : memref<1x64xf32, #tpu.memory_space<vmem>>, vector<1x64xf32>
    tpu.vector_store %arg11[%swap3A_42, %swap3A_43], %add3A_41 {strides = array<i32>} : memref<1x64xf32, #tpu.memory_space<vmem>>, vector<1x64xf32>,
    return
  }
}

module attributes {stable_mosaic.version = 14 : i64} {
  func.func @_edge_body(%arg0: i32, %arg1: memref<16x200x256xf32, #tpu.memory_space<vmem>>, %arg2: memref<200x16xf32, #tpu.memory_space<vmem>>, %arg3: memref<200x3xf32, #tpu.memory_space<vmem>>, %arg4: memref<200x128xf32, #tpu.memory_space<vmem>>, %arg5: memref<32x64xf32, #tpu.memory_space<vmem>>, %arg6: memref<1x64xf32, #tpu.memory_space<vmem>>, %arg7: memref<64x128xf32, #tpu.memory_space<vmem>>, %arg8: memref<1x128xf32, #tpu.memory_space<vmem>>, %arg9: memref<128x8xf32, #tpu.memory_space<vmem>>, %arg10: memref<4x8xf32, #tpu.memory_space<vmem>>, %arg11: memref<8x128xf32, #tpu.memory_space<vmem>>, %arg12: memref<200x128xf32, #tpu.memory_space<vmem>>, %arg13: memref<3200x32xf32, #tpu.memory_space<vmem>>, %arg14: memref<3200x4xf32, #tpu.memory_space<vmem>>) attributes {dimension_semantics = [#tpu.dimension_semantics<arbitrary>], iteration_bounds = array<i64: 25>, scalar_prefetch = 0 : i64, scratch_operands = 2 : i64, tpu.core_type = #tpu.core_type<tc>, window_params = [{transform_indices = @transform_0, window_bounds = array<i64: 16, 200, 256>}, {transform_indices = @transform_1, window_bounds = array<i64: 200, 16>}, {transform_indices = @transform_2, window_bounds = array<i64: 200, 3>}, {transform_indices = @transform_3, window_bounds = array<i64: 200, 128>}, {pipeline_mode = #tpu.pipeline_mode<synchronous>, transform_indices = @transform_4, window_bounds = array<i64: 32, 64>}, {pipeline_mode = #tpu.pipeline_mode<synchronous>, transform_indices = @transform_5, window_bounds = array<i64: 1, 64>}, {pipeline_mode = #tpu.pipeline_mode<synchronous>, transform_indices = @transform_6, window_bounds = array<i64: 64, 128>}, {pipeline_mode = #tpu.pipeline_mode<synchronous>, transform_indices = @transform_7, window_bounds = array<i64: 1, 128>}, {pipeline_mode = #tpu.pipeline_mode<synchronous>, transform_indices = @transform_8, window_bounds = array<i64: 128, 8>}, {pipeline_mode = #tpu.pipeline_mode<synchronous>, transform_indices = @transform_9, window_bounds = array<i64: 4, 8>}, {pipeline_mode = #tpu.pipeline_mode<synchronous>, transform_indices = @transform_10, window_bounds = array<i64: 8, 128>}, {transform_indices = @transform_11, window_bounds = array<i64: 200, 128>}]} {
    %get3A = arith.constant 0 : index
    %get3A_0 = arith.constant 0 : index
    %get3A_1 = vector.load %arg3[%get3A, %get3A_0] : memref<200x3xf32, #tpu.memory_space<vmem>>, vector<200x3xf32>
    %get3A_2 = arith.constant 0 : index
    %get3A_3 = arith.constant 0 : index
    %get3A_4 = vector.load %arg5[%get3A_2, %get3A_3] : memref<32x64xf32, #tpu.memory_space<vmem>>, vector<32x64xf32>
    %get3A_5 = arith.constant 0 : index
    %get3A_6 = arith.constant 0 : index
    %get3A_7 = vector.load %arg6[%get3A_5, %get3A_6] : memref<1x64xf32, #tpu.memory_space<vmem>>, vector<1x64xf32>
    %get3A_8 = arith.constant 0 : index
    %get3A_9 = arith.constant 0 : index
    %get3A_10 = vector.load %arg7[%get3A_8, %get3A_9] : memref<64x128xf32, #tpu.memory_space<vmem>>, vector<64x128xf32>
    %get3A_11 = arith.constant 0 : index
    %get3A_12 = arith.constant 0 : index
    %get3A_13 = vector.load %arg8[%get3A_11, %get3A_12] : memref<1x128xf32, #tpu.memory_space<vmem>>, vector<1x128xf32>
    %get3A_14 = arith.constant 0 : index
    %get3A_15 = arith.constant 0 : index
    %get3A_16 = vector.load %arg9[%get3A_14, %get3A_15] : memref<128x8xf32, #tpu.memory_space<vmem>>, vector<128x8xf32>
    %get3A_17 = arith.constant 0 : index
    %get3A_18 = arith.constant 0 : index
    %get3A_19 = vector.load %arg10[%get3A_17, %get3A_18] : memref<4x8xf32, #tpu.memory_space<vmem>>, vector<4x8xf32>
    %get3A_20 = arith.constant 0 : index
    %get3A_21 = arith.constant 0 : index
    %get3A_22 = vector.load %arg11[%get3A_20, %get3A_21] : memref<8x128xf32, #tpu.memory_space<vmem>>, vector<8x128xf32>
    %iota3A = tpu.iota {dimensions = array<i32: 1>} : vector<1x16xi32>
    %convert_element_type3A = arith.sitofp %iota3A : vector<1x16xi32> to vector<1x16xf32>
    %mul3A = arith.constant -9.21034049 : f32
    %mul3A_23 = vector.broadcast %mul3A : f32 to vector<1x16xf32>
    %mul3A_24 = arith.mulf %mul3A_23, %convert_element_type3A : vector<1x16xf32>
    %div3A = arith.constant 1.500000e+01 : f32
    %div3A_25 = vector.broadcast %div3A : f32 to vector<1x16xf32>
    %div3A_26 = arith.divf %mul3A_24, %div3A_25 : vector<1x16xf32>
    %exp3A = math.exp %div3A_26 : vector<1x16xf32>
    %get3A_27 = arith.constant 0 : index
    %get3A_28 = arith.constant 0 : index
    %get3A_29 = vector.load %arg2[%get3A_27, %get3A_28] : memref<200x16xf32, #tpu.memory_space<vmem>>, vector<200x1xf32>
    %add3A = arith.constant 9.99999996E-13 : f32
    %add3A_30 = vector.broadcast %add3A : f32 to vector<200x1xf32>
    %add3A_31 = arith.addf %get3A_29, %add3A_30 : vector<200x1xf32>
    %sqrt3A = math.sqrt %add3A_31 : vector<200x1xf32>
    %get3A_32 = arith.constant 0 : index
    %get3A_33 = arith.constant 0 : index
    %get3A_34 = arith.constant 0 : index
    %get3A_35 = vector.load %arg1[%get3A_32, %get3A_33, %get3A_34] : memref<16x200x256xf32, #tpu.memory_space<vmem>>, vector<1x200x256xf32>
    %get3A_36 = vector.shape_cast %get3A_35 : vector<1x200x256xf32> to vector<200x256xf32>
    %slice3A = vector.extract_strided_slice %get3A_36 {offsets = [0, 128], sizes = [200, 3], strides = [1, 1]} : vector<200x256xf32> to vector<200x3xf32>
    %sub3A = arith.subf %slice3A, %get3A_1 : vector<200x3xf32>
    %div3A_37 = vector.broadcast %sqrt3A : vector<200x1xf32> to vector<200x3xf32>
    %div3A_38 = arith.divf %sub3A, %div3A_37 : vector<200x3xf32>
    %broadcast_in_dim3A = arith.constant 1.000000e+00 : f32
    %broadcast_in_dim3A_39 = vector.broadcast %broadcast_in_dim3A : f32 to vector<200x1xf32>
    %concatenate3A = tpu.concatenate %broadcast_in_dim3A_39, %div3A_38 in 1 : vector<200x1xf32>, vector<200x3xf32> -> vector<200x4xf32>
    %swap3A = arith.constant 0 : index
    %swap3A_40 = arith.constant 0 : index
    %swap3A_41 = vector.load %arg14[%swap3A, %swap3A_40] : memref<3200x4xf32, #tpu.memory_space<vmem>>, vector<200x4xf32>
    tpu.vector_store %arg14[%swap3A, %swap3A_40], %concatenate3A {strides = array<i32>} : memref<3200x4xf32, #tpu.memory_space<vmem>>, vector<200x4xf32>,
    %mul3A_42 = vector.broadcast %sqrt3A : vector<200x1xf32> to vector<200x16xf32>
    %mul3A_43 = vector.broadcast %exp3A : vector<1x16xf32> to vector<200x16xf32>
    %mul3A_44 = arith.mulf %mul3A_42, %mul3A_43 : vector<200x16xf32>
    %sin3A = math.sin %mul3A_44 : vector<200x16xf32>
    %cos3A = math.cos %mul3A_44 : vector<200x16xf32>
    %concatenate3A_45 = tpu.concatenate %sin3A, %cos3A in 1 : vector<200x16xf32>, vector<200x16xf32> -> vector<200x32xf32>
    %swap3A_46 = arith.constant 0 : index
    %swap3A_47 = arith.constant 0 : index
    %swap3A_48 = vector.load %arg13[%swap3A_46, %swap3A_47] : memref<3200x32xf32, #tpu.memory_space<vmem>>, vector<200x32xf32>
    tpu.vector_store %arg13[%swap3A_46, %swap3A_47], %concatenate3A_45 {strides = array<i32>} : memref<3200x32xf32, #tpu.memory_space<vmem>>, vector<200x32xf32>,
    %get3A_49 = arith.constant 0 : index
    %get3A_50 = arith.constant 1 : index
    %get3A_51 = vector.load %arg2[%get3A_49, %get3A_50] : memref<200x16xf32, #tpu.memory_space<vmem>>, vector<200x1xf32>
    %add3A_52 = arith.constant 9.99999996E-13 : f32
    %add3A_53 = vector.broadcast %add3A_52 : f32 to vector<200x1xf32>
    %add3A_54 = arith.addf %get3A_51, %add3A_53 : vector<200x1xf32>
    %sqrt3A_55 = math.sqrt %add3A_54 : vector<200x1xf32>
    %get3A_56 = arith.constant 1 : index
    %get3A_57 = arith.constant 0 : index
    %get3A_58 = arith.constant 0 : index
    %get3A_59 = vector.load %arg1[%get3A_56, %get3A_57, %get3A_58] : memref<16x200x256xf32, #tpu.memory_space<vmem>>, vector<1x200x256xf32>
    %get3A_60 = vector.shape_cast %get3A_59 : vector<1x200x256xf32> to vector<200x256xf32>
    %slice3A_61 = vector.extract_strided_slice %get3A_60 {offsets = [0, 128], sizes = [200, 3], strides = [1, 1]} : vector<200x256xf32> to vector<200x3xf32>
    %sub3A_62 = arith.subf %slice3A_61, %get3A_1 : vector<200x3xf32>
    %div3A_63 = vector.broadcast %sqrt3A_55 : vector<200x1xf32> to vector<200x3xf32>
    %div3A_64 = arith.divf %sub3A_62, %div3A_63 : vector<200x3xf32>
    %broadcast_in_dim3A_65 = arith.constant 1.000000e+00 : f32
    %broadcast_in_dim3A_66 = vector.broadcast %broadcast_in_dim3A_65 : f32 to vector<200x1xf32>
    %concatenate3A_67 = tpu.concatenate %broadcast_in_dim3A_66, %div3A_64 in 1 : vector<200x1xf32>, vector<200x3xf32> -> vector<200x4xf32>
    %swap3A_68 = arith.constant 200 : index
    %swap3A_69 = arith.constant 0 : index
    %swap3A_70 = vector.load %arg14[%swap3A_68, %swap3A_69] : memref<3200x4xf32, #tpu.memory_space<vmem>>, vector<200x4xf32>
    tpu.vector_store %arg14[%swap3A_68, %swap3A_69], %concatenate3A_67 {strides = array<i32>} : memref<3200x4xf32, #tpu.memory_space<vmem>>, vector<200x4xf32>,
    %mul3A_71 = vector.broadcast %sqrt3A_55 : vector<200x1xf32> to vector<200x16xf32>
    %mul3A_72 = vector.broadcast %exp3A : vector<1x16xf32> to vector<200x16xf32>
    %mul3A_73 = arith.mulf %mul3A_71, %mul3A_72 : vector<200x16xf32>
    %sin3A_74 = math.sin %mul3A_73 : vector<200x16xf32>
    %cos3A_75 = math.cos %mul3A_73 : vector<200x16xf32>
    %concatenate3A_76 = tpu.concatenate %sin3A_74, %cos3A_75 in 1 : vector<200x16xf32>, vector<200x16xf32> -> vector<200x32xf32>
    %swap3A_77 = arith.constant 200 : index
    %swap3A_78 = arith.constant 0 : index
    %swap3A_79 = vector.load %arg13[%swap3A_77, %swap3A_78] : memref<3200x32xf32, #tpu.memory_space<vmem>>, vector<200x32xf32>
    tpu.vector_store %arg13[%swap3A_77, %swap3A_78], %concatenate3A_76 {strides = array<i32>} : memref<3200x32xf32, #tpu.memory_space<vmem>>, vector<200x32xf32>,
    %get3A_80 = arith.constant 0 : index
    %get3A_81 = arith.constant 2 : index
    %get3A_82 = vector.load %arg2[%get3A_80, %get3A_81] : memref<200x16xf32, #tpu.memory_space<vmem>>, vector<200x1xf32>
    %add3A_83 = arith.constant 9.99999996E-13 : f32
    %add3A_84 = vector.broadcast %add3A_83 : f32 to vector<200x1xf32>
    %add3A_85 = arith.addf %get3A_82, %add3A_84 : vector<200x1xf32>
    %sqrt3A_86 = math.sqrt %add3A_85 : vector<200x1xf32>
    %get3A_87 = arith.constant 2 : index
    %get3A_88 = arith.constant 0 : index
    %get3A_89 = arith.constant 0 : index
    %get3A_90 = vector.load %arg1[%get3A_87, %get3A_88, %get3A_89] : memref<16x200x256xf32, #tpu.memory_space<vmem>>, vector<1x200x256xf32>
    %get3A_91 = vector.shape_cast %get3A_90 : vector<1x200x256xf32> to vector<200x256xf32>
    %slice3A_92 = vector.extract_strided_slice %get3A_91 {offsets = [0, 128], sizes = [200, 3], strides = [1, 1]} : vector<200x256xf32> to vector<200x3xf32>
    %sub3A_93 = arith.subf %slice3A_92, %get3A_1 : vector<200x3xf32>
    %div3A_94 = vector.broadcast %sqrt3A_86 : vector<200x1xf32> to vector<200x3xf32>
    %div3A_95 = arith.divf %sub3A_93, %div3A_94 : vector<200x3xf32>
    %broadcast_in_dim3A_96 = arith.constant 1.000000e+00 : f32
    %broadcast_in_dim3A_97 = vector.broadcast %broadcast_in_dim3A_96 : f32 to vector<200x1xf32>
    %concatenate3A_98 = tpu.concatenate %broadcast_in_dim3A_97, %div3A_95 in 1 : vector<200x1xf32>, vector<200x3xf32> -> vector<200x4xf32>
    %swap3A_99 = arith.constant 400 : index
    %swap3A_100 = arith.constant 0 : index
    %swap3A_101 = vector.load %arg14[%swap3A_99, %swap3A_100] : memref<3200x4xf32, #tpu.memory_space<vmem>>, vector<200x4xf32>
    tpu.vector_store %arg14[%swap3A_99, %swap3A_100], %concatenate3A_98 {strides = array<i32>} : memref<3200x4xf32, #tpu.memory_space<vmem>>, vector<200x4xf32>,
    %mul3A_102 = vector.broadcast %sqrt3A_86 : vector<200x1xf32> to vector<200x16xf32>
    %mul3A_103 = vector.broadcast %exp3A : vector<1x16xf32> to vector<200x16xf32>
    %mul3A_104 = arith.mulf %mul3A_102, %mul3A_103 : vector<200x16xf32>
    %sin3A_105 = math.sin %mul3A_104 : vector<200x16xf32>
    %cos3A_106 = math.cos %mul3A_104 : vector<200x16xf32>
    %concatenate3A_107 = tpu.concatenate %sin3A_105, %cos3A_106 in 1 : vector<200x16xf32>, vector<200x16xf32> -> vector<200x32xf32>
    %swap3A_108 = arith.constant 400 : index
    %swap3A_109 = arith.constant 0 : index
    %swap3A_110 = vector.load %arg13[%swap3A_108, %swap3A_109] : memref<3200x32xf32, #tpu.memory_space<vmem>>, vector<200x32xf32>
    tpu.vector_store %arg13[%swap3A_108, %swap3A_109], %concatenate3A_107 {strides = array<i32>} : memref<3200x32xf32, #tpu.memory_space<vmem>>, vector<200x32xf32>,
    %get3A_111 = arith.constant 0 : index
    %get3A_112 = arith.constant 3 : index
    %get3A_113 = vector.load %arg2[%get3A_111, %get3A_112] : memref<200x16xf32, #tpu.memory_space<vmem>>, vector<200x1xf32>
    %add3A_114 = arith.constant 9.99999996E-13 : f32
    %add3A_115 = vector.broadcast %add3A_114 : f32 to vector<200x1xf32>
    %add3A_116 = arith.addf %get3A_113, %add3A_115 : vector<200x1xf32>
    %sqrt3A_117 = math.sqrt %add3A_116 : vector<200x1xf32>
    %get3A_118 = arith.constant 3 : index
    %get3A_119 = arith.constant 0 : index
    %get3A_120 = arith.constant 0 : index
    %get3A_121 = vector.load %arg1[%get3A_118, %get3A_119, %get3A_120] : memref<16x200x256xf32, #tpu.memory_space<vmem>>, vector<1x200x256xf32>
    %get3A_122 = vector.shape_cast %get3A_121 : vector<1x200x256xf32> to vector<200x256xf32>
    %slice3A_123 = vector.extract_strided_slice %get3A_122 {offsets = [0, 128], sizes = [200, 3], strides = [1, 1]} : vector<200x256xf32> to vector<200x3xf32>
    %sub3A_124 = arith.subf %slice3A_123, %get3A_1 : vector<200x3xf32>
    %div3A_125 = vector.broadcast %sqrt3A_117 : vector<200x1xf32> to vector<200x3xf32>
    %div3A_126 = arith.divf %sub3A_124, %div3A_125 : vector<200x3xf32>
    %broadcast_in_dim3A_127 = arith.constant 1.000000e+00 : f32
    %broadcast_in_dim3A_128 = vector.broadcast %broadcast_in_dim3A_127 : f32 to vector<200x1xf32>
    %concatenate3A_129 = tpu.concatenate %broadcast_in_dim3A_128, %div3A_126 in 1 : vector<200x1xf32>, vector<200x3xf32> -> vector<200x4xf32>
    %swap3A_130 = arith.constant 600 : index
    %swap3A_131 = arith.constant 0 : index
    %swap3A_132 = vector.load %arg14[%swap3A_130, %swap3A_131] : memref<3200x4xf32, #tpu.memory_space<vmem>>, vector<200x4xf32>
    tpu.vector_store %arg14[%swap3A_130, %swap3A_131], %concatenate3A_129 {strides = array<i32>} : memref<3200x4xf32, #tpu.memory_space<vmem>>, vector<200x4xf32>,
    %mul3A_133 = vector.broadcast %sqrt3A_117 : vector<200x1xf32> to vector<200x16xf32>
    %mul3A_134 = vector.broadcast %exp3A : vector<1x16xf32> to vector<200x16xf32>
    %mul3A_135 = arith.mulf %mul3A_133, %mul3A_134 : vector<200x16xf32>
    %sin3A_136 = math.sin %mul3A_135 : vector<200x16xf32>
    %cos3A_137 = math.cos %mul3A_135 : vector<200x16xf32>
    %concatenate3A_138 = tpu.concatenate %sin3A_136, %cos3A_137 in 1 : vector<200x16xf32>, vector<200x16xf32> -> vector<200x32xf32>
    %swap3A_139 = arith.constant 600 : index
    %swap3A_140 = arith.constant 0 : index
    %swap3A_141 = vector.load %arg13[%swap3A_139, %swap3A_140] : memref<3200x32xf32, #tpu.memory_space<vmem>>, vector<200x32xf32>
    tpu.vector_store %arg13[%swap3A_139, %swap3A_140], %concatenate3A_138 {strides = array<i32>} : memref<3200x32xf32, #tpu.memory_space<vmem>>, vector<200x32xf32>,
    %get3A_142 = arith.constant 0 : index
    %get3A_143 = arith.constant 4 : index
    %get3A_144 = vector.load %arg2[%get3A_142, %get3A_143] : memref<200x16xf32, #tpu.memory_space<vmem>>, vector<200x1xf32>
    %add3A_145 = arith.constant 9.99999996E-13 : f32
    %add3A_146 = vector.broadcast %add3A_145 : f32 to vector<200x1xf32>
    %add3A_147 = arith.addf %get3A_144, %add3A_146 : vector<200x1xf32>
    %sqrt3A_148 = math.sqrt %add3A_147 : vector<200x1xf32>
    %get3A_149 = arith.constant 4 : index
    %get3A_150 = arith.constant 0 : index
    %get3A_151 = arith.constant 0 : index
    %get3A_152 = vector.load %arg1[%get3A_149, %get3A_150, %get3A_151] : memref<16x200x256xf32, #tpu.memory_space<vmem>>, vector<1x200x256xf32>
    %get3A_153 = vector.shape_cast %get3A_152 : vector<1x200x256xf32> to vector<200x256xf32>
    %slice3A_154 = vector.extract_strided_slice %get3A_153 {offsets = [0, 128], sizes = [200, 3], strides = [1, 1]} : vector<200x256xf32> to vector<200x3xf32>
    %sub3A_155 = arith.subf %slice3A_154, %get3A_1 : vector<200x3xf32>
    %div3A_156 = vector.broadcast %sqrt3A_148 : vector<200x1xf32> to vector<200x3xf32>
    %div3A_157 = arith.divf %sub3A_155, %div3A_156 : vector<200x3xf32>
    %broadcast_in_dim3A_158 = arith.constant 1.000000e+00 : f32
    %broadcast_in_dim3A_159 = vector.broadcast %broadcast_in_dim3A_158 : f32 to vector<200x1xf32>
    %concatenate3A_160 = tpu.concatenate %broadcast_in_dim3A_159, %div3A_157 in 1 : vector<200x1xf32>, vector<200x3xf32> -> vector<200x4xf32>
    %swap3A_161 = arith.constant 800 : index
    %swap3A_162 = arith.constant 0 : index
    %swap3A_163 = vector.load %arg14[%swap3A_161, %swap3A_162] : memref<3200x4xf32, #tpu.memory_space<vmem>>, vector<200x4xf32>
    tpu.vector_store %arg14[%swap3A_161, %swap3A_162], %concatenate3A_160 {strides = array<i32>} : memref<3200x4xf32, #tpu.memory_space<vmem>>, vector<200x4xf32>,
    %mul3A_164 = vector.broadcast %sqrt3A_148 : vector<200x1xf32> to vector<200x16xf32>
    %mul3A_165 = vector.broadcast %exp3A : vector<1x16xf32> to vector<200x16xf32>
    %mul3A_166 = arith.mulf %mul3A_164, %mul3A_165 : vector<200x16xf32>
    %sin3A_167 = math.sin %mul3A_166 : vector<200x16xf32>
    %cos3A_168 = math.cos %mul3A_166 : vector<200x16xf32>
    %concatenate3A_169 = tpu.concatenate %sin3A_167, %cos3A_168 in 1 : vector<200x16xf32>, vector<200x16xf32> -> vector<200x32xf32>
    %swap3A_170 = arith.constant 800 : index
    %swap3A_171 = arith.constant 0 : index
    %swap3A_172 = vector.load %arg13[%swap3A_170, %swap3A_171] : memref<3200x32xf32, #tpu.memory_space<vmem>>, vector<200x32xf32>
    tpu.vector_store %arg13[%swap3A_170, %swap3A_171], %concatenate3A_169 {strides = array<i32>} : memref<3200x32xf32, #tpu.memory_space<vmem>>, vector<200x32xf32>,
    %get3A_173 = arith.constant 0 : index
    %get3A_174 = arith.constant 5 : index
    %get3A_175 = vector.load %arg2[%get3A_173, %get3A_174] : memref<200x16xf32, #tpu.memory_space<vmem>>, vector<200x1xf32>
    %add3A_176 = arith.constant 9.99999996E-13 : f32
    %add3A_177 = vector.broadcast %add3A_176 : f32 to vector<200x1xf32>
    %add3A_178 = arith.addf %get3A_175, %add3A_177 : vector<200x1xf32>
    %sqrt3A_179 = math.sqrt %add3A_178 : vector<200x1xf32>
    %get3A_180 = arith.constant 5 : index
    %get3A_181 = arith.constant 0 : index
    %get3A_182 = arith.constant 0 : index
    %get3A_183 = vector.load %arg1[%get3A_180, %get3A_181, %get3A_182] : memref<16x200x256xf32, #tpu.memory_space<vmem>>, vector<1x200x256xf32>
    %get3A_184 = vector.shape_cast %get3A_183 : vector<1x200x256xf32> to vector<200x256xf32>
    %slice3A_185 = vector.extract_strided_slice %get3A_184 {offsets = [0, 128], sizes = [200, 3], strides = [1, 1]} : vector<200x256xf32> to vector<200x3xf32>
    %sub3A_186 = arith.subf %slice3A_185, %get3A_1 : vector<200x3xf32>
    %div3A_187 = vector.broadcast %sqrt3A_179 : vector<200x1xf32> to vector<200x3xf32>
    %div3A_188 = arith.divf %sub3A_186, %div3A_187 : vector<200x3xf32>
    %broadcast_in_dim3A_189 = arith.constant 1.000000e+00 : f32
    %broadcast_in_dim3A_190 = vector.broadcast %broadcast_in_dim3A_189 : f32 to vector<200x1xf32>
    %concatenate3A_191 = tpu.concatenate %broadcast_in_dim3A_190, %div3A_188 in 1 : vector<200x1xf32>, vector<200x3xf32> -> vector<200x4xf32>
    %swap3A_192 = arith.constant 1000 : index
    %swap3A_193 = arith.constant 0 : index
    %swap3A_194 = vector.load %arg14[%swap3A_192, %swap3A_193] : memref<3200x4xf32, #tpu.memory_space<vmem>>, vector<200x4xf32>
    tpu.vector_store %arg14[%swap3A_192, %swap3A_193], %concatenate3A_191 {strides = array<i32>} : memref<3200x4xf32, #tpu.memory_space<vmem>>, vector<200x4xf32>,
    %mul3A_195 = vector.broadcast %sqrt3A_179 : vector<200x1xf32> to vector<200x16xf32>
    %mul3A_196 = vector.broadcast %exp3A : vector<1x16xf32> to vector<200x16xf32>
    %mul3A_197 = arith.mulf %mul3A_195, %mul3A_196 : vector<200x16xf32>
    %sin3A_198 = math.sin %mul3A_197 : vector<200x16xf32>
    %cos3A_199 = math.cos %mul3A_197 : vector<200x16xf32>
    %concatenate3A_200 = tpu.concatenate %sin3A_198, %cos3A_199 in 1 : vector<200x16xf32>, vector<200x16xf32> -> vector<200x32xf32>
    %swap3A_201 = arith.constant 1000 : index
    %swap3A_202 = arith.constant 0 : index
    %swap3A_203 = vector.load %arg13[%swap3A_201, %swap3A_202] : memref<3200x32xf32, #tpu.memory_space<vmem>>, vector<200x32xf32>
    tpu.vector_store %arg13[%swap3A_201, %swap3A_202], %concatenate3A_200 {strides = array<i32>} : memref<3200x32xf32, #tpu.memory_space<vmem>>, vector<200x32xf32>,
    %get3A_204 = arith.constant 0 : index
    %get3A_205 = arith.constant 6 : index
    %get3A_206 = vector.load %arg2[%get3A_204, %get3A_205] : memref<200x16xf32, #tpu.memory_space<vmem>>, vector<200x1xf32>
    %add3A_207 = arith.constant 9.99999996E-13 : f32
    %add3A_208 = vector.broadcast %add3A_207 : f32 to vector<200x1xf32>
    %add3A_209 = arith.addf %get3A_206, %add3A_208 : vector<200x1xf32>
    %sqrt3A_210 = math.sqrt %add3A_209 : vector<200x1xf32>
    %get3A_211 = arith.constant 6 : index
    %get3A_212 = arith.constant 0 : index
    %get3A_213 = arith.constant 0 : index
    %get3A_214 = vector.load %arg1[%get3A_211, %get3A_212, %get3A_213] : memref<16x200x256xf32, #tpu.memory_space<vmem>>, vector<1x200x256xf32>
    %get3A_215 = vector.shape_cast %get3A_214 : vector<1x200x256xf32> to vector<200x256xf32>
    %slice3A_216 = vector.extract_strided_slice %get3A_215 {offsets = [0, 128], sizes = [200, 3], strides = [1, 1]} : vector<200x256xf32> to vector<200x3xf32>
    %sub3A_217 = arith.subf %slice3A_216, %get3A_1 : vector<200x3xf32>
    %div3A_218 = vector.broadcast %sqrt3A_210 : vector<200x1xf32> to vector<200x3xf32>
    %div3A_219 = arith.divf %sub3A_217, %div3A_218 : vector<200x3xf32>
    %broadcast_in_dim3A_220 = arith.constant 1.000000e+00 : f32
    %broadcast_in_dim3A_221 = vector.broadcast %broadcast_in_dim3A_220 : f32 to vector<200x1xf32>
    %concatenate3A_222 = tpu.concatenate %broadcast_in_dim3A_221, %div3A_219 in 1 : vector<200x1xf32>, vector<200x3xf32> -> vector<200x4xf32>
    %swap3A_223 = arith.constant 1200 : index
    %swap3A_224 = arith.constant 0 : index
    %swap3A_225 = vector.load %arg14[%swap3A_223, %swap3A_224] : memref<3200x4xf32, #tpu.memory_space<vmem>>, vector<200x4xf32>
    tpu.vector_store %arg14[%swap3A_223, %swap3A_224], %concatenate3A_222 {strides = array<i32>} : memref<3200x4xf32, #tpu.memory_space<vmem>>, vector<200x4xf32>,
    %mul3A_226 = vector.broadcast %sqrt3A_210 : vector<200x1xf32> to vector<200x16xf32>
    %mul3A_227 = vector.broadcast %exp3A : vector<1x16xf32> to vector<200x16xf32>
    %mul3A_228 = arith.mulf %mul3A_226, %mul3A_227 : vector<200x16xf32>
    %sin3A_229 = math.sin %mul3A_228 : vector<200x16xf32>
    %cos3A_230 = math.cos %mul3A_228 : vector<200x16xf32>
    %concatenate3A_231 = tpu.concatenate %sin3A_229, %cos3A_230 in 1 : vector<200x16xf32>, vector<200x16xf32> -> vector<200x32xf32>
    %swap3A_232 = arith.constant 1200 : index
    %swap3A_233 = arith.constant 0 : index
    %swap3A_234 = vector.load %arg13[%swap3A_232, %swap3A_233] : memref<3200x32xf32, #tpu.memory_space<vmem>>, vector<200x32xf32>
    tpu.vector_store %arg13[%swap3A_232, %swap3A_233], %concatenate3A_231 {strides = array<i32>} : memref<3200x32xf32, #tpu.memory_space<vmem>>, vector<200x32xf32>,
    %get3A_235 = arith.constant 0 : index
    %get3A_236 = arith.constant 7 : index
    %get3A_237 = vector.load %arg2[%get3A_235, %get3A_236] : memref<200x16xf32, #tpu.memory_space<vmem>>, vector<200x1xf32>
    %add3A_238 = arith.constant 9.99999996E-13 : f32
    %add3A_239 = vector.broadcast %add3A_238 : f32 to vector<200x1xf32>
    %add3A_240 = arith.addf %get3A_237, %add3A_239 : vector<200x1xf32>
    %sqrt3A_241 = math.sqrt %add3A_240 : vector<200x1xf32>
    %get3A_242 = arith.constant 7 : index
    %get3A_243 = arith.constant 0 : index
    %get3A_244 = arith.constant 0 : index
    %get3A_245 = vector.load %arg1[%get3A_242, %get3A_243, %get3A_244] : memref<16x200x256xf32, #tpu.memory_space<vmem>>, vector<1x200x256xf32>
    %get3A_246 = vector.shape_cast %get3A_245 : vector<1x200x256xf32> to vector<200x256xf32>
    %slice3A_247 = vector.extract_strided_slice %get3A_246 {offsets = [0, 128], sizes = [200, 3], strides = [1, 1]} : vector<200x256xf32> to vector<200x3xf32>
    %sub3A_248 = arith.subf %slice3A_247, %get3A_1 : vector<200x3xf32>
    %div3A_249 = vector.broadcast %sqrt3A_241 : vector<200x1xf32> to vector<200x3xf32>
    %div3A_250 = arith.divf %sub3A_248, %div3A_249 : vector<200x3xf32>
    %broadcast_in_dim3A_251 = arith.constant 1.000000e+00 : f32
    %broadcast_in_dim3A_252 = vector.broadcast %broadcast_in_dim3A_251 : f32 to vector<200x1xf32>
    %concatenate3A_253 = tpu.concatenate %broadcast_in_dim3A_252, %div3A_250 in 1 : vector<200x1xf32>, vector<200x3xf32> -> vector<200x4xf32>
    %swap3A_254 = arith.constant 1400 : index
    %swap3A_255 = arith.constant 0 : index
    %swap3A_256 = vector.load %arg14[%swap3A_254, %swap3A_255] : memref<3200x4xf32, #tpu.memory_space<vmem>>, vector<200x4xf32>
    tpu.vector_store %arg14[%swap3A_254, %swap3A_255], %concatenate3A_253 {strides = array<i32>} : memref<3200x4xf32, #tpu.memory_space<vmem>>, vector<200x4xf32>,
    %mul3A_257 = vector.broadcast %sqrt3A_241 : vector<200x1xf32> to vector<200x16xf32>
    %mul3A_258 = vector.broadcast %exp3A : vector<1x16xf32> to vector<200x16xf32>
    %mul3A_259 = arith.mulf %mul3A_257, %mul3A_258 : vector<200x16xf32>
    %sin3A_260 = math.sin %mul3A_259 : vector<200x16xf32>
    %cos3A_261 = math.cos %mul3A_259 : vector<200x16xf32>
    %concatenate3A_262 = tpu.concatenate %sin3A_260, %cos3A_261 in 1 : vector<200x16xf32>, vector<200x16xf32> -> vector<200x32xf32>
    %swap3A_263 = arith.constant 1400 : index
    %swap3A_264 = arith.constant 0 : index
    %swap3A_265 = vector.load %arg13[%swap3A_263, %swap3A_264] : memref<3200x32xf32, #tpu.memory_space<vmem>>, vector<200x32xf32>
    tpu.vector_store %arg13[%swap3A_263, %swap3A_264], %concatenate3A_262 {strides = array<i32>} : memref<3200x32xf32, #tpu.memory_space<vmem>>, vector<200x32xf32>,
    %get3A_266 = arith.constant 0 : index
    %get3A_267 = arith.constant 8 : index
    %get3A_268 = vector.load %arg2[%get3A_266, %get3A_267] : memref<200x16xf32, #tpu.memory_space<vmem>>, vector<200x1xf32>
    %add3A_269 = arith.constant 9.99999996E-13 : f32
    %add3A_270 = vector.broadcast %add3A_269 : f32 to vector<200x1xf32>
    %add3A_271 = arith.addf %get3A_268, %add3A_270 : vector<200x1xf32>
    %sqrt3A_272 = math.sqrt %add3A_271 : vector<200x1xf32>
    %get3A_273 = arith.constant 8 : index
    %get3A_274 = arith.constant 0 : index
    %get3A_275 = arith.constant 0 : index
    %get3A_276 = vector.load %arg1[%get3A_273, %get3A_274, %get3A_275] : memref<16x200x256xf32, #tpu.memory_space<vmem>>, vector<1x200x256xf32>
    %get3A_277 = vector.shape_cast %get3A_276 : vector<1x200x256xf32> to vector<200x256xf32>
    %slice3A_278 = vector.extract_strided_slice %get3A_277 {offsets = [0, 128], sizes = [200, 3], strides = [1, 1]} : vector<200x256xf32> to vector<200x3xf32>
    %sub3A_279 = arith.subf %slice3A_278, %get3A_1 : vector<200x3xf32>
    %div3A_280 = vector.broadcast %sqrt3A_272 : vector<200x1xf32> to vector<200x3xf32>
    %div3A_281 = arith.divf %sub3A_279, %div3A_280 : vector<200x3xf32>
    %broadcast_in_dim3A_282 = arith.constant 1.000000e+00 : f32
    %broadcast_in_dim3A_283 = vector.broadcast %broadcast_in_dim3A_282 : f32 to vector<200x1xf32>
    %concatenate3A_284 = tpu.concatenate %broadcast_in_dim3A_283, %div3A_281 in 1 : vector<200x1xf32>, vector<200x3xf32> -> vector<200x4xf32>
    %swap3A_285 = arith.constant 1600 : index
    %swap3A_286 = arith.constant 0 : index
    %swap3A_287 = vector.load %arg14[%swap3A_285, %swap3A_286] : memref<3200x4xf32, #tpu.memory_space<vmem>>, vector<200x4xf32>
    tpu.vector_store %arg14[%swap3A_285, %swap3A_286], %concatenate3A_284 {strides = array<i32>} : memref<3200x4xf32, #tpu.memory_space<vmem>>, vector<200x4xf32>,
    %mul3A_288 = vector.broadcast %sqrt3A_272 : vector<200x1xf32> to vector<200x16xf32>
    %mul3A_289 = vector.broadcast %exp3A : vector<1x16xf32> to vector<200x16xf32>
    %mul3A_290 = arith.mulf %mul3A_288, %mul3A_289 : vector<200x16xf32>
    %sin3A_291 = math.sin %mul3A_290 : vector<200x16xf32>
    %cos3A_292 = math.cos %mul3A_290 : vector<200x16xf32>
    %concatenate3A_293 = tpu.concatenate %sin3A_291, %cos3A_292 in 1 : vector<200x16xf32>, vector<200x16xf32> -> vector<200x32xf32>
    %swap3A_294 = arith.constant 1600 : index
    %swap3A_295 = arith.constant 0 : index
    %swap3A_296 = vector.load %arg13[%swap3A_294, %swap3A_295] : memref<3200x32xf32, #tpu.memory_space<vmem>>, vector<200x32xf32>
    tpu.vector_store %arg13[%swap3A_294, %swap3A_295], %concatenate3A_293 {strides = array<i32>} : memref<3200x32xf32, #tpu.memory_space<vmem>>, vector<200x32xf32>,
    %get3A_297 = arith.constant 0 : index
    %get3A_298 = arith.constant 9 : index
    %get3A_299 = vector.load %arg2[%get3A_297, %get3A_298] : memref<200x16xf32, #tpu.memory_space<vmem>>, vector<200x1xf32>
    %add3A_300 = arith.constant 9.99999996E-13 : f32
    %add3A_301 = vector.broadcast %add3A_300 : f32 to vector<200x1xf32>
    %add3A_302 = arith.addf %get3A_299, %add3A_301 : vector<200x1xf32>
    %sqrt3A_303 = math.sqrt %add3A_302 : vector<200x1xf32>
    %get3A_304 = arith.constant 9 : index
    %get3A_305 = arith.constant 0 : index
    %get3A_306 = arith.constant 0 : index
    %get3A_307 = vector.load %arg1[%get3A_304, %get3A_305, %get3A_306] : memref<16x200x256xf32, #tpu.memory_space<vmem>>, vector<1x200x256xf32>
    %get3A_308 = vector.shape_cast %get3A_307 : vector<1x200x256xf32> to vector<200x256xf32>
    %slice3A_309 = vector.extract_strided_slice %get3A_308 {offsets = [0, 128], sizes = [200, 3], strides = [1, 1]} : vector<200x256xf32> to vector<200x3xf32>
    %sub3A_310 = arith.subf %slice3A_309, %get3A_1 : vector<200x3xf32>
    %div3A_311 = vector.broadcast %sqrt3A_303 : vector<200x1xf32> to vector<200x3xf32>
    %div3A_312 = arith.divf %sub3A_310, %div3A_311 : vector<200x3xf32>
    %broadcast_in_dim3A_313 = arith.constant 1.000000e+00 : f32
    %broadcast_in_dim3A_314 = vector.broadcast %broadcast_in_dim3A_313 : f32 to vector<200x1xf32>
    %concatenate3A_315 = tpu.concatenate %broadcast_in_dim3A_314, %div3A_312 in 1 : vector<200x1xf32>, vector<200x3xf32> -> vector<200x4xf32>
    %swap3A_316 = arith.constant 1800 : index
    %swap3A_317 = arith.constant 0 : index
    %swap3A_318 = vector.load %arg14[%swap3A_316, %swap3A_317] : memref<3200x4xf32, #tpu.memory_space<vmem>>, vector<200x4xf32>
    tpu.vector_store %arg14[%swap3A_316, %swap3A_317], %concatenate3A_315 {strides = array<i32>} : memref<3200x4xf32, #tpu.memory_space<vmem>>, vector<200x4xf32>,
    %mul3A_319 = vector.broadcast %sqrt3A_303 : vector<200x1xf32> to vector<200x16xf32>
    %mul3A_320 = vector.broadcast %exp3A : vector<1x16xf32> to vector<200x16xf32>
    %mul3A_321 = arith.mulf %mul3A_319, %mul3A_320 : vector<200x16xf32>
    %sin3A_322 = math.sin %mul3A_321 : vector<200x16xf32>
    %cos3A_323 = math.cos %mul3A_321 : vector<200x16xf32>
    %concatenate3A_324 = tpu.concatenate %sin3A_322, %cos3A_323 in 1 : vector<200x16xf32>, vector<200x16xf32> -> vector<200x32xf32>
    %swap3A_325 = arith.constant 1800 : index
    %swap3A_326 = arith.constant 0 : index
    %swap3A_327 = vector.load %arg13[%swap3A_325, %swap3A_326] : memref<3200x32xf32, #tpu.memory_space<vmem>>, vector<200x32xf32>
    tpu.vector_store %arg13[%swap3A_325, %swap3A_326], %concatenate3A_324 {strides = array<i32>} : memref<3200x32xf32, #tpu.memory_space<vmem>>, vector<200x32xf32>,
    %get3A_328 = arith.constant 0 : index
    %get3A_329 = arith.constant 10 : index
    %get3A_330 = vector.load %arg2[%get3A_328, %get3A_329] : memref<200x16xf32, #tpu.memory_space<vmem>>, vector<200x1xf32>
    %add3A_331 = arith.constant 9.99999996E-13 : f32
    %add3A_332 = vector.broadcast %add3A_331 : f32 to vector<200x1xf32>
    %add3A_333 = arith.addf %get3A_330, %add3A_332 : vector<200x1xf32>
    %sqrt3A_334 = math.sqrt %add3A_333 : vector<200x1xf32>
    %get3A_335 = arith.constant 10 : index
    %get3A_336 = arith.constant 0 : index
    %get3A_337 = arith.constant 0 : index
    %get3A_338 = vector.load %arg1[%get3A_335, %get3A_336, %get3A_337] : memref<16x200x256xf32, #tpu.memory_space<vmem>>, vector<1x200x256xf32>
    %get3A_339 = vector.shape_cast %get3A_338 : vector<1x200x256xf32> to vector<200x256xf32>
    %slice3A_340 = vector.extract_strided_slice %get3A_339 {offsets = [0, 128], sizes = [200, 3], strides = [1, 1]} : vector<200x256xf32> to vector<200x3xf32>
    %sub3A_341 = arith.subf %slice3A_340, %get3A_1 : vector<200x3xf32>
    %div3A_342 = vector.broadcast %sqrt3A_334 : vector<200x1xf32> to vector<200x3xf32>
    %div3A_343 = arith.divf %sub3A_341, %div3A_342 : vector<200x3xf32>
    %broadcast_in_dim3A_344 = arith.constant 1.000000e+00 : f32
    %broadcast_in_dim3A_345 = vector.broadcast %broadcast_in_dim3A_344 : f32 to vector<200x1xf32>
    %concatenate3A_346 = tpu.concatenate %broadcast_in_dim3A_345, %div3A_343 in 1 : vector<200x1xf32>, vector<200x3xf32> -> vector<200x4xf32>
    %swap3A_347 = arith.constant 2000 : index
    %swap3A_348 = arith.constant 0 : index
    %swap3A_349 = vector.load %arg14[%swap3A_347, %swap3A_348] : memref<3200x4xf32, #tpu.memory_space<vmem>>, vector<200x4xf32>
    tpu.vector_store %arg14[%swap3A_347, %swap3A_348], %concatenate3A_346 {strides = array<i32>} : memref<3200x4xf32, #tpu.memory_space<vmem>>, vector<200x4xf32>,
    %mul3A_350 = vector.broadcast %sqrt3A_334 : vector<200x1xf32> to vector<200x16xf32>
    %mul3A_351 = vector.broadcast %exp3A : vector<1x16xf32> to vector<200x16xf32>
    %mul3A_352 = arith.mulf %mul3A_350, %mul3A_351 : vector<200x16xf32>
    %sin3A_353 = math.sin %mul3A_352 : vector<200x16xf32>
    %cos3A_354 = math.cos %mul3A_352 : vector<200x16xf32>
    %concatenate3A_355 = tpu.concatenate %sin3A_353, %cos3A_354 in 1 : vector<200x16xf32>, vector<200x16xf32> -> vector<200x32xf32>
    %swap3A_356 = arith.constant 2000 : index
    %swap3A_357 = arith.constant 0 : index
    %swap3A_358 = vector.load %arg13[%swap3A_356, %swap3A_357] : memref<3200x32xf32, #tpu.memory_space<vmem>>, vector<200x32xf32>
    tpu.vector_store %arg13[%swap3A_356, %swap3A_357], %concatenate3A_355 {strides = array<i32>} : memref<3200x32xf32, #tpu.memory_space<vmem>>, vector<200x32xf32>,
    %get3A_359 = arith.constant 0 : index
    %get3A_360 = arith.constant 11 : index
    %get3A_361 = vector.load %arg2[%get3A_359, %get3A_360] : memref<200x16xf32, #tpu.memory_space<vmem>>, vector<200x1xf32>
    %add3A_362 = arith.constant 9.99999996E-13 : f32
    %add3A_363 = vector.broadcast %add3A_362 : f32 to vector<200x1xf32>
    %add3A_364 = arith.addf %get3A_361, %add3A_363 : vector<200x1xf32>
    %sqrt3A_365 = math.sqrt %add3A_364 : vector<200x1xf32>
    %get3A_366 = arith.constant 11 : index
    %get3A_367 = arith.constant 0 : index
    %get3A_368 = arith.constant 0 : index
    %get3A_369 = vector.load %arg1[%get3A_366, %get3A_367, %get3A_368] : memref<16x200x256xf32, #tpu.memory_space<vmem>>, vector<1x200x256xf32>
    %get3A_370 = vector.shape_cast %get3A_369 : vector<1x200x256xf32> to vector<200x256xf32>
    %slice3A_371 = vector.extract_strided_slice %get3A_370 {offsets = [0, 128], sizes = [200, 3], strides = [1, 1]} : vector<200x256xf32> to vector<200x3xf32>
    %sub3A_372 = arith.subf %slice3A_371, %get3A_1 : vector<200x3xf32>
    %div3A_373 = vector.broadcast %sqrt3A_365 : vector<200x1xf32> to vector<200x3xf32>
    %div3A_374 = arith.divf %sub3A_372, %div3A_373 : vector<200x3xf32>
    %broadcast_in_dim3A_375 = arith.constant 1.000000e+00 : f32
    %broadcast_in_dim3A_376 = vector.broadcast %broadcast_in_dim3A_375 : f32 to vector<200x1xf32>
    %concatenate3A_377 = tpu.concatenate %broadcast_in_dim3A_376, %div3A_374 in 1 : vector<200x1xf32>, vector<200x3xf32> -> vector<200x4xf32>
    %swap3A_378 = arith.constant 2200 : index
    %swap3A_379 = arith.constant 0 : index
    %swap3A_380 = vector.load %arg14[%swap3A_378, %swap3A_379] : memref<3200x4xf32, #tpu.memory_space<vmem>>, vector<200x4xf32>
    tpu.vector_store %arg14[%swap3A_378, %swap3A_379], %concatenate3A_377 {strides = array<i32>} : memref<3200x4xf32, #tpu.memory_space<vmem>>, vector<200x4xf32>,
    %mul3A_381 = vector.broadcast %sqrt3A_365 : vector<200x1xf32> to vector<200x16xf32>
    %mul3A_382 = vector.broadcast %exp3A : vector<1x16xf32> to vector<200x16xf32>
    %mul3A_383 = arith.mulf %mul3A_381, %mul3A_382 : vector<200x16xf32>
    %sin3A_384 = math.sin %mul3A_383 : vector<200x16xf32>
    %cos3A_385 = math.cos %mul3A_383 : vector<200x16xf32>
    %concatenate3A_386 = tpu.concatenate %sin3A_384, %cos3A_385 in 1 : vector<200x16xf32>, vector<200x16xf32> -> vector<200x32xf32>
    %swap3A_387 = arith.constant 2200 : index
    %swap3A_388 = arith.constant 0 : index
    %swap3A_389 = vector.load %arg13[%swap3A_387, %swap3A_388] : memref<3200x32xf32, #tpu.memory_space<vmem>>, vector<200x32xf32>
    tpu.vector_store %arg13[%swap3A_387, %swap3A_388], %concatenate3A_386 {strides = array<i32>} : memref<3200x32xf32, #tpu.memory_space<vmem>>, vector<200x32xf32>,
    %get3A_390 = arith.constant 0 : index
    %get3A_391 = arith.constant 12 : index
    %get3A_392 = vector.load %arg2[%get3A_390, %get3A_391] : memref<200x16xf32, #tpu.memory_space<vmem>>, vector<200x1xf32>
    %add3A_393 = arith.constant 9.99999996E-13 : f32
    %add3A_394 = vector.broadcast %add3A_393 : f32 to vector<200x1xf32>
    %add3A_395 = arith.addf %get3A_392, %add3A_394 : vector<200x1xf32>
    %sqrt3A_396 = math.sqrt %add3A_395 : vector<200x1xf32>
    %get3A_397 = arith.constant 12 : index
    %get3A_398 = arith.constant 0 : index
    %get3A_399 = arith.constant 0 : index
    %get3A_400 = vector.load %arg1[%get3A_397, %get3A_398, %get3A_399] : memref<16x200x256xf32, #tpu.memory_space<vmem>>, vector<1x200x256xf32>
    %get3A_401 = vector.shape_cast %get3A_400 : vector<1x200x256xf32> to vector<200x256xf32>
    %slice3A_402 = vector.extract_strided_slice %get3A_401 {offsets = [0, 128], sizes = [200, 3], strides = [1, 1]} : vector<200x256xf32> to vector<200x3xf32>
    %sub3A_403 = arith.subf %slice3A_402, %get3A_1 : vector<200x3xf32>
    %div3A_404 = vector.broadcast %sqrt3A_396 : vector<200x1xf32> to vector<200x3xf32>
    %div3A_405 = arith.divf %sub3A_403, %div3A_404 : vector<200x3xf32>
    %broadcast_in_dim3A_406 = arith.constant 1.000000e+00 : f32
    %broadcast_in_dim3A_407 = vector.broadcast %broadcast_in_dim3A_406 : f32 to vector<200x1xf32>
    %concatenate3A_408 = tpu.concatenate %broadcast_in_dim3A_407, %div3A_405 in 1 : vector<200x1xf32>, vector<200x3xf32> -> vector<200x4xf32>
    %swap3A_409 = arith.constant 2400 : index
    %swap3A_410 = arith.constant 0 : index
    %swap3A_411 = vector.load %arg14[%swap3A_409, %swap3A_410] : memref<3200x4xf32, #tpu.memory_space<vmem>>, vector<200x4xf32>
    tpu.vector_store %arg14[%swap3A_409, %swap3A_410], %concatenate3A_408 {strides = array<i32>} : memref<3200x4xf32, #tpu.memory_space<vmem>>, vector<200x4xf32>,
    %mul3A_412 = vector.broadcast %sqrt3A_396 : vector<200x1xf32> to vector<200x16xf32>
    %mul3A_413 = vector.broadcast %exp3A : vector<1x16xf32> to vector<200x16xf32>
    %mul3A_414 = arith.mulf %mul3A_412, %mul3A_413 : vector<200x16xf32>
    %sin3A_415 = math.sin %mul3A_414 : vector<200x16xf32>
    %cos3A_416 = math.cos %mul3A_414 : vector<200x16xf32>
    %concatenate3A_417 = tpu.concatenate %sin3A_415, %cos3A_416 in 1 : vector<200x16xf32>, vector<200x16xf32> -> vector<200x32xf32>
    %swap3A_418 = arith.constant 2400 : index
    %swap3A_419 = arith.constant 0 : index
    %swap3A_420 = vector.load %arg13[%swap3A_418, %swap3A_419] : memref<3200x32xf32, #tpu.memory_space<vmem>>, vector<200x32xf32>
    tpu.vector_store %arg13[%swap3A_418, %swap3A_419], %concatenate3A_417 {strides = array<i32>} : memref<3200x32xf32, #tpu.memory_space<vmem>>, vector<200x32xf32>,
    %get3A_421 = arith.constant 0 : index
    %get3A_422 = arith.constant 13 : index
    %get3A_423 = vector.load %arg2[%get3A_421, %get3A_422] : memref<200x16xf32, #tpu.memory_space<vmem>>, vector<200x1xf32>
    %add3A_424 = arith.constant 9.99999996E-13 : f32
    %add3A_425 = vector.broadcast %add3A_424 : f32 to vector<200x1xf32>
    %add3A_426 = arith.addf %get3A_423, %add3A_425 : vector<200x1xf32>
    %sqrt3A_427 = math.sqrt %add3A_426 : vector<200x1xf32>
    %get3A_428 = arith.constant 13 : index
    %get3A_429 = arith.constant 0 : index
    %get3A_430 = arith.constant 0 : index
    %get3A_431 = vector.load %arg1[%get3A_428, %get3A_429, %get3A_430] : memref<16x200x256xf32, #tpu.memory_space<vmem>>, vector<1x200x256xf32>
    %get3A_432 = vector.shape_cast %get3A_431 : vector<1x200x256xf32> to vector<200x256xf32>
    %slice3A_433 = vector.extract_strided_slice %get3A_432 {offsets = [0, 128], sizes = [200, 3], strides = [1, 1]} : vector<200x256xf32> to vector<200x3xf32>
    %sub3A_434 = arith.subf %slice3A_433, %get3A_1 : vector<200x3xf32>
    %div3A_435 = vector.broadcast %sqrt3A_427 : vector<200x1xf32> to vector<200x3xf32>
    %div3A_436 = arith.divf %sub3A_434, %div3A_435 : vector<200x3xf32>
    %broadcast_in_dim3A_437 = arith.constant 1.000000e+00 : f32
    %broadcast_in_dim3A_438 = vector.broadcast %broadcast_in_dim3A_437 : f32 to vector<200x1xf32>
    %concatenate3A_439 = tpu.concatenate %broadcast_in_dim3A_438, %div3A_436 in 1 : vector<200x1xf32>, vector<200x3xf32> -> vector<200x4xf32>
    %swap3A_440 = arith.constant 2600 : index
    %swap3A_441 = arith.constant 0 : index
    %swap3A_442 = vector.load %arg14[%swap3A_440, %swap3A_441] : memref<3200x4xf32, #tpu.memory_space<vmem>>, vector<200x4xf32>
    tpu.vector_store %arg14[%swap3A_440, %swap3A_441], %concatenate3A_439 {strides = array<i32>} : memref<3200x4xf32, #tpu.memory_space<vmem>>, vector<200x4xf32>,
    %mul3A_443 = vector.broadcast %sqrt3A_427 : vector<200x1xf32> to vector<200x16xf32>
    %mul3A_444 = vector.broadcast %exp3A : vector<1x16xf32> to vector<200x16xf32>
    %mul3A_445 = arith.mulf %mul3A_443, %mul3A_444 : vector<200x16xf32>
    %sin3A_446 = math.sin %mul3A_445 : vector<200x16xf32>
    %cos3A_447 = math.cos %mul3A_445 : vector<200x16xf32>
    %concatenate3A_448 = tpu.concatenate %sin3A_446, %cos3A_447 in 1 : vector<200x16xf32>, vector<200x16xf32> -> vector<200x32xf32>
    %swap3A_449 = arith.constant 2600 : index
    %swap3A_450 = arith.constant 0 : index
    %swap3A_451 = vector.load %arg13[%swap3A_449, %swap3A_450] : memref<3200x32xf32, #tpu.memory_space<vmem>>, vector<200x32xf32>
    tpu.vector_store %arg13[%swap3A_449, %swap3A_450], %concatenate3A_448 {strides = array<i32>} : memref<3200x32xf32, #tpu.memory_space<vmem>>, vector<200x32xf32>,
    %get3A_452 = arith.constant 0 : index
    %get3A_453 = arith.constant 14 : index
    %get3A_454 = vector.load %arg2[%get3A_452, %get3A_453] : memref<200x16xf32, #tpu.memory_space<vmem>>, vector<200x1xf32>
    %add3A_455 = arith.constant 9.99999996E-13 : f32
    %add3A_456 = vector.broadcast %add3A_455 : f32 to vector<200x1xf32>
    %add3A_457 = arith.addf %get3A_454, %add3A_456 : vector<200x1xf32>
    %sqrt3A_458 = math.sqrt %add3A_457 : vector<200x1xf32>
    %get3A_459 = arith.constant 14 : index
    %get3A_460 = arith.constant 0 : index
    %get3A_461 = arith.constant 0 : index
    %get3A_462 = vector.load %arg1[%get3A_459, %get3A_460, %get3A_461] : memref<16x200x256xf32, #tpu.memory_space<vmem>>, vector<1x200x256xf32>
    %get3A_463 = vector.shape_cast %get3A_462 : vector<1x200x256xf32> to vector<200x256xf32>
    %slice3A_464 = vector.extract_strided_slice %get3A_463 {offsets = [0, 128], sizes = [200, 3], strides = [1, 1]} : vector<200x256xf32> to vector<200x3xf32>
    %sub3A_465 = arith.subf %slice3A_464, %get3A_1 : vector<200x3xf32>
    %div3A_466 = vector.broadcast %sqrt3A_458 : vector<200x1xf32> to vector<200x3xf32>
    %div3A_467 = arith.divf %sub3A_465, %div3A_466 : vector<200x3xf32>
    %broadcast_in_dim3A_468 = arith.constant 1.000000e+00 : f32
    %broadcast_in_dim3A_469 = vector.broadcast %broadcast_in_dim3A_468 : f32 to vector<200x1xf32>
    %concatenate3A_470 = tpu.concatenate %broadcast_in_dim3A_469, %div3A_467 in 1 : vector<200x1xf32>, vector<200x3xf32> -> vector<200x4xf32>
    %swap3A_471 = arith.constant 2800 : index
    %swap3A_472 = arith.constant 0 : index
    %swap3A_473 = vector.load %arg14[%swap3A_471, %swap3A_472] : memref<3200x4xf32, #tpu.memory_space<vmem>>, vector<200x4xf32>
    tpu.vector_store %arg14[%swap3A_471, %swap3A_472], %concatenate3A_470 {strides = array<i32>} : memref<3200x4xf32, #tpu.memory_space<vmem>>, vector<200x4xf32>,
    %mul3A_474 = vector.broadcast %sqrt3A_458 : vector<200x1xf32> to vector<200x16xf32>
    %mul3A_475 = vector.broadcast %exp3A : vector<1x16xf32> to vector<200x16xf32>
    %mul3A_476 = arith.mulf %mul3A_474, %mul3A_475 : vector<200x16xf32>
    %sin3A_477 = math.sin %mul3A_476 : vector<200x16xf32>
    %cos3A_478 = math.cos %mul3A_476 : vector<200x16xf32>
    %concatenate3A_479 = tpu.concatenate %sin3A_477, %cos3A_478 in 1 : vector<200x16xf32>, vector<200x16xf32> -> vector<200x32xf32>
    %swap3A_480 = arith.constant 2800 : index
    %swap3A_481 = arith.constant 0 : index
    %swap3A_482 = vector.load %arg13[%swap3A_480, %swap3A_481] : memref<3200x32xf32, #tpu.memory_space<vmem>>, vector<200x32xf32>
    tpu.vector_store %arg13[%swap3A_480, %swap3A_481], %concatenate3A_479 {strides = array<i32>} : memref<3200x32xf32, #tpu.memory_space<vmem>>, vector<200x32xf32>,
    %get3A_483 = arith.constant 0 : index
    %get3A_484 = arith.constant 15 : index
    %get3A_485 = vector.load %arg2[%get3A_483, %get3A_484] : memref<200x16xf32, #tpu.memory_space<vmem>>, vector<200x1xf32>
    %add3A_486 = arith.constant 9.99999996E-13 : f32
    %add3A_487 = vector.broadcast %add3A_486 : f32 to vector<200x1xf32>
    %add3A_488 = arith.addf %get3A_485, %add3A_487 : vector<200x1xf32>
    %sqrt3A_489 = math.sqrt %add3A_488 : vector<200x1xf32>
    %get3A_490 = arith.constant 15 : index
    %get3A_491 = arith.constant 0 : index
    %get3A_492 = arith.constant 0 : index
    %get3A_493 = vector.load %arg1[%get3A_490, %get3A_491, %get3A_492] : memref<16x200x256xf32, #tpu.memory_space<vmem>>, vector<1x200x256xf32>
    %get3A_494 = vector.shape_cast %get3A_493 : vector<1x200x256xf32> to vector<200x256xf32>
    %slice3A_495 = vector.extract_strided_slice %get3A_494 {offsets = [0, 128], sizes = [200, 3], strides = [1, 1]} : vector<200x256xf32> to vector<200x3xf32>
    %sub3A_496 = arith.subf %slice3A_495, %get3A_1 : vector<200x3xf32>
    %div3A_497 = vector.broadcast %sqrt3A_489 : vector<200x1xf32> to vector<200x3xf32>
    %div3A_498 = arith.divf %sub3A_496, %div3A_497 : vector<200x3xf32>
    %broadcast_in_dim3A_499 = arith.constant 1.000000e+00 : f32
    %broadcast_in_dim3A_500 = vector.broadcast %broadcast_in_dim3A_499 : f32 to vector<200x1xf32>
    %concatenate3A_501 = tpu.concatenate %broadcast_in_dim3A_500, %div3A_498 in 1 : vector<200x1xf32>, vector<200x3xf32> -> vector<200x4xf32>
    %swap3A_502 = arith.constant 3000 : index
    %swap3A_503 = arith.constant 0 : index
    %swap3A_504 = vector.load %arg14[%swap3A_502, %swap3A_503] : memref<3200x4xf32, #tpu.memory_space<vmem>>, vector<200x4xf32>
    tpu.vector_store %arg14[%swap3A_502, %swap3A_503], %concatenate3A_501 {strides = array<i32>} : memref<3200x4xf32, #tpu.memory_space<vmem>>, vector<200x4xf32>,
    %mul3A_505 = vector.broadcast %sqrt3A_489 : vector<200x1xf32> to vector<200x16xf32>
    %mul3A_506 = vector.broadcast %exp3A : vector<1x16xf32> to vector<200x16xf32>
    %mul3A_507 = arith.mulf %mul3A_505, %mul3A_506 : vector<200x16xf32>
    %sin3A_508 = math.sin %mul3A_507 : vector<200x16xf32>
    %cos3A_509 = math.cos %mul3A_507 : vector<200x16xf32>
    %concatenate3A_510 = tpu.concatenate %sin3A_508, %cos3A_509 in 1 : vector<200x16xf32>, vector<200x16xf32> -> vector<200x32xf32>
    %swap3A_511 = arith.constant 3000 : index
    %swap3A_512 = arith.constant 0 : index
    %swap3A_513 = vector.load %arg13[%swap3A_511, %swap3A_512] : memref<3200x32xf32, #tpu.memory_space<vmem>>, vector<200x32xf32>
    tpu.vector_store %arg13[%swap3A_511, %swap3A_512], %concatenate3A_510 {strides = array<i32>} : memref<3200x32xf32, #tpu.memory_space<vmem>>, vector<200x32xf32>,
    %get3A_514 = arith.constant 0 : index
    %get3A_515 = arith.constant 0 : index
    %get3A_516 = vector.load %arg13[%get3A_514, %get3A_515] : memref<3200x32xf32, #tpu.memory_space<vmem>>, vector<3200x32xf32>
    %dot_general3A = arith.constant dense<0.000000e+00> : vector<3200x64xf32>
    %dot_general3A_517 = tpu.matmul %get3A_516, %get3A_4, %dot_general3A {dimension_numbers = #tpu.dot_dimension_numbers<[1], [0], [0], [1], [0, 0, 1, 1], [], []>, transpose_lhs_hint = false} : vector<3200x32xf32>, vector<32x64xf32>, vector<3200x64xf32> -> vector<3200x64xf32>
    %add3A_518 = vector.broadcast %get3A_7 : vector<1x64xf32> to vector<3200x64xf32>
    %add3A_519 = arith.addf %dot_general3A_517, %add3A_518 : vector<3200x64xf32>
    %max3A = arith.constant 0.000000e+00 : f32
    %max3A_520 = vector.broadcast %max3A : f32 to vector<3200x64xf32>
    %max3A_521 = arith.maximumf %add3A_519, %max3A_520 : vector<3200x64xf32>
    %dot_general3A_522 = arith.constant dense<0.000000e+00> : vector<3200x128xf32>
    %dot_general3A_523 = tpu.matmul %max3A_521, %get3A_10, %dot_general3A_522 {dimension_numbers = #tpu.dot_dimension_numbers<[1], [0], [0], [1], [0, 0, 1, 1], [], []>, transpose_lhs_hint = false} : vector<3200x64xf32>, vector<64x128xf32>, vector<3200x128xf32> -> vector<3200x128xf32>
    %add3A_524 = vector.broadcast %get3A_13 : vector<1x128xf32> to vector<3200x128xf32>
    %add3A_525 = arith.addf %dot_general3A_523, %add3A_524 : vector<3200x128xf32>
    %get3A_526 = arith.constant 0 : index
    %get3A_527 = arith.constant 0 : index
    %get3A_528 = arith.constant 0 : index
    %get3A_529 = vector.load %arg1[%get3A_526, %get3A_527, %get3A_528] : memref<16x200x256xf32, #tpu.memory_space<vmem>>, vector<16x200x256xf32>
    %reshape3A = vector.shape_cast %get3A_529 : vector<16x200x256xf32> to vector<3200x256xf32>
    %slice3A_530 = vector.extract_strided_slice %reshape3A {offsets = [0, 0], sizes = [3200, 128], strides = [1, 1]} : vector<3200x256xf32> to vector<3200x128xf32>
    %logistic3A = arith.negf %add3A_525 : vector<3200x128xf32>
    %logistic3A_531 = math.exp %logistic3A : vector<3200x128xf32>
    %logistic3A_532 = arith.constant 1.000000e+00 : f32
    %logistic3A_533 = vector.broadcast %logistic3A_532 : f32 to vector<3200x128xf32>
    %logistic3A_534 = arith.addf %logistic3A_533, %logistic3A_531 : vector<3200x128xf32>
    %logistic3A_535 = arith.divf %logistic3A_533, %logistic3A_534 : vector<3200x128xf32>
    %mul3A_536 = arith.mulf %add3A_525, %logistic3A_535 : vector<3200x128xf32>
    %mul3A_537 = arith.mulf %slice3A_530, %mul3A_536 : vector<3200x128xf32>
    %dot_general3A_538 = arith.constant dense<0.000000e+00> : vector<3200x8xf32>
    %dot_general3A_539 = tpu.matmul %mul3A_537, %get3A_16, %dot_general3A_538 {dimension_numbers = #tpu.dot_dimension_numbers<[1], [0], [0], [1], [0, 0, 1, 1], [], []>, transpose_lhs_hint = false} : vector<3200x128xf32>, vector<128x8xf32>, vector<3200x8xf32> -> vector<3200x8xf32>
    %jit3A = arith.constant 2.000000e-01 : f32
    %ge3A = arith.constant 0.000000e+00 : f32
    %ge3A_540 = vector.broadcast %ge3A : f32 to vector<3200x8xf32>
    %ge3A_541 = arith.cmpf oge, %dot_general3A_539, %ge3A_540 : vector<3200x8xf32>
    %mul3A_542 = vector.broadcast %jit3A : f32 to vector<3200x8xf32>
    %mul3A_543 = arith.mulf %mul3A_542, %dot_general3A_539 : vector<3200x8xf32>
    %select_n3A = arith.select %ge3A_541, %dot_general3A_539, %mul3A_543 : vector<3200x8xi1>, vector<3200x8xf32>
    %get3A_544 = arith.constant 0 : index
    %get3A_545 = arith.constant 0 : index
    %get3A_546 = vector.load %arg14[%get3A_544, %get3A_545] : memref<3200x4xf32, #tpu.memory_space<vmem>>, vector<3200x4xf32>
    %dot_general3A_547 = arith.constant dense<0.000000e+00> : vector<3200x8xf32>
    %dot_general3A_548 = tpu.matmul %get3A_546, %get3A_19, %dot_general3A_547 {dimension_numbers = #tpu.dot_dimension_numbers<[1], [0], [0], [1], [0, 0, 1, 1], [], []>, transpose_lhs_hint = false} : vector<3200x4xf32>, vector<4x8xf32>, vector<3200x8xf32> -> vector<3200x8xf32>
    %add3A_549 = arith.addf %select_n3A, %dot_general3A_548 : vector<3200x8xf32>
    %broadcast_in_dim3A_550 = arith.constant -1.000000e+30 : f32
    %broadcast_in_dim3A_551 = vector.broadcast %broadcast_in_dim3A_550 : f32 to vector<200x8xf32>
    %get3A_552 = arith.constant 0 : index
    %get3A_553 = arith.constant 0 : index
    %get3A_554 = vector.load %arg2[%get3A_552, %get3A_553] : memref<200x16xf32, #tpu.memory_space<vmem>>, vector<200x1xf32>
    %add3A_555 = arith.constant 9.99999996E-13 : f32
    %add3A_556 = vector.broadcast %add3A_555 : f32 to vector<200x1xf32>
    %add3A_557 = arith.addf %get3A_554, %add3A_556 : vector<200x1xf32>
    %sqrt3A_558 = math.sqrt %add3A_557 : vector<200x1xf32>
    %lt3A = arith.constant 5.000000e-01 : f32
    %lt3A_559 = vector.broadcast %lt3A : f32 to vector<200x1xf32>
    %lt3A_560 = arith.cmpf olt, %sqrt3A_558, %lt3A_559 : vector<200x1xf32>
    %slice3A_561 = vector.extract_strided_slice %add3A_549 {offsets = [0, 0], sizes = [200, 8], strides = [1, 1]} : vector<3200x8xf32> to vector<200x8xf32>
    %jit3A_562 = arith.constant -1.000000e+09 : f32
    %broadcast_in_dim3A_563 = vector.shape_cast %lt3A_560 : vector<200x1xi1> to vector<200x1xi1>
    %broadcast_in_dim3A_564 = vector.broadcast %broadcast_in_dim3A_563 : vector<200x1xi1> to vector<200x8xi1>
    %broadcast_in_dim3A_565 = vector.broadcast %jit3A_562 : f32 to vector<200x8xf32>
    %select_n3A_566 = arith.select %broadcast_in_dim3A_564, %slice3A_561, %broadcast_in_dim3A_565 : vector<200x8xi1>, vector<200x8xf32>
    %max3A_567 = arith.maximumf %broadcast_in_dim3A_551, %select_n3A_566 : vector<200x8xf32>
    %get3A_568 = arith.constant 0 : index
    %get3A_569 = arith.constant 1 : index
    %get3A_570 = vector.load %arg2[%get3A_568, %get3A_569] : memref<200x16xf32, #tpu.memory_space<vmem>>, vector<200x1xf32>
    %add3A_571 = arith.constant 9.99999996E-13 : f32
    %add3A_572 = vector.broadcast %add3A_571 : f32 to vector<200x1xf32>
    %add3A_573 = arith.addf %get3A_570, %add3A_572 : vector<200x1xf32>
    %sqrt3A_574 = math.sqrt %add3A_573 : vector<200x1xf32>
    %lt3A_575 = arith.constant 5.000000e-01 : f32
    %lt3A_576 = vector.broadcast %lt3A_575 : f32 to vector<200x1xf32>
    %lt3A_577 = arith.cmpf olt, %sqrt3A_574, %lt3A_576 : vector<200x1xf32>
    %slice3A_578 = vector.extract_strided_slice %add3A_549 {offsets = [200, 0], sizes = [200, 8], strides = [1, 1]} : vector<3200x8xf32> to vector<200x8xf32>
    %jit3A_579 = arith.constant -1.000000e+09 : f32
    %broadcast_in_dim3A_580 = vector.shape_cast %lt3A_577 : vector<200x1xi1> to vector<200x1xi1>
    %broadcast_in_dim3A_581 = vector.broadcast %broadcast_in_dim3A_580 : vector<200x1xi1> to vector<200x8xi1>
    %broadcast_in_dim3A_582 = vector.broadcast %jit3A_579 : f32 to vector<200x8xf32>
    %select_n3A_583 = arith.select %broadcast_in_dim3A_581, %slice3A_578, %broadcast_in_dim3A_582 : vector<200x8xi1>, vector<200x8xf32>
    %max3A_584 = arith.maximumf %max3A_567, %select_n3A_583 : vector<200x8xf32>
    %get3A_585 = arith.constant 0 : index
    %get3A_586 = arith.constant 2 : index
    %get3A_587 = vector.load %arg2[%get3A_585, %get3A_586] : memref<200x16xf32, #tpu.memory_space<vmem>>, vector<200x1xf32>
    %add3A_588 = arith.constant 9.99999996E-13 : f32
    %add3A_589 = vector.broadcast %add3A_588 : f32 to vector<200x1xf32>
    %add3A_590 = arith.addf %get3A_587, %add3A_589 : vector<200x1xf32>
    %sqrt3A_591 = math.sqrt %add3A_590 : vector<200x1xf32>
    %lt3A_592 = arith.constant 5.000000e-01 : f32
    %lt3A_593 = vector.broadcast %lt3A_592 : f32 to vector<200x1xf32>
    %lt3A_594 = arith.cmpf olt, %sqrt3A_591, %lt3A_593 : vector<200x1xf32>
    %slice3A_595 = vector.extract_strided_slice %add3A_549 {offsets = [400, 0], sizes = [200, 8], strides = [1, 1]} : vector<3200x8xf32> to vector<200x8xf32>
    %jit3A_596 = arith.constant -1.000000e+09 : f32
    %broadcast_in_dim3A_597 = vector.shape_cast %lt3A_594 : vector<200x1xi1> to vector<200x1xi1>
    %broadcast_in_dim3A_598 = vector.broadcast %broadcast_in_dim3A_597 : vector<200x1xi1> to vector<200x8xi1>
    %broadcast_in_dim3A_599 = vector.broadcast %jit3A_596 : f32 to vector<200x8xf32>
    %select_n3A_600 = arith.select %broadcast_in_dim3A_598, %slice3A_595, %broadcast_in_dim3A_599 : vector<200x8xi1>, vector<200x8xf32>
    %max3A_601 = arith.maximumf %max3A_584, %select_n3A_600 : vector<200x8xf32>
    %get3A_602 = arith.constant 0 : index
    %get3A_603 = arith.constant 3 : index
    %get3A_604 = vector.load %arg2[%get3A_602, %get3A_603] : memref<200x16xf32, #tpu.memory_space<vmem>>, vector<200x1xf32>
    %add3A_605 = arith.constant 9.99999996E-13 : f32
    %add3A_606 = vector.broadcast %add3A_605 : f32 to vector<200x1xf32>
    %add3A_607 = arith.addf %get3A_604, %add3A_606 : vector<200x1xf32>
    %sqrt3A_608 = math.sqrt %add3A_607 : vector<200x1xf32>
    %lt3A_609 = arith.constant 5.000000e-01 : f32
    %lt3A_610 = vector.broadcast %lt3A_609 : f32 to vector<200x1xf32>
    %lt3A_611 = arith.cmpf olt, %sqrt3A_608, %lt3A_610 : vector<200x1xf32>
    %slice3A_612 = vector.extract_strided_slice %add3A_549 {offsets = [600, 0], sizes = [200, 8], strides = [1, 1]} : vector<3200x8xf32> to vector<200x8xf32>
    %jit3A_613 = arith.constant -1.000000e+09 : f32
    %broadcast_in_dim3A_614 = vector.shape_cast %lt3A_611 : vector<200x1xi1> to vector<200x1xi1>
    %broadcast_in_dim3A_615 = vector.broadcast %broadcast_in_dim3A_614 : vector<200x1xi1> to vector<200x8xi1>
    %broadcast_in_dim3A_616 = vector.broadcast %jit3A_613 : f32 to vector<200x8xf32>
    %select_n3A_617 = arith.select %broadcast_in_dim3A_615, %slice3A_612, %broadcast_in_dim3A_616 : vector<200x8xi1>, vector<200x8xf32>
    %max3A_618 = arith.maximumf %max3A_601, %select_n3A_617 : vector<200x8xf32>
    %get3A_619 = arith.constant 0 : index
    %get3A_620 = arith.constant 4 : index
    %get3A_621 = vector.load %arg2[%get3A_619, %get3A_620] : memref<200x16xf32, #tpu.memory_space<vmem>>, vector<200x1xf32>
    %add3A_622 = arith.constant 9.99999996E-13 : f32
    %add3A_623 = vector.broadcast %add3A_622 : f32 to vector<200x1xf32>
    %add3A_624 = arith.addf %get3A_621, %add3A_623 : vector<200x1xf32>
    %sqrt3A_625 = math.sqrt %add3A_624 : vector<200x1xf32>
    %lt3A_626 = arith.constant 5.000000e-01 : f32
    %lt3A_627 = vector.broadcast %lt3A_626 : f32 to vector<200x1xf32>
    %lt3A_628 = arith.cmpf olt, %sqrt3A_625, %lt3A_627 : vector<200x1xf32>
    %slice3A_629 = vector.extract_strided_slice %add3A_549 {offsets = [800, 0], sizes = [200, 8], strides = [1, 1]} : vector<3200x8xf32> to vector<200x8xf32>
    %jit3A_630 = arith.constant -1.000000e+09 : f32
    %broadcast_in_dim3A_631 = vector.shape_cast %lt3A_628 : vector<200x1xi1> to vector<200x1xi1>
    %broadcast_in_dim3A_632 = vector.broadcast %broadcast_in_dim3A_631 : vector<200x1xi1> to vector<200x8xi1>
    %broadcast_in_dim3A_633 = vector.broadcast %jit3A_630 : f32 to vector<200x8xf32>
    %select_n3A_634 = arith.select %broadcast_in_dim3A_632, %slice3A_629, %broadcast_in_dim3A_633 : vector<200x8xi1>, vector<200x8xf32>
    %max3A_635 = arith.maximumf %max3A_618, %select_n3A_634 : vector<200x8xf32>
    %get3A_636 = arith.constant 0 : index
    %get3A_637 = arith.constant 5 : index
    %get3A_638 = vector.load %arg2[%get3A_636, %get3A_637] : memref<200x16xf32, #tpu.memory_space<vmem>>, vector<200x1xf32>
    %add3A_639 = arith.constant 9.99999996E-13 : f32
    %add3A_640 = vector.broadcast %add3A_639 : f32 to vector<200x1xf32>
    %add3A_641 = arith.addf %get3A_638, %add3A_640 : vector<200x1xf32>
    %sqrt3A_642 = math.sqrt %add3A_641 : vector<200x1xf32>
    %lt3A_643 = arith.constant 5.000000e-01 : f32
    %lt3A_644 = vector.broadcast %lt3A_643 : f32 to vector<200x1xf32>
    %lt3A_645 = arith.cmpf olt, %sqrt3A_642, %lt3A_644 : vector<200x1xf32>
    %slice3A_646 = vector.extract_strided_slice %add3A_549 {offsets = [1000, 0], sizes = [200, 8], strides = [1, 1]} : vector<3200x8xf32> to vector<200x8xf32>
    %jit3A_647 = arith.constant -1.000000e+09 : f32
    %broadcast_in_dim3A_648 = vector.shape_cast %lt3A_645 : vector<200x1xi1> to vector<200x1xi1>
    %broadcast_in_dim3A_649 = vector.broadcast %broadcast_in_dim3A_648 : vector<200x1xi1> to vector<200x8xi1>
    %broadcast_in_dim3A_650 = vector.broadcast %jit3A_647 : f32 to vector<200x8xf32>
    %select_n3A_651 = arith.select %broadcast_in_dim3A_649, %slice3A_646, %broadcast_in_dim3A_650 : vector<200x8xi1>, vector<200x8xf32>
    %max3A_652 = arith.maximumf %max3A_635, %select_n3A_651 : vector<200x8xf32>
    %get3A_653 = arith.constant 0 : index
    %get3A_654 = arith.constant 6 : index
    %get3A_655 = vector.load %arg2[%get3A_653, %get3A_654] : memref<200x16xf32, #tpu.memory_space<vmem>>, vector<200x1xf32>
    %add3A_656 = arith.constant 9.99999996E-13 : f32
    %add3A_657 = vector.broadcast %add3A_656 : f32 to vector<200x1xf32>
    %add3A_658 = arith.addf %get3A_655, %add3A_657 : vector<200x1xf32>
    %sqrt3A_659 = math.sqrt %add3A_658 : vector<200x1xf32>
    %lt3A_660 = arith.constant 5.000000e-01 : f32
    %lt3A_661 = vector.broadcast %lt3A_660 : f32 to vector<200x1xf32>
    %lt3A_662 = arith.cmpf olt, %sqrt3A_659, %lt3A_661 : vector<200x1xf32>
    %slice3A_663 = vector.extract_strided_slice %add3A_549 {offsets = [1200, 0], sizes = [200, 8], strides = [1, 1]} : vector<3200x8xf32> to vector<200x8xf32>
    %jit3A_664 = arith.constant -1.000000e+09 : f32
    %broadcast_in_dim3A_665 = vector.shape_cast %lt3A_662 : vector<200x1xi1> to vector<200x1xi1>
    %broadcast_in_dim3A_666 = vector.broadcast %broadcast_in_dim3A_665 : vector<200x1xi1> to vector<200x8xi1>
    %broadcast_in_dim3A_667 = vector.broadcast %jit3A_664 : f32 to vector<200x8xf32>
    %select_n3A_668 = arith.select %broadcast_in_dim3A_666, %slice3A_663, %broadcast_in_dim3A_667 : vector<200x8xi1>, vector<200x8xf32>
    %max3A_669 = arith.maximumf %max3A_652, %select_n3A_668 : vector<200x8xf32>
    %get3A_670 = arith.constant 0 : index
    %get3A_671 = arith.constant 7 : index
    %get3A_672 = vector.load %arg2[%get3A_670, %get3A_671] : memref<200x16xf32, #tpu.memory_space<vmem>>, vector<200x1xf32>
    %add3A_673 = arith.constant 9.99999996E-13 : f32
    %add3A_674 = vector.broadcast %add3A_673 : f32 to vector<200x1xf32>
    %add3A_675 = arith.addf %get3A_672, %add3A_674 : vector<200x1xf32>
    %sqrt3A_676 = math.sqrt %add3A_675 : vector<200x1xf32>
    %lt3A_677 = arith.constant 5.000000e-01 : f32
    %lt3A_678 = vector.broadcast %lt3A_677 : f32 to vector<200x1xf32>
    %lt3A_679 = arith.cmpf olt, %sqrt3A_676, %lt3A_678 : vector<200x1xf32>
    %slice3A_680 = vector.extract_strided_slice %add3A_549 {offsets = [1400, 0], sizes = [200, 8], strides = [1, 1]} : vector<3200x8xf32> to vector<200x8xf32>
    %jit3A_681 = arith.constant -1.000000e+09 : f32
    %broadcast_in_dim3A_682 = vector.shape_cast %lt3A_679 : vector<200x1xi1> to vector<200x1xi1>
    %broadcast_in_dim3A_683 = vector.broadcast %broadcast_in_dim3A_682 : vector<200x1xi1> to vector<200x8xi1>
    %broadcast_in_dim3A_684 = vector.broadcast %jit3A_681 : f32 to vector<200x8xf32>
    %select_n3A_685 = arith.select %broadcast_in_dim3A_683, %slice3A_680, %broadcast_in_dim3A_684 : vector<200x8xi1>, vector<200x8xf32>
    %max3A_686 = arith.maximumf %max3A_669, %select_n3A_685 : vector<200x8xf32>
    %get3A_687 = arith.constant 0 : index
    %get3A_688 = arith.constant 8 : index
    %get3A_689 = vector.load %arg2[%get3A_687, %get3A_688] : memref<200x16xf32, #tpu.memory_space<vmem>>, vector<200x1xf32>
    %add3A_690 = arith.constant 9.99999996E-13 : f32
    %add3A_691 = vector.broadcast %add3A_690 : f32 to vector<200x1xf32>
    %add3A_692 = arith.addf %get3A_689, %add3A_691 : vector<200x1xf32>
    %sqrt3A_693 = math.sqrt %add3A_692 : vector<200x1xf32>
    %lt3A_694 = arith.constant 5.000000e-01 : f32
    %lt3A_695 = vector.broadcast %lt3A_694 : f32 to vector<200x1xf32>
    %lt3A_696 = arith.cmpf olt, %sqrt3A_693, %lt3A_695 : vector<200x1xf32>
    %slice3A_697 = vector.extract_strided_slice %add3A_549 {offsets = [1600, 0], sizes = [200, 8], strides = [1, 1]} : vector<3200x8xf32> to vector<200x8xf32>
    %jit3A_698 = arith.constant -1.000000e+09 : f32
    %broadcast_in_dim3A_699 = vector.shape_cast %lt3A_696 : vector<200x1xi1> to vector<200x1xi1>
    %broadcast_in_dim3A_700 = vector.broadcast %broadcast_in_dim3A_699 : vector<200x1xi1> to vector<200x8xi1>
    %broadcast_in_dim3A_701 = vector.broadcast %jit3A_698 : f32 to vector<200x8xf32>
    %select_n3A_702 = arith.select %broadcast_in_dim3A_700, %slice3A_697, %broadcast_in_dim3A_701 : vector<200x8xi1>, vector<200x8xf32>
    %max3A_703 = arith.maximumf %max3A_686, %select_n3A_702 : vector<200x8xf32>
    %get3A_704 = arith.constant 0 : index
    %get3A_705 = arith.constant 9 : index
    %get3A_706 = vector.load %arg2[%get3A_704, %get3A_705] : memref<200x16xf32, #tpu.memory_space<vmem>>, vector<200x1xf32>
    %add3A_707 = arith.constant 9.99999996E-13 : f32
    %add3A_708 = vector.broadcast %add3A_707 : f32 to vector<200x1xf32>
    %add3A_709 = arith.addf %get3A_706, %add3A_708 : vector<200x1xf32>
    %sqrt3A_710 = math.sqrt %add3A_709 : vector<200x1xf32>
    %lt3A_711 = arith.constant 5.000000e-01 : f32
    %lt3A_712 = vector.broadcast %lt3A_711 : f32 to vector<200x1xf32>
    %lt3A_713 = arith.cmpf olt, %sqrt3A_710, %lt3A_712 : vector<200x1xf32>
    %slice3A_714 = vector.extract_strided_slice %add3A_549 {offsets = [1800, 0], sizes = [200, 8], strides = [1, 1]} : vector<3200x8xf32> to vector<200x8xf32>
    %jit3A_715 = arith.constant -1.000000e+09 : f32
    %broadcast_in_dim3A_716 = vector.shape_cast %lt3A_713 : vector<200x1xi1> to vector<200x1xi1>
    %broadcast_in_dim3A_717 = vector.broadcast %broadcast_in_dim3A_716 : vector<200x1xi1> to vector<200x8xi1>
    %broadcast_in_dim3A_718 = vector.broadcast %jit3A_715 : f32 to vector<200x8xf32>
    %select_n3A_719 = arith.select %broadcast_in_dim3A_717, %slice3A_714, %broadcast_in_dim3A_718 : vector<200x8xi1>, vector<200x8xf32>
    %max3A_720 = arith.maximumf %max3A_703, %select_n3A_719 : vector<200x8xf32>
    %get3A_721 = arith.constant 0 : index
    %get3A_722 = arith.constant 10 : index
    %get3A_723 = vector.load %arg2[%get3A_721, %get3A_722] : memref<200x16xf32, #tpu.memory_space<vmem>>, vector<200x1xf32>
    %add3A_724 = arith.constant 9.99999996E-13 : f32
    %add3A_725 = vector.broadcast %add3A_724 : f32 to vector<200x1xf32>
    %add3A_726 = arith.addf %get3A_723, %add3A_725 : vector<200x1xf32>
    %sqrt3A_727 = math.sqrt %add3A_726 : vector<200x1xf32>
    %lt3A_728 = arith.constant 5.000000e-01 : f32
    %lt3A_729 = vector.broadcast %lt3A_728 : f32 to vector<200x1xf32>
    %lt3A_730 = arith.cmpf olt, %sqrt3A_727, %lt3A_729 : vector<200x1xf32>
    %slice3A_731 = vector.extract_strided_slice %add3A_549 {offsets = [2000, 0], sizes = [200, 8], strides = [1, 1]} : vector<3200x8xf32> to vector<200x8xf32>
    %jit3A_732 = arith.constant -1.000000e+09 : f32
    %broadcast_in_dim3A_733 = vector.shape_cast %lt3A_730 : vector<200x1xi1> to vector<200x1xi1>
    %broadcast_in_dim3A_734 = vector.broadcast %broadcast_in_dim3A_733 : vector<200x1xi1> to vector<200x8xi1>
    %broadcast_in_dim3A_735 = vector.broadcast %jit3A_732 : f32 to vector<200x8xf32>
    %select_n3A_736 = arith.select %broadcast_in_dim3A_734, %slice3A_731, %broadcast_in_dim3A_735 : vector<200x8xi1>, vector<200x8xf32>
    %max3A_737 = arith.maximumf %max3A_720, %select_n3A_736 : vector<200x8xf32>
    %get3A_738 = arith.constant 0 : index
    %get3A_739 = arith.constant 11 : index
    %get3A_740 = vector.load %arg2[%get3A_738, %get3A_739] : memref<200x16xf32, #tpu.memory_space<vmem>>, vector<200x1xf32>
    %add3A_741 = arith.constant 9.99999996E-13 : f32
    %add3A_742 = vector.broadcast %add3A_741 : f32 to vector<200x1xf32>
    %add3A_743 = arith.addf %get3A_740, %add3A_742 : vector<200x1xf32>
    %sqrt3A_744 = math.sqrt %add3A_743 : vector<200x1xf32>
    %lt3A_745 = arith.constant 5.000000e-01 : f32
    %lt3A_746 = vector.broadcast %lt3A_745 : f32 to vector<200x1xf32>
    %lt3A_747 = arith.cmpf olt, %sqrt3A_744, %lt3A_746 : vector<200x1xf32>
    %slice3A_748 = vector.extract_strided_slice %add3A_549 {offsets = [2200, 0], sizes = [200, 8], strides = [1, 1]} : vector<3200x8xf32> to vector<200x8xf32>
    %jit3A_749 = arith.constant -1.000000e+09 : f32
    %broadcast_in_dim3A_750 = vector.shape_cast %lt3A_747 : vector<200x1xi1> to vector<200x1xi1>
    %broadcast_in_dim3A_751 = vector.broadcast %broadcast_in_dim3A_750 : vector<200x1xi1> to vector<200x8xi1>
    %broadcast_in_dim3A_752 = vector.broadcast %jit3A_749 : f32 to vector<200x8xf32>
    %select_n3A_753 = arith.select %broadcast_in_dim3A_751, %slice3A_748, %broadcast_in_dim3A_752 : vector<200x8xi1>, vector<200x8xf32>
    %max3A_754 = arith.maximumf %max3A_737, %select_n3A_753 : vector<200x8xf32>
    %get3A_755 = arith.constant 0 : index
    %get3A_756 = arith.constant 12 : index
    %get3A_757 = vector.load %arg2[%get3A_755, %get3A_756] : memref<200x16xf32, #tpu.memory_space<vmem>>, vector<200x1xf32>
    %add3A_758 = arith.constant 9.99999996E-13 : f32
    %add3A_759 = vector.broadcast %add3A_758 : f32 to vector<200x1xf32>
    %add3A_760 = arith.addf %get3A_757, %add3A_759 : vector<200x1xf32>
    %sqrt3A_761 = math.sqrt %add3A_760 : vector<200x1xf32>
    %lt3A_762 = arith.constant 5.000000e-01 : f32
    %lt3A_763 = vector.broadcast %lt3A_762 : f32 to vector<200x1xf32>
    %lt3A_764 = arith.cmpf olt, %sqrt3A_761, %lt3A_763 : vector<200x1xf32>
    %slice3A_765 = vector.extract_strided_slice %add3A_549 {offsets = [2400, 0], sizes = [200, 8], strides = [1, 1]} : vector<3200x8xf32> to vector<200x8xf32>
    %jit3A_766 = arith.constant -1.000000e+09 : f32
    %broadcast_in_dim3A_767 = vector.shape_cast %lt3A_764 : vector<200x1xi1> to vector<200x1xi1>
    %broadcast_in_dim3A_768 = vector.broadcast %broadcast_in_dim3A_767 : vector<200x1xi1> to vector<200x8xi1>
    %broadcast_in_dim3A_769 = vector.broadcast %jit3A_766 : f32 to vector<200x8xf32>
    %select_n3A_770 = arith.select %broadcast_in_dim3A_768, %slice3A_765, %broadcast_in_dim3A_769 : vector<200x8xi1>, vector<200x8xf32>
    %max3A_771 = arith.maximumf %max3A_754, %select_n3A_770 : vector<200x8xf32>
    %get3A_772 = arith.constant 0 : index
    %get3A_773 = arith.constant 13 : index
    %get3A_774 = vector.load %arg2[%get3A_772, %get3A_773] : memref<200x16xf32, #tpu.memory_space<vmem>>, vector<200x1xf32>
    %add3A_775 = arith.constant 9.99999996E-13 : f32
    %add3A_776 = vector.broadcast %add3A_775 : f32 to vector<200x1xf32>
    %add3A_777 = arith.addf %get3A_774, %add3A_776 : vector<200x1xf32>
    %sqrt3A_778 = math.sqrt %add3A_777 : vector<200x1xf32>
    %lt3A_779 = arith.constant 5.000000e-01 : f32
    %lt3A_780 = vector.broadcast %lt3A_779 : f32 to vector<200x1xf32>
    %lt3A_781 = arith.cmpf olt, %sqrt3A_778, %lt3A_780 : vector<200x1xf32>
    %slice3A_782 = vector.extract_strided_slice %add3A_549 {offsets = [2600, 0], sizes = [200, 8], strides = [1, 1]} : vector<3200x8xf32> to vector<200x8xf32>
    %jit3A_783 = arith.constant -1.000000e+09 : f32
    %broadcast_in_dim3A_784 = vector.shape_cast %lt3A_781 : vector<200x1xi1> to vector<200x1xi1>
    %broadcast_in_dim3A_785 = vector.broadcast %broadcast_in_dim3A_784 : vector<200x1xi1> to vector<200x8xi1>
    %broadcast_in_dim3A_786 = vector.broadcast %jit3A_783 : f32 to vector<200x8xf32>
    %select_n3A_787 = arith.select %broadcast_in_dim3A_785, %slice3A_782, %broadcast_in_dim3A_786 : vector<200x8xi1>, vector<200x8xf32>
    %max3A_788 = arith.maximumf %max3A_771, %select_n3A_787 : vector<200x8xf32>
    %get3A_789 = arith.constant 0 : index
    %get3A_790 = arith.constant 14 : index
    %get3A_791 = vector.load %arg2[%get3A_789, %get3A_790] : memref<200x16xf32, #tpu.memory_space<vmem>>, vector<200x1xf32>
    %add3A_792 = arith.constant 9.99999996E-13 : f32
    %add3A_793 = vector.broadcast %add3A_792 : f32 to vector<200x1xf32>
    %add3A_794 = arith.addf %get3A_791, %add3A_793 : vector<200x1xf32>
    %sqrt3A_795 = math.sqrt %add3A_794 : vector<200x1xf32>
    %lt3A_796 = arith.constant 5.000000e-01 : f32
    %lt3A_797 = vector.broadcast %lt3A_796 : f32 to vector<200x1xf32>
    %lt3A_798 = arith.cmpf olt, %sqrt3A_795, %lt3A_797 : vector<200x1xf32>
    %slice3A_799 = vector.extract_strided_slice %add3A_549 {offsets = [2800, 0], sizes = [200, 8], strides = [1, 1]} : vector<3200x8xf32> to vector<200x8xf32>
    %jit3A_800 = arith.constant -1.000000e+09 : f32
    %broadcast_in_dim3A_801 = vector.shape_cast %lt3A_798 : vector<200x1xi1> to vector<200x1xi1>
    %broadcast_in_dim3A_802 = vector.broadcast %broadcast_in_dim3A_801 : vector<200x1xi1> to vector<200x8xi1>
    %broadcast_in_dim3A_803 = vector.broadcast %jit3A_800 : f32 to vector<200x8xf32>
    %select_n3A_804 = arith.select %broadcast_in_dim3A_802, %slice3A_799, %broadcast_in_dim3A_803 : vector<200x8xi1>, vector<200x8xf32>
    %max3A_805 = arith.maximumf %max3A_788, %select_n3A_804 : vector<200x8xf32>
    %get3A_806 = arith.constant 0 : index
    %get3A_807 = arith.constant 15 : index
    %get3A_808 = vector.load %arg2[%get3A_806, %get3A_807] : memref<200x16xf32, #tpu.memory_space<vmem>>, vector<200x1xf32>
    %add3A_809 = arith.constant 9.99999996E-13 : f32
    %add3A_810 = vector.broadcast %add3A_809 : f32 to vector<200x1xf32>
    %add3A_811 = arith.addf %get3A_808, %add3A_810 : vector<200x1xf32>
    %sqrt3A_812 = math.sqrt %add3A_811 : vector<200x1xf32>
    %lt3A_813 = arith.constant 5.000000e-01 : f32
    %lt3A_814 = vector.broadcast %lt3A_813 : f32 to vector<200x1xf32>
    %lt3A_815 = arith.cmpf olt, %sqrt3A_812, %lt3A_814 : vector<200x1xf32>
    %slice3A_816 = vector.extract_strided_slice %add3A_549 {offsets = [3000, 0], sizes = [200, 8], strides = [1, 1]} : vector<3200x8xf32> to vector<200x8xf32>
    %jit3A_817 = arith.constant -1.000000e+09 : f32
    %broadcast_in_dim3A_818 = vector.shape_cast %lt3A_815 : vector<200x1xi1> to vector<200x1xi1>
    %broadcast_in_dim3A_819 = vector.broadcast %broadcast_in_dim3A_818 : vector<200x1xi1> to vector<200x8xi1>
    %broadcast_in_dim3A_820 = vector.broadcast %jit3A_817 : f32 to vector<200x8xf32>
    %select_n3A_821 = arith.select %broadcast_in_dim3A_819, %slice3A_816, %broadcast_in_dim3A_820 : vector<200x8xi1>, vector<200x8xf32>
    %max3A_822 = arith.maximumf %max3A_805, %select_n3A_821 : vector<200x8xf32>
    %broadcast_in_dim3A_823 = arith.constant 0.000000e+00 : f32
    %broadcast_in_dim3A_824 = vector.broadcast %broadcast_in_dim3A_823 : f32 to vector<200x8xf32>
    %broadcast_in_dim3A_825 = arith.constant 0.000000e+00 : f32
    %broadcast_in_dim3A_826 = vector.broadcast %broadcast_in_dim3A_825 : f32 to vector<200x128xf32>
    %get3A_827 = arith.constant 0 : index
    %get3A_828 = arith.constant 0 : index
    %get3A_829 = vector.load %arg2[%get3A_827, %get3A_828] : memref<200x16xf32, #tpu.memory_space<vmem>>, vector<200x1xf32>
    %add3A_830 = arith.constant 9.99999996E-13 : f32
    %add3A_831 = vector.broadcast %add3A_830 : f32 to vector<200x1xf32>
    %add3A_832 = arith.addf %get3A_829, %add3A_831 : vector<200x1xf32>
    %sqrt3A_833 = math.sqrt %add3A_832 : vector<200x1xf32>
    %lt3A_834 = arith.constant 5.000000e-01 : f32
    %lt3A_835 = vector.broadcast %lt3A_834 : f32 to vector<200x1xf32>
    %lt3A_836 = arith.cmpf olt, %sqrt3A_833, %lt3A_835 : vector<200x1xf32>
    %slice3A_837 = vector.extract_strided_slice %add3A_549 {offsets = [0, 0], sizes = [200, 8], strides = [1, 1]} : vector<3200x8xf32> to vector<200x8xf32>
    %jit3A_838 = arith.constant -1.000000e+09 : f32
    %broadcast_in_dim3A_839 = vector.shape_cast %lt3A_836 : vector<200x1xi1> to vector<200x1xi1>
    %broadcast_in_dim3A_840 = vector.broadcast %broadcast_in_dim3A_839 : vector<200x1xi1> to vector<200x8xi1>
    %broadcast_in_dim3A_841 = vector.broadcast %jit3A_838 : f32 to vector<200x8xf32>
    %select_n3A_842 = arith.select %broadcast_in_dim3A_840, %slice3A_837, %broadcast_in_dim3A_841 : vector<200x8xi1>, vector<200x8xf32>
    %sub3A_843 = arith.subf %select_n3A_842, %max3A_822 : vector<200x8xf32>
    %exp3A_844 = math.exp %sub3A_843 : vector<200x8xf32>
    %add3A_845 = arith.addf %broadcast_in_dim3A_824, %exp3A_844 : vector<200x8xf32>
    %mul3A_846 = arith.constant 3.14159274 : f32
    %mul3A_847 = vector.broadcast %mul3A_846 : f32 to vector<200x1xf32>
    %mul3A_848 = arith.mulf %mul3A_847, %sqrt3A_833 : vector<200x1xf32>
    %div3A_849 = arith.constant 5.000000e-01 : f32
    %div3A_850 = vector.broadcast %div3A_849 : f32 to vector<200x1xf32>
    %div3A_851 = arith.divf %mul3A_848, %div3A_850 : vector<200x1xf32>
    %cos3A_852 = math.cos %div3A_851 : vector<200x1xf32>
    %add3A_853 = arith.constant 1.000000e+00 : f32
    %add3A_854 = vector.broadcast %add3A_853 : f32 to vector<200x1xf32>
    %add3A_855 = arith.addf %cos3A_852, %add3A_854 : vector<200x1xf32>
    %mul3A_856 = arith.constant 5.000000e-01 : f32
    %mul3A_857 = vector.broadcast %mul3A_856 : f32 to vector<200x1xf32>
    %mul3A_858 = arith.mulf %mul3A_857, %add3A_855 : vector<200x1xf32>
    %jit3A_859 = arith.constant 0.000000e+00 : f32
    %broadcast_in_dim3A_860 = vector.broadcast %jit3A_859 : f32 to vector<200x1xf32>
    %select_n3A_861 = arith.select %lt3A_836, %mul3A_858, %broadcast_in_dim3A_860 : vector<200x1xi1>, vector<200x1xf32>
    %sub3A_862 = arith.constant 5.000000e-02 : f32
    %sub3A_863 = vector.broadcast %sub3A_862 : f32 to vector<200x1xf32>
    %sub3A_864 = arith.subf %sqrt3A_833, %sub3A_863 : vector<200x1xf32>
    %div3A_865 = arith.constant 5.000000e-03 : f32
    %div3A_866 = vector.broadcast %div3A_865 : f32 to vector<200x1xf32>
    %div3A_867 = arith.divf %sub3A_864, %div3A_866 : vector<200x1xf32>
    %logistic3A_868 = arith.negf %div3A_867 : vector<200x1xf32>
    %logistic3A_869 = math.exp %logistic3A_868 : vector<200x1xf32>
    %logistic3A_870 = arith.constant 1.000000e+00 : f32
    %logistic3A_871 = vector.broadcast %logistic3A_870 : f32 to vector<200x1xf32>
    %logistic3A_872 = arith.addf %logistic3A_871, %logistic3A_869 : vector<200x1xf32>
    %logistic3A_873 = arith.divf %logistic3A_871, %logistic3A_872 : vector<200x1xf32>
    %mul3A_874 = arith.mulf %select_n3A_861, %logistic3A_873 : vector<200x1xf32>
    %mul3A_875 = vector.broadcast %mul3A_874 : vector<200x1xf32> to vector<200x8xf32>
    %mul3A_876 = arith.mulf %exp3A_844, %mul3A_875 : vector<200x8xf32>
    %dot_general3A_877 = arith.constant dense<0.000000e+00> : vector<200x128xf32>
    %dot_general3A_878 = tpu.matmul %mul3A_876, %get3A_22, %dot_general3A_877 {dimension_numbers = #tpu.dot_dimension_numbers<[1], [0], [0], [1], [0, 0, 1, 1], [], []>, transpose_lhs_hint = false} : vector<200x8xf32>, vector<8x128xf32>, vector<200x128xf32> -> vector<200x128xf32>
    %slice3A_879 = vector.extract_strided_slice %mul3A_537 {offsets = [0, 0], sizes = [200, 128], strides = [1, 1]} : vector<3200x128xf32> to vector<200x128xf32>
    %mul3A_880 = arith.mulf %slice3A_879, %dot_general3A_878 : vector<200x128xf32>
    %add3A_881 = arith.addf %broadcast_in_dim3A_826, %mul3A_880 : vector<200x128xf32>
    %get3A_882 = arith.constant 0 : index
    %get3A_883 = arith.constant 1 : index
    %get3A_884 = vector.load %arg2[%get3A_882, %get3A_883] : memref<200x16xf32, #tpu.memory_space<vmem>>, vector<200x1xf32>
    %add3A_885 = arith.constant 9.99999996E-13 : f32
    %add3A_886 = vector.broadcast %add3A_885 : f32 to vector<200x1xf32>
    %add3A_887 = arith.addf %get3A_884, %add3A_886 : vector<200x1xf32>
    %sqrt3A_888 = math.sqrt %add3A_887 : vector<200x1xf32>
    %lt3A_889 = arith.constant 5.000000e-01 : f32
    %lt3A_890 = vector.broadcast %lt3A_889 : f32 to vector<200x1xf32>
    %lt3A_891 = arith.cmpf olt, %sqrt3A_888, %lt3A_890 : vector<200x1xf32>
    %slice3A_892 = vector.extract_strided_slice %add3A_549 {offsets = [200, 0], sizes = [200, 8], strides = [1, 1]} : vector<3200x8xf32> to vector<200x8xf32>
    %jit3A_893 = arith.constant -1.000000e+09 : f32
    %broadcast_in_dim3A_894 = vector.shape_cast %lt3A_891 : vector<200x1xi1> to vector<200x1xi1>
    %broadcast_in_dim3A_895 = vector.broadcast %broadcast_in_dim3A_894 : vector<200x1xi1> to vector<200x8xi1>
    %broadcast_in_dim3A_896 = vector.broadcast %jit3A_893 : f32 to vector<200x8xf32>
    %select_n3A_897 = arith.select %broadcast_in_dim3A_895, %slice3A_892, %broadcast_in_dim3A_896 : vector<200x8xi1>, vector<200x8xf32>
    %sub3A_898 = arith.subf %select_n3A_897, %max3A_822 : vector<200x8xf32>
    %exp3A_899 = math.exp %sub3A_898 : vector<200x8xf32>
    %add3A_900 = arith.addf %add3A_845, %exp3A_899 : vector<200x8xf32>
    %mul3A_901 = arith.constant 3.14159274 : f32
    %mul3A_902 = vector.broadcast %mul3A_901 : f32 to vector<200x1xf32>
    %mul3A_903 = arith.mulf %mul3A_902, %sqrt3A_888 : vector<200x1xf32>
    %div3A_904 = arith.constant 5.000000e-01 : f32
    %div3A_905 = vector.broadcast %div3A_904 : f32 to vector<200x1xf32>
    %div3A_906 = arith.divf %mul3A_903, %div3A_905 : vector<200x1xf32>
    %cos3A_907 = math.cos %div3A_906 : vector<200x1xf32>
    %add3A_908 = arith.constant 1.000000e+00 : f32
    %add3A_909 = vector.broadcast %add3A_908 : f32 to vector<200x1xf32>
    %add3A_910 = arith.addf %cos3A_907, %add3A_909 : vector<200x1xf32>
    %mul3A_911 = arith.constant 5.000000e-01 : f32
    %mul3A_912 = vector.broadcast %mul3A_911 : f32 to vector<200x1xf32>
    %mul3A_913 = arith.mulf %mul3A_912, %add3A_910 : vector<200x1xf32>
    %jit3A_914 = arith.constant 0.000000e+00 : f32
    %broadcast_in_dim3A_915 = vector.broadcast %jit3A_914 : f32 to vector<200x1xf32>
    %select_n3A_916 = arith.select %lt3A_891, %mul3A_913, %broadcast_in_dim3A_915 : vector<200x1xi1>, vector<200x1xf32>
    %sub3A_917 = arith.constant 5.000000e-02 : f32
    %sub3A_918 = vector.broadcast %sub3A_917 : f32 to vector<200x1xf32>
    %sub3A_919 = arith.subf %sqrt3A_888, %sub3A_918 : vector<200x1xf32>
    %div3A_920 = arith.constant 5.000000e-03 : f32
    %div3A_921 = vector.broadcast %div3A_920 : f32 to vector<200x1xf32>
    %div3A_922 = arith.divf %sub3A_919, %div3A_921 : vector<200x1xf32>
    %logistic3A_923 = arith.negf %div3A_922 : vector<200x1xf32>
    %logistic3A_924 = math.exp %logistic3A_923 : vector<200x1xf32>
    %logistic3A_925 = arith.constant 1.000000e+00 : f32
    %logistic3A_926 = vector.broadcast %logistic3A_925 : f32 to vector<200x1xf32>
    %logistic3A_927 = arith.addf %logistic3A_926, %logistic3A_924 : vector<200x1xf32>
    %logistic3A_928 = arith.divf %logistic3A_926, %logistic3A_927 : vector<200x1xf32>
    %mul3A_929 = arith.mulf %select_n3A_916, %logistic3A_928 : vector<200x1xf32>
    %mul3A_930 = vector.broadcast %mul3A_929 : vector<200x1xf32> to vector<200x8xf32>
    %mul3A_931 = arith.mulf %exp3A_899, %mul3A_930 : vector<200x8xf32>
    %dot_general3A_932 = arith.constant dense<0.000000e+00> : vector<200x128xf32>
    %dot_general3A_933 = tpu.matmul %mul3A_931, %get3A_22, %dot_general3A_932 {dimension_numbers = #tpu.dot_dimension_numbers<[1], [0], [0], [1], [0, 0, 1, 1], [], []>, transpose_lhs_hint = false} : vector<200x8xf32>, vector<8x128xf32>, vector<200x128xf32> -> vector<200x128xf32>
    %slice3A_934 = vector.extract_strided_slice %mul3A_537 {offsets = [200, 0], sizes = [200, 128], strides = [1, 1]} : vector<3200x128xf32> to vector<200x128xf32>
    %mul3A_935 = arith.mulf %slice3A_934, %dot_general3A_933 : vector<200x128xf32>
    %add3A_936 = arith.addf %add3A_881, %mul3A_935 : vector<200x128xf32>
    %get3A_937 = arith.constant 0 : index
    %get3A_938 = arith.constant 2 : index
    %get3A_939 = vector.load %arg2[%get3A_937, %get3A_938] : memref<200x16xf32, #tpu.memory_space<vmem>>, vector<200x1xf32>
    %add3A_940 = arith.constant 9.99999996E-13 : f32
    %add3A_941 = vector.broadcast %add3A_940 : f32 to vector<200x1xf32>
    %add3A_942 = arith.addf %get3A_939, %add3A_941 : vector<200x1xf32>
    %sqrt3A_943 = math.sqrt %add3A_942 : vector<200x1xf32>
    %lt3A_944 = arith.constant 5.000000e-01 : f32
    %lt3A_945 = vector.broadcast %lt3A_944 : f32 to vector<200x1xf32>
    %lt3A_946 = arith.cmpf olt, %sqrt3A_943, %lt3A_945 : vector<200x1xf32>
    %slice3A_947 = vector.extract_strided_slice %add3A_549 {offsets = [400, 0], sizes = [200, 8], strides = [1, 1]} : vector<3200x8xf32> to vector<200x8xf32>
    %jit3A_948 = arith.constant -1.000000e+09 : f32
    %broadcast_in_dim3A_949 = vector.shape_cast %lt3A_946 : vector<200x1xi1> to vector<200x1xi1>
    %broadcast_in_dim3A_950 = vector.broadcast %broadcast_in_dim3A_949 : vector<200x1xi1> to vector<200x8xi1>
    %broadcast_in_dim3A_951 = vector.broadcast %jit3A_948 : f32 to vector<200x8xf32>
    %select_n3A_952 = arith.select %broadcast_in_dim3A_950, %slice3A_947, %broadcast_in_dim3A_951 : vector<200x8xi1>, vector<200x8xf32>
    %sub3A_953 = arith.subf %select_n3A_952, %max3A_822 : vector<200x8xf32>
    %exp3A_954 = math.exp %sub3A_953 : vector<200x8xf32>
    %add3A_955 = arith.addf %add3A_900, %exp3A_954 : vector<200x8xf32>
    %mul3A_956 = arith.constant 3.14159274 : f32
    %mul3A_957 = vector.broadcast %mul3A_956 : f32 to vector<200x1xf32>
    %mul3A_958 = arith.mulf %mul3A_957, %sqrt3A_943 : vector<200x1xf32>
    %div3A_959 = arith.constant 5.000000e-01 : f32
    %div3A_960 = vector.broadcast %div3A_959 : f32 to vector<200x1xf32>
    %div3A_961 = arith.divf %mul3A_958, %div3A_960 : vector<200x1xf32>
    %cos3A_962 = math.cos %div3A_961 : vector<200x1xf32>
    %add3A_963 = arith.constant 1.000000e+00 : f32
    %add3A_964 = vector.broadcast %add3A_963 : f32 to vector<200x1xf32>
    %add3A_965 = arith.addf %cos3A_962, %add3A_964 : vector<200x1xf32>
    %mul3A_966 = arith.constant 5.000000e-01 : f32
    %mul3A_967 = vector.broadcast %mul3A_966 : f32 to vector<200x1xf32>
    %mul3A_968 = arith.mulf %mul3A_967, %add3A_965 : vector<200x1xf32>
    %jit3A_969 = arith.constant 0.000000e+00 : f32
    %broadcast_in_dim3A_970 = vector.broadcast %jit3A_969 : f32 to vector<200x1xf32>
    %select_n3A_971 = arith.select %lt3A_946, %mul3A_968, %broadcast_in_dim3A_970 : vector<200x1xi1>, vector<200x1xf32>
    %sub3A_972 = arith.constant 5.000000e-02 : f32
    %sub3A_973 = vector.broadcast %sub3A_972 : f32 to vector<200x1xf32>
    %sub3A_974 = arith.subf %sqrt3A_943, %sub3A_973 : vector<200x1xf32>
    %div3A_975 = arith.constant 5.000000e-03 : f32
    %div3A_976 = vector.broadcast %div3A_975 : f32 to vector<200x1xf32>
    %div3A_977 = arith.divf %sub3A_974, %div3A_976 : vector<200x1xf32>
    %logistic3A_978 = arith.negf %div3A_977 : vector<200x1xf32>
    %logistic3A_979 = math.exp %logistic3A_978 : vector<200x1xf32>
    %logistic3A_980 = arith.constant 1.000000e+00 : f32
    %logistic3A_981 = vector.broadcast %logistic3A_980 : f32 to vector<200x1xf32>
    %logistic3A_982 = arith.addf %logistic3A_981, %logistic3A_979 : vector<200x1xf32>
    %logistic3A_983 = arith.divf %logistic3A_981, %logistic3A_982 : vector<200x1xf32>
    %mul3A_984 = arith.mulf %select_n3A_971, %logistic3A_983 : vector<200x1xf32>
    %mul3A_985 = vector.broadcast %mul3A_984 : vector<200x1xf32> to vector<200x8xf32>
    %mul3A_986 = arith.mulf %exp3A_954, %mul3A_985 : vector<200x8xf32>
    %dot_general3A_987 = arith.constant dense<0.000000e+00> : vector<200x128xf32>
    %dot_general3A_988 = tpu.matmul %mul3A_986, %get3A_22, %dot_general3A_987 {dimension_numbers = #tpu.dot_dimension_numbers<[1], [0], [0], [1], [0, 0, 1, 1], [], []>, transpose_lhs_hint = false} : vector<200x8xf32>, vector<8x128xf32>, vector<200x128xf32> -> vector<200x128xf32>
    %slice3A_989 = vector.extract_strided_slice %mul3A_537 {offsets = [400, 0], sizes = [200, 128], strides = [1, 1]} : vector<3200x128xf32> to vector<200x128xf32>
    %mul3A_990 = arith.mulf %slice3A_989, %dot_general3A_988 : vector<200x128xf32>
    %add3A_991 = arith.addf %add3A_936, %mul3A_990 : vector<200x128xf32>
    %get3A_992 = arith.constant 0 : index
    %get3A_993 = arith.constant 3 : index
    %get3A_994 = vector.load %arg2[%get3A_992, %get3A_993] : memref<200x16xf32, #tpu.memory_space<vmem>>, vector<200x1xf32>
    %add3A_995 = arith.constant 9.99999996E-13 : f32
    %add3A_996 = vector.broadcast %add3A_995 : f32 to vector<200x1xf32>
    %add3A_997 = arith.addf %get3A_994, %add3A_996 : vector<200x1xf32>
    %sqrt3A_998 = math.sqrt %add3A_997 : vector<200x1xf32>
    %lt3A_999 = arith.constant 5.000000e-01 : f32
    %lt3A_1000 = vector.broadcast %lt3A_999 : f32 to vector<200x1xf32>
    %lt3A_1001 = arith.cmpf olt, %sqrt3A_998, %lt3A_1000 : vector<200x1xf32>
    %slice3A_1002 = vector.extract_strided_slice %add3A_549 {offsets = [600, 0], sizes = [200, 8], strides = [1, 1]} : vector<3200x8xf32> to vector<200x8xf32>
    %jit3A_1003 = arith.constant -1.000000e+09 : f32
    %broadcast_in_dim3A_1004 = vector.shape_cast %lt3A_1001 : vector<200x1xi1> to vector<200x1xi1>
    %broadcast_in_dim3A_1005 = vector.broadcast %broadcast_in_dim3A_1004 : vector<200x1xi1> to vector<200x8xi1>
    %broadcast_in_dim3A_1006 = vector.broadcast %jit3A_1003 : f32 to vector<200x8xf32>
    %select_n3A_1007 = arith.select %broadcast_in_dim3A_1005, %slice3A_1002, %broadcast_in_dim3A_1006 : vector<200x8xi1>, vector<200x8xf32>
    %sub3A_1008 = arith.subf %select_n3A_1007, %max3A_822 : vector<200x8xf32>
    %exp3A_1009 = math.exp %sub3A_1008 : vector<200x8xf32>
    %add3A_1010 = arith.addf %add3A_955, %exp3A_1009 : vector<200x8xf32>
    %mul3A_1011 = arith.constant 3.14159274 : f32
    %mul3A_1012 = vector.broadcast %mul3A_1011 : f32 to vector<200x1xf32>
    %mul3A_1013 = arith.mulf %mul3A_1012, %sqrt3A_998 : vector<200x1xf32>
    %div3A_1014 = arith.constant 5.000000e-01 : f32
    %div3A_1015 = vector.broadcast %div3A_1014 : f32 to vector<200x1xf32>
    %div3A_1016 = arith.divf %mul3A_1013, %div3A_1015 : vector<200x1xf32>
    %cos3A_1017 = math.cos %div3A_1016 : vector<200x1xf32>
    %add3A_1018 = arith.constant 1.000000e+00 : f32
    %add3A_1019 = vector.broadcast %add3A_1018 : f32 to vector<200x1xf32>
    %add3A_1020 = arith.addf %cos3A_1017, %add3A_1019 : vector<200x1xf32>
    %mul3A_1021 = arith.constant 5.000000e-01 : f32
    %mul3A_1022 = vector.broadcast %mul3A_1021 : f32 to vector<200x1xf32>
    %mul3A_1023 = arith.mulf %mul3A_1022, %add3A_1020 : vector<200x1xf32>
    %jit3A_1024 = arith.constant 0.000000e+00 : f32
    %broadcast_in_dim3A_1025 = vector.broadcast %jit3A_1024 : f32 to vector<200x1xf32>
    %select_n3A_1026 = arith.select %lt3A_1001, %mul3A_1023, %broadcast_in_dim3A_1025 : vector<200x1xi1>, vector<200x1xf32>
    %sub3A_1027 = arith.constant 5.000000e-02 : f32
    %sub3A_1028 = vector.broadcast %sub3A_1027 : f32 to vector<200x1xf32>
    %sub3A_1029 = arith.subf %sqrt3A_998, %sub3A_1028 : vector<200x1xf32>
    %div3A_1030 = arith.constant 5.000000e-03 : f32
    %div3A_1031 = vector.broadcast %div3A_1030 : f32 to vector<200x1xf32>
    %div3A_1032 = arith.divf %sub3A_1029, %div3A_1031 : vector<200x1xf32>
    %logistic3A_1033 = arith.negf %div3A_1032 : vector<200x1xf32>
    %logistic3A_1034 = math.exp %logistic3A_1033 : vector<200x1xf32>
    %logistic3A_1035 = arith.constant 1.000000e+00 : f32
    %logistic3A_1036 = vector.broadcast %logistic3A_1035 : f32 to vector<200x1xf32>
    %logistic3A_1037 = arith.addf %logistic3A_1036, %logistic3A_1034 : vector<200x1xf32>
    %logistic3A_1038 = arith.divf %logistic3A_1036, %logistic3A_1037 : vector<200x1xf32>
    %mul3A_1039 = arith.mulf %select_n3A_1026, %logistic3A_1038 : vector<200x1xf32>
    %mul3A_1040 = vector.broadcast %mul3A_1039 : vector<200x1xf32> to vector<200x8xf32>
    %mul3A_1041 = arith.mulf %exp3A_1009, %mul3A_1040 : vector<200x8xf32>
    %dot_general3A_1042 = arith.constant dense<0.000000e+00> : vector<200x128xf32>
    %dot_general3A_1043 = tpu.matmul %mul3A_1041, %get3A_22, %dot_general3A_1042 {dimension_numbers = #tpu.dot_dimension_numbers<[1], [0], [0], [1], [0, 0, 1, 1], [], []>, transpose_lhs_hint = false} : vector<200x8xf32>, vector<8x128xf32>, vector<200x128xf32> -> vector<200x128xf32>
    %slice3A_1044 = vector.extract_strided_slice %mul3A_537 {offsets = [600, 0], sizes = [200, 128], strides = [1, 1]} : vector<3200x128xf32> to vector<200x128xf32>
    %mul3A_1045 = arith.mulf %slice3A_1044, %dot_general3A_1043 : vector<200x128xf32>
    %add3A_1046 = arith.addf %add3A_991, %mul3A_1045 : vector<200x128xf32>
    %get3A_1047 = arith.constant 0 : index
    %get3A_1048 = arith.constant 4 : index
    %get3A_1049 = vector.load %arg2[%get3A_1047, %get3A_1048] : memref<200x16xf32, #tpu.memory_space<vmem>>, vector<200x1xf32>
    %add3A_1050 = arith.constant 9.99999996E-13 : f32
    %add3A_1051 = vector.broadcast %add3A_1050 : f32 to vector<200x1xf32>
    %add3A_1052 = arith.addf %get3A_1049, %add3A_1051 : vector<200x1xf32>
    %sqrt3A_1053 = math.sqrt %add3A_1052 : vector<200x1xf32>
    %lt3A_1054 = arith.constant 5.000000e-01 : f32
    %lt3A_1055 = vector.broadcast %lt3A_1054 : f32 to vector<200x1xf32>
    %lt3A_1056 = arith.cmpf olt, %sqrt3A_1053, %lt3A_1055 : vector<200x1xf32>
    %slice3A_1057 = vector.extract_strided_slice %add3A_549 {offsets = [800, 0], sizes = [200, 8], strides = [1, 1]} : vector<3200x8xf32> to vector<200x8xf32>
    %jit3A_1058 = arith.constant -1.000000e+09 : f32
    %broadcast_in_dim3A_1059 = vector.shape_cast %lt3A_1056 : vector<200x1xi1> to vector<200x1xi1>
    %broadcast_in_dim3A_1060 = vector.broadcast %broadcast_in_dim3A_1059 : vector<200x1xi1> to vector<200x8xi1>
    %broadcast_in_dim3A_1061 = vector.broadcast %jit3A_1058 : f32 to vector<200x8xf32>
    %select_n3A_1062 = arith.select %broadcast_in_dim3A_1060, %slice3A_1057, %broadcast_in_dim3A_1061 : vector<200x8xi1>, vector<200x8xf32>
    %sub3A_1063 = arith.subf %select_n3A_1062, %max3A_822 : vector<200x8xf32>
    %exp3A_1064 = math.exp %sub3A_1063 : vector<200x8xf32>
    %add3A_1065 = arith.addf %add3A_1010, %exp3A_1064 : vector<200x8xf32>
    %mul3A_1066 = arith.constant 3.14159274 : f32
    %mul3A_1067 = vector.broadcast %mul3A_1066 : f32 to vector<200x1xf32>
    %mul3A_1068 = arith.mulf %mul3A_1067, %sqrt3A_1053 : vector<200x1xf32>
    %div3A_1069 = arith.constant 5.000000e-01 : f32
    %div3A_1070 = vector.broadcast %div3A_1069 : f32 to vector<200x1xf32>
    %div3A_1071 = arith.divf %mul3A_1068, %div3A_1070 : vector<200x1xf32>
    %cos3A_1072 = math.cos %div3A_1071 : vector<200x1xf32>
    %add3A_1073 = arith.constant 1.000000e+00 : f32
    %add3A_1074 = vector.broadcast %add3A_1073 : f32 to vector<200x1xf32>
    %add3A_1075 = arith.addf %cos3A_1072, %add3A_1074 : vector<200x1xf32>
    %mul3A_1076 = arith.constant 5.000000e-01 : f32
    %mul3A_1077 = vector.broadcast %mul3A_1076 : f32 to vector<200x1xf32>
    %mul3A_1078 = arith.mulf %mul3A_1077, %add3A_1075 : vector<200x1xf32>
    %jit3A_1079 = arith.constant 0.000000e+00 : f32
    %broadcast_in_dim3A_1080 = vector.broadcast %jit3A_1079 : f32 to vector<200x1xf32>
    %select_n3A_1081 = arith.select %lt3A_1056, %mul3A_1078, %broadcast_in_dim3A_1080 : vector<200x1xi1>, vector<200x1xf32>
    %sub3A_1082 = arith.constant 5.000000e-02 : f32
    %sub3A_1083 = vector.broadcast %sub3A_1082 : f32 to vector<200x1xf32>
    %sub3A_1084 = arith.subf %sqrt3A_1053, %sub3A_1083 : vector<200x1xf32>
    %div3A_1085 = arith.constant 5.000000e-03 : f32
    %div3A_1086 = vector.broadcast %div3A_1085 : f32 to vector<200x1xf32>
    %div3A_1087 = arith.divf %sub3A_1084, %div3A_1086 : vector<200x1xf32>
    %logistic3A_1088 = arith.negf %div3A_1087 : vector<200x1xf32>
    %logistic3A_1089 = math.exp %logistic3A_1088 : vector<200x1xf32>
    %logistic3A_1090 = arith.constant 1.000000e+00 : f32
    %logistic3A_1091 = vector.broadcast %logistic3A_1090 : f32 to vector<200x1xf32>
    %logistic3A_1092 = arith.addf %logistic3A_1091, %logistic3A_1089 : vector<200x1xf32>
    %logistic3A_1093 = arith.divf %logistic3A_1091, %logistic3A_1092 : vector<200x1xf32>
    %mul3A_1094 = arith.mulf %select_n3A_1081, %logistic3A_1093 : vector<200x1xf32>
    %mul3A_1095 = vector.broadcast %mul3A_1094 : vector<200x1xf32> to vector<200x8xf32>
    %mul3A_1096 = arith.mulf %exp3A_1064, %mul3A_1095 : vector<200x8xf32>
    %dot_general3A_1097 = arith.constant dense<0.000000e+00> : vector<200x128xf32>
    %dot_general3A_1098 = tpu.matmul %mul3A_1096, %get3A_22, %dot_general3A_1097 {dimension_numbers = #tpu.dot_dimension_numbers<[1], [0], [0], [1], [0, 0, 1, 1], [], []>, transpose_lhs_hint = false} : vector<200x8xf32>, vector<8x128xf32>, vector<200x128xf32> -> vector<200x128xf32>
    %slice3A_1099 = vector.extract_strided_slice %mul3A_537 {offsets = [800, 0], sizes = [200, 128], strides = [1, 1]} : vector<3200x128xf32> to vector<200x128xf32>
    %mul3A_1100 = arith.mulf %slice3A_1099, %dot_general3A_1098 : vector<200x128xf32>
    %add3A_1101 = arith.addf %add3A_1046, %mul3A_1100 : vector<200x128xf32>
    %get3A_1102 = arith.constant 0 : index
    %get3A_1103 = arith.constant 5 : index
    %get3A_1104 = vector.load %arg2[%get3A_1102, %get3A_1103] : memref<200x16xf32, #tpu.memory_space<vmem>>, vector<200x1xf32>
    %add3A_1105 = arith.constant 9.99999996E-13 : f32
    %add3A_1106 = vector.broadcast %add3A_1105 : f32 to vector<200x1xf32>
    %add3A_1107 = arith.addf %get3A_1104, %add3A_1106 : vector<200x1xf32>
    %sqrt3A_1108 = math.sqrt %add3A_1107 : vector<200x1xf32>
    %lt3A_1109 = arith.constant 5.000000e-01 : f32
    %lt3A_1110 = vector.broadcast %lt3A_1109 : f32 to vector<200x1xf32>
    %lt3A_1111 = arith.cmpf olt, %sqrt3A_1108, %lt3A_1110 : vector<200x1xf32>
    %slice3A_1112 = vector.extract_strided_slice %add3A_549 {offsets = [1000, 0], sizes = [200, 8], strides = [1, 1]} : vector<3200x8xf32> to vector<200x8xf32>
    %jit3A_1113 = arith.constant -1.000000e+09 : f32
    %broadcast_in_dim3A_1114 = vector.shape_cast %lt3A_1111 : vector<200x1xi1> to vector<200x1xi1>
    %broadcast_in_dim3A_1115 = vector.broadcast %broadcast_in_dim3A_1114 : vector<200x1xi1> to vector<200x8xi1>
    %broadcast_in_dim3A_1116 = vector.broadcast %jit3A_1113 : f32 to vector<200x8xf32>
    %select_n3A_1117 = arith.select %broadcast_in_dim3A_1115, %slice3A_1112, %broadcast_in_dim3A_1116 : vector<200x8xi1>, vector<200x8xf32>
    %sub3A_1118 = arith.subf %select_n3A_1117, %max3A_822 : vector<200x8xf32>
    %exp3A_1119 = math.exp %sub3A_1118 : vector<200x8xf32>
    %add3A_1120 = arith.addf %add3A_1065, %exp3A_1119 : vector<200x8xf32>
    %mul3A_1121 = arith.constant 3.14159274 : f32
    %mul3A_1122 = vector.broadcast %mul3A_1121 : f32 to vector<200x1xf32>
    %mul3A_1123 = arith.mulf %mul3A_1122, %sqrt3A_1108 : vector<200x1xf32>
    %div3A_1124 = arith.constant 5.000000e-01 : f32
    %div3A_1125 = vector.broadcast %div3A_1124 : f32 to vector<200x1xf32>
    %div3A_1126 = arith.divf %mul3A_1123, %div3A_1125 : vector<200x1xf32>
    %cos3A_1127 = math.cos %div3A_1126 : vector<200x1xf32>
    %add3A_1128 = arith.constant 1.000000e+00 : f32
    %add3A_1129 = vector.broadcast %add3A_1128 : f32 to vector<200x1xf32>
    %add3A_1130 = arith.addf %cos3A_1127, %add3A_1129 : vector<200x1xf32>
    %mul3A_1131 = arith.constant 5.000000e-01 : f32
    %mul3A_1132 = vector.broadcast %mul3A_1131 : f32 to vector<200x1xf32>
    %mul3A_1133 = arith.mulf %mul3A_1132, %add3A_1130 : vector<200x1xf32>
    %jit3A_1134 = arith.constant 0.000000e+00 : f32
    %broadcast_in_dim3A_1135 = vector.broadcast %jit3A_1134 : f32 to vector<200x1xf32>
    %select_n3A_1136 = arith.select %lt3A_1111, %mul3A_1133, %broadcast_in_dim3A_1135 : vector<200x1xi1>, vector<200x1xf32>
    %sub3A_1137 = arith.constant 5.000000e-02 : f32
    %sub3A_1138 = vector.broadcast %sub3A_1137 : f32 to vector<200x1xf32>
    %sub3A_1139 = arith.subf %sqrt3A_1108, %sub3A_1138 : vector<200x1xf32>
    %div3A_1140 = arith.constant 5.000000e-03 : f32
    %div3A_1141 = vector.broadcast %div3A_1140 : f32 to vector<200x1xf32>
    %div3A_1142 = arith.divf %sub3A_1139, %div3A_1141 : vector<200x1xf32>
    %logistic3A_1143 = arith.negf %div3A_1142 : vector<200x1xf32>
    %logistic3A_1144 = math.exp %logistic3A_1143 : vector<200x1xf32>
    %logistic3A_1145 = arith.constant 1.000000e+00 : f32
    %logistic3A_1146 = vector.broadcast %logistic3A_1145 : f32 to vector<200x1xf32>
    %logistic3A_1147 = arith.addf %logistic3A_1146, %logistic3A_1144 : vector<200x1xf32>
    %logistic3A_1148 = arith.divf %logistic3A_1146, %logistic3A_1147 : vector<200x1xf32>
    %mul3A_1149 = arith.mulf %select_n3A_1136, %logistic3A_1148 : vector<200x1xf32>
    %mul3A_1150 = vector.broadcast %mul3A_1149 : vector<200x1xf32> to vector<200x8xf32>
    %mul3A_1151 = arith.mulf %exp3A_1119, %mul3A_1150 : vector<200x8xf32>
    %dot_general3A_1152 = arith.constant dense<0.000000e+00> : vector<200x128xf32>
    %dot_general3A_1153 = tpu.matmul %mul3A_1151, %get3A_22, %dot_general3A_1152 {dimension_numbers = #tpu.dot_dimension_numbers<[1], [0], [0], [1], [0, 0, 1, 1], [], []>, transpose_lhs_hint = false} : vector<200x8xf32>, vector<8x128xf32>, vector<200x128xf32> -> vector<200x128xf32>
    %slice3A_1154 = vector.extract_strided_slice %mul3A_537 {offsets = [1000, 0], sizes = [200, 128], strides = [1, 1]} : vector<3200x128xf32> to vector<200x128xf32>
    %mul3A_1155 = arith.mulf %slice3A_1154, %dot_general3A_1153 : vector<200x128xf32>
    %add3A_1156 = arith.addf %add3A_1101, %mul3A_1155 : vector<200x128xf32>
    %get3A_1157 = arith.constant 0 : index
    %get3A_1158 = arith.constant 6 : index
    %get3A_1159 = vector.load %arg2[%get3A_1157, %get3A_1158] : memref<200x16xf32, #tpu.memory_space<vmem>>, vector<200x1xf32>
    %add3A_1160 = arith.constant 9.99999996E-13 : f32
    %add3A_1161 = vector.broadcast %add3A_1160 : f32 to vector<200x1xf32>
    %add3A_1162 = arith.addf %get3A_1159, %add3A_1161 : vector<200x1xf32>
    %sqrt3A_1163 = math.sqrt %add3A_1162 : vector<200x1xf32>
    %lt3A_1164 = arith.constant 5.000000e-01 : f32
    %lt3A_1165 = vector.broadcast %lt3A_1164 : f32 to vector<200x1xf32>
    %lt3A_1166 = arith.cmpf olt, %sqrt3A_1163, %lt3A_1165 : vector<200x1xf32>
    %slice3A_1167 = vector.extract_strided_slice %add3A_549 {offsets = [1200, 0], sizes = [200, 8], strides = [1, 1]} : vector<3200x8xf32> to vector<200x8xf32>
    %jit3A_1168 = arith.constant -1.000000e+09 : f32
    %broadcast_in_dim3A_1169 = vector.shape_cast %lt3A_1166 : vector<200x1xi1> to vector<200x1xi1>
    %broadcast_in_dim3A_1170 = vector.broadcast %broadcast_in_dim3A_1169 : vector<200x1xi1> to vector<200x8xi1>
    %broadcast_in_dim3A_1171 = vector.broadcast %jit3A_1168 : f32 to vector<200x8xf32>
    %select_n3A_1172 = arith.select %broadcast_in_dim3A_1170, %slice3A_1167, %broadcast_in_dim3A_1171 : vector<200x8xi1>, vector<200x8xf32>
    %sub3A_1173 = arith.subf %select_n3A_1172, %max3A_822 : vector<200x8xf32>
    %exp3A_1174 = math.exp %sub3A_1173 : vector<200x8xf32>
    %add3A_1175 = arith.addf %add3A_1120, %exp3A_1174 : vector<200x8xf32>
    %mul3A_1176 = arith.constant 3.14159274 : f32
    %mul3A_1177 = vector.broadcast %mul3A_1176 : f32 to vector<200x1xf32>
    %mul3A_1178 = arith.mulf %mul3A_1177, %sqrt3A_1163 : vector<200x1xf32>
    %div3A_1179 = arith.constant 5.000000e-01 : f32
    %div3A_1180 = vector.broadcast %div3A_1179 : f32 to vector<200x1xf32>
    %div3A_1181 = arith.divf %mul3A_1178, %div3A_1180 : vector<200x1xf32>
    %cos3A_1182 = math.cos %div3A_1181 : vector<200x1xf32>
    %add3A_1183 = arith.constant 1.000000e+00 : f32
    %add3A_1184 = vector.broadcast %add3A_1183 : f32 to vector<200x1xf32>
    %add3A_1185 = arith.addf %cos3A_1182, %add3A_1184 : vector<200x1xf32>
    %mul3A_1186 = arith.constant 5.000000e-01 : f32
    %mul3A_1187 = vector.broadcast %mul3A_1186 : f32 to vector<200x1xf32>
    %mul3A_1188 = arith.mulf %mul3A_1187, %add3A_1185 : vector<200x1xf32>
    %jit3A_1189 = arith.constant 0.000000e+00 : f32
    %broadcast_in_dim3A_1190 = vector.broadcast %jit3A_1189 : f32 to vector<200x1xf32>
    %select_n3A_1191 = arith.select %lt3A_1166, %mul3A_1188, %broadcast_in_dim3A_1190 : vector<200x1xi1>, vector<200x1xf32>
    %sub3A_1192 = arith.constant 5.000000e-02 : f32
    %sub3A_1193 = vector.broadcast %sub3A_1192 : f32 to vector<200x1xf32>
    %sub3A_1194 = arith.subf %sqrt3A_1163, %sub3A_1193 : vector<200x1xf32>
    %div3A_1195 = arith.constant 5.000000e-03 : f32
    %div3A_1196 = vector.broadcast %div3A_1195 : f32 to vector<200x1xf32>
    %div3A_1197 = arith.divf %sub3A_1194, %div3A_1196 : vector<200x1xf32>
    %logistic3A_1198 = arith.negf %div3A_1197 : vector<200x1xf32>
    %logistic3A_1199 = math.exp %logistic3A_1198 : vector<200x1xf32>
    %logistic3A_1200 = arith.constant 1.000000e+00 : f32
    %logistic3A_1201 = vector.broadcast %logistic3A_1200 : f32 to vector<200x1xf32>
    %logistic3A_1202 = arith.addf %logistic3A_1201, %logistic3A_1199 : vector<200x1xf32>
    %logistic3A_1203 = arith.divf %logistic3A_1201, %logistic3A_1202 : vector<200x1xf32>
    %mul3A_1204 = arith.mulf %select_n3A_1191, %logistic3A_1203 : vector<200x1xf32>
    %mul3A_1205 = vector.broadcast %mul3A_1204 : vector<200x1xf32> to vector<200x8xf32>
    %mul3A_1206 = arith.mulf %exp3A_1174, %mul3A_1205 : vector<200x8xf32>
    %dot_general3A_1207 = arith.constant dense<0.000000e+00> : vector<200x128xf32>
    %dot_general3A_1208 = tpu.matmul %mul3A_1206, %get3A_22, %dot_general3A_1207 {dimension_numbers = #tpu.dot_dimension_numbers<[1], [0], [0], [1], [0, 0, 1, 1], [], []>, transpose_lhs_hint = false} : vector<200x8xf32>, vector<8x128xf32>, vector<200x128xf32> -> vector<200x128xf32>
    %slice3A_1209 = vector.extract_strided_slice %mul3A_537 {offsets = [1200, 0], sizes = [200, 128], strides = [1, 1]} : vector<3200x128xf32> to vector<200x128xf32>
    %mul3A_1210 = arith.mulf %slice3A_1209, %dot_general3A_1208 : vector<200x128xf32>
    %add3A_1211 = arith.addf %add3A_1156, %mul3A_1210 : vector<200x128xf32>
    %get3A_1212 = arith.constant 0 : index
    %get3A_1213 = arith.constant 7 : index
    %get3A_1214 = vector.load %arg2[%get3A_1212, %get3A_1213] : memref<200x16xf32, #tpu.memory_space<vmem>>, vector<200x1xf32>
    %add3A_1215 = arith.constant 9.99999996E-13 : f32
    %add3A_1216 = vector.broadcast %add3A_1215 : f32 to vector<200x1xf32>
    %add3A_1217 = arith.addf %get3A_1214, %add3A_1216 : vector<200x1xf32>
    %sqrt3A_1218 = math.sqrt %add3A_1217 : vector<200x1xf32>
    %lt3A_1219 = arith.constant 5.000000e-01 : f32
    %lt3A_1220 = vector.broadcast %lt3A_1219 : f32 to vector<200x1xf32>
    %lt3A_1221 = arith.cmpf olt, %sqrt3A_1218, %lt3A_1220 : vector<200x1xf32>
    %slice3A_1222 = vector.extract_strided_slice %add3A_549 {offsets = [1400, 0], sizes = [200, 8], strides = [1, 1]} : vector<3200x8xf32> to vector<200x8xf32>
    %jit3A_1223 = arith.constant -1.000000e+09 : f32
    %broadcast_in_dim3A_1224 = vector.shape_cast %lt3A_1221 : vector<200x1xi1> to vector<200x1xi1>
    %broadcast_in_dim3A_1225 = vector.broadcast %broadcast_in_dim3A_1224 : vector<200x1xi1> to vector<200x8xi1>
    %broadcast_in_dim3A_1226 = vector.broadcast %jit3A_1223 : f32 to vector<200x8xf32>
    %select_n3A_1227 = arith.select %broadcast_in_dim3A_1225, %slice3A_1222, %broadcast_in_dim3A_1226 : vector<200x8xi1>, vector<200x8xf32>
    %sub3A_1228 = arith.subf %select_n3A_1227, %max3A_822 : vector<200x8xf32>
    %exp3A_1229 = math.exp %sub3A_1228 : vector<200x8xf32>
    %add3A_1230 = arith.addf %add3A_1175, %exp3A_1229 : vector<200x8xf32>
    %mul3A_1231 = arith.constant 3.14159274 : f32
    %mul3A_1232 = vector.broadcast %mul3A_1231 : f32 to vector<200x1xf32>
    %mul3A_1233 = arith.mulf %mul3A_1232, %sqrt3A_1218 : vector<200x1xf32>
    %div3A_1234 = arith.constant 5.000000e-01 : f32
    %div3A_1235 = vector.broadcast %div3A_1234 : f32 to vector<200x1xf32>
    %div3A_1236 = arith.divf %mul3A_1233, %div3A_1235 : vector<200x1xf32>
    %cos3A_1237 = math.cos %div3A_1236 : vector<200x1xf32>
    %add3A_1238 = arith.constant 1.000000e+00 : f32
    %add3A_1239 = vector.broadcast %add3A_1238 : f32 to vector<200x1xf32>
    %add3A_1240 = arith.addf %cos3A_1237, %add3A_1239 : vector<200x1xf32>
    %mul3A_1241 = arith.constant 5.000000e-01 : f32
    %mul3A_1242 = vector.broadcast %mul3A_1241 : f32 to vector<200x1xf32>
    %mul3A_1243 = arith.mulf %mul3A_1242, %add3A_1240 : vector<200x1xf32>
    %jit3A_1244 = arith.constant 0.000000e+00 : f32
    %broadcast_in_dim3A_1245 = vector.broadcast %jit3A_1244 : f32 to vector<200x1xf32>
    %select_n3A_1246 = arith.select %lt3A_1221, %mul3A_1243, %broadcast_in_dim3A_1245 : vector<200x1xi1>, vector<200x1xf32>
    %sub3A_1247 = arith.constant 5.000000e-02 : f32
    %sub3A_1248 = vector.broadcast %sub3A_1247 : f32 to vector<200x1xf32>
    %sub3A_1249 = arith.subf %sqrt3A_1218, %sub3A_1248 : vector<200x1xf32>
    %div3A_1250 = arith.constant 5.000000e-03 : f32
    %div3A_1251 = vector.broadcast %div3A_1250 : f32 to vector<200x1xf32>
    %div3A_1252 = arith.divf %sub3A_1249, %div3A_1251 : vector<200x1xf32>
    %logistic3A_1253 = arith.negf %div3A_1252 : vector<200x1xf32>
    %logistic3A_1254 = math.exp %logistic3A_1253 : vector<200x1xf32>
    %logistic3A_1255 = arith.constant 1.000000e+00 : f32
    %logistic3A_1256 = vector.broadcast %logistic3A_1255 : f32 to vector<200x1xf32>
    %logistic3A_1257 = arith.addf %logistic3A_1256, %logistic3A_1254 : vector<200x1xf32>
    %logistic3A_1258 = arith.divf %logistic3A_1256, %logistic3A_1257 : vector<200x1xf32>
    %mul3A_1259 = arith.mulf %select_n3A_1246, %logistic3A_1258 : vector<200x1xf32>
    %mul3A_1260 = vector.broadcast %mul3A_1259 : vector<200x1xf32> to vector<200x8xf32>
    %mul3A_1261 = arith.mulf %exp3A_1229, %mul3A_1260 : vector<200x8xf32>
    %dot_general3A_1262 = arith.constant dense<0.000000e+00> : vector<200x128xf32>
    %dot_general3A_1263 = tpu.matmul %mul3A_1261, %get3A_22, %dot_general3A_1262 {dimension_numbers = #tpu.dot_dimension_numbers<[1], [0], [0], [1], [0, 0, 1, 1], [], []>, transpose_lhs_hint = false} : vector<200x8xf32>, vector<8x128xf32>, vector<200x128xf32> -> vector<200x128xf32>
    %slice3A_1264 = vector.extract_strided_slice %mul3A_537 {offsets = [1400, 0], sizes = [200, 128], strides = [1, 1]} : vector<3200x128xf32> to vector<200x128xf32>
    %mul3A_1265 = arith.mulf %slice3A_1264, %dot_general3A_1263 : vector<200x128xf32>
    %add3A_1266 = arith.addf %add3A_1211, %mul3A_1265 : vector<200x128xf32>
    %get3A_1267 = arith.constant 0 : index
    %get3A_1268 = arith.constant 8 : index
    %get3A_1269 = vector.load %arg2[%get3A_1267, %get3A_1268] : memref<200x16xf32, #tpu.memory_space<vmem>>, vector<200x1xf32>
    %add3A_1270 = arith.constant 9.99999996E-13 : f32
    %add3A_1271 = vector.broadcast %add3A_1270 : f32 to vector<200x1xf32>
    %add3A_1272 = arith.addf %get3A_1269, %add3A_1271 : vector<200x1xf32>
    %sqrt3A_1273 = math.sqrt %add3A_1272 : vector<200x1xf32>
    %lt3A_1274 = arith.constant 5.000000e-01 : f32
    %lt3A_1275 = vector.broadcast %lt3A_1274 : f32 to vector<200x1xf32>
    %lt3A_1276 = arith.cmpf olt, %sqrt3A_1273, %lt3A_1275 : vector<200x1xf32>
    %slice3A_1277 = vector.extract_strided_slice %add3A_549 {offsets = [1600, 0], sizes = [200, 8], strides = [1, 1]} : vector<3200x8xf32> to vector<200x8xf32>
    %jit3A_1278 = arith.constant -1.000000e+09 : f32
    %broadcast_in_dim3A_1279 = vector.shape_cast %lt3A_1276 : vector<200x1xi1> to vector<200x1xi1>
    %broadcast_in_dim3A_1280 = vector.broadcast %broadcast_in_dim3A_1279 : vector<200x1xi1> to vector<200x8xi1>
    %broadcast_in_dim3A_1281 = vector.broadcast %jit3A_1278 : f32 to vector<200x8xf32>
    %select_n3A_1282 = arith.select %broadcast_in_dim3A_1280, %slice3A_1277, %broadcast_in_dim3A_1281 : vector<200x8xi1>, vector<200x8xf32>
    %sub3A_1283 = arith.subf %select_n3A_1282, %max3A_822 : vector<200x8xf32>
    %exp3A_1284 = math.exp %sub3A_1283 : vector<200x8xf32>
    %add3A_1285 = arith.addf %add3A_1230, %exp3A_1284 : vector<200x8xf32>
    %mul3A_1286 = arith.constant 3.14159274 : f32
    %mul3A_1287 = vector.broadcast %mul3A_1286 : f32 to vector<200x1xf32>
    %mul3A_1288 = arith.mulf %mul3A_1287, %sqrt3A_1273 : vector<200x1xf32>
    %div3A_1289 = arith.constant 5.000000e-01 : f32
    %div3A_1290 = vector.broadcast %div3A_1289 : f32 to vector<200x1xf32>
    %div3A_1291 = arith.divf %mul3A_1288, %div3A_1290 : vector<200x1xf32>
    %cos3A_1292 = math.cos %div3A_1291 : vector<200x1xf32>
    %add3A_1293 = arith.constant 1.000000e+00 : f32
    %add3A_1294 = vector.broadcast %add3A_1293 : f32 to vector<200x1xf32>
    %add3A_1295 = arith.addf %cos3A_1292, %add3A_1294 : vector<200x1xf32>
    %mul3A_1296 = arith.constant 5.000000e-01 : f32
    %mul3A_1297 = vector.broadcast %mul3A_1296 : f32 to vector<200x1xf32>
    %mul3A_1298 = arith.mulf %mul3A_1297, %add3A_1295 : vector<200x1xf32>
    %jit3A_1299 = arith.constant 0.000000e+00 : f32
    %broadcast_in_dim3A_1300 = vector.broadcast %jit3A_1299 : f32 to vector<200x1xf32>
    %select_n3A_1301 = arith.select %lt3A_1276, %mul3A_1298, %broadcast_in_dim3A_1300 : vector<200x1xi1>, vector<200x1xf32>
    %sub3A_1302 = arith.constant 5.000000e-02 : f32
    %sub3A_1303 = vector.broadcast %sub3A_1302 : f32 to vector<200x1xf32>
    %sub3A_1304 = arith.subf %sqrt3A_1273, %sub3A_1303 : vector<200x1xf32>
    %div3A_1305 = arith.constant 5.000000e-03 : f32
    %div3A_1306 = vector.broadcast %div3A_1305 : f32 to vector<200x1xf32>
    %div3A_1307 = arith.divf %sub3A_1304, %div3A_1306 : vector<200x1xf32>
    %logistic3A_1308 = arith.negf %div3A_1307 : vector<200x1xf32>
    %logistic3A_1309 = math.exp %logistic3A_1308 : vector<200x1xf32>
    %logistic3A_1310 = arith.constant 1.000000e+00 : f32
    %logistic3A_1311 = vector.broadcast %logistic3A_1310 : f32 to vector<200x1xf32>
    %logistic3A_1312 = arith.addf %logistic3A_1311, %logistic3A_1309 : vector<200x1xf32>
    %logistic3A_1313 = arith.divf %logistic3A_1311, %logistic3A_1312 : vector<200x1xf32>
    %mul3A_1314 = arith.mulf %select_n3A_1301, %logistic3A_1313 : vector<200x1xf32>
    %mul3A_1315 = vector.broadcast %mul3A_1314 : vector<200x1xf32> to vector<200x8xf32>
    %mul3A_1316 = arith.mulf %exp3A_1284, %mul3A_1315 : vector<200x8xf32>
    %dot_general3A_1317 = arith.constant dense<0.000000e+00> : vector<200x128xf32>
    %dot_general3A_1318 = tpu.matmul %mul3A_1316, %get3A_22, %dot_general3A_1317 {dimension_numbers = #tpu.dot_dimension_numbers<[1], [0], [0], [1], [0, 0, 1, 1], [], []>, transpose_lhs_hint = false} : vector<200x8xf32>, vector<8x128xf32>, vector<200x128xf32> -> vector<200x128xf32>
    %slice3A_1319 = vector.extract_strided_slice %mul3A_537 {offsets = [1600, 0], sizes = [200, 128], strides = [1, 1]} : vector<3200x128xf32> to vector<200x128xf32>
    %mul3A_1320 = arith.mulf %slice3A_1319, %dot_general3A_1318 : vector<200x128xf32>
    %add3A_1321 = arith.addf %add3A_1266, %mul3A_1320 : vector<200x128xf32>
    %get3A_1322 = arith.constant 0 : index
    %get3A_1323 = arith.constant 9 : index
    %get3A_1324 = vector.load %arg2[%get3A_1322, %get3A_1323] : memref<200x16xf32, #tpu.memory_space<vmem>>, vector<200x1xf32>
    %add3A_1325 = arith.constant 9.99999996E-13 : f32
    %add3A_1326 = vector.broadcast %add3A_1325 : f32 to vector<200x1xf32>
    %add3A_1327 = arith.addf %get3A_1324, %add3A_1326 : vector<200x1xf32>
    %sqrt3A_1328 = math.sqrt %add3A_1327 : vector<200x1xf32>
    %lt3A_1329 = arith.constant 5.000000e-01 : f32
    %lt3A_1330 = vector.broadcast %lt3A_1329 : f32 to vector<200x1xf32>
    %lt3A_1331 = arith.cmpf olt, %sqrt3A_1328, %lt3A_1330 : vector<200x1xf32>
    %slice3A_1332 = vector.extract_strided_slice %add3A_549 {offsets = [1800, 0], sizes = [200, 8], strides = [1, 1]} : vector<3200x8xf32> to vector<200x8xf32>
    %jit3A_1333 = arith.constant -1.000000e+09 : f32
    %broadcast_in_dim3A_1334 = vector.shape_cast %lt3A_1331 : vector<200x1xi1> to vector<200x1xi1>
    %broadcast_in_dim3A_1335 = vector.broadcast %broadcast_in_dim3A_1334 : vector<200x1xi1> to vector<200x8xi1>
    %broadcast_in_dim3A_1336 = vector.broadcast %jit3A_1333 : f32 to vector<200x8xf32>
    %select_n3A_1337 = arith.select %broadcast_in_dim3A_1335, %slice3A_1332, %broadcast_in_dim3A_1336 : vector<200x8xi1>, vector<200x8xf32>
    %sub3A_1338 = arith.subf %select_n3A_1337, %max3A_822 : vector<200x8xf32>
    %exp3A_1339 = math.exp %sub3A_1338 : vector<200x8xf32>
    %add3A_1340 = arith.addf %add3A_1285, %exp3A_1339 : vector<200x8xf32>
    %mul3A_1341 = arith.constant 3.14159274 : f32
    %mul3A_1342 = vector.broadcast %mul3A_1341 : f32 to vector<200x1xf32>
    %mul3A_1343 = arith.mulf %mul3A_1342, %sqrt3A_1328 : vector<200x1xf32>
    %div3A_1344 = arith.constant 5.000000e-01 : f32
    %div3A_1345 = vector.broadcast %div3A_1344 : f32 to vector<200x1xf32>
    %div3A_1346 = arith.divf %mul3A_1343, %div3A_1345 : vector<200x1xf32>
    %cos3A_1347 = math.cos %div3A_1346 : vector<200x1xf32>
    %add3A_1348 = arith.constant 1.000000e+00 : f32
    %add3A_1349 = vector.broadcast %add3A_1348 : f32 to vector<200x1xf32>
    %add3A_1350 = arith.addf %cos3A_1347, %add3A_1349 : vector<200x1xf32>
    %mul3A_1351 = arith.constant 5.000000e-01 : f32
    %mul3A_1352 = vector.broadcast %mul3A_1351 : f32 to vector<200x1xf32>
    %mul3A_1353 = arith.mulf %mul3A_1352, %add3A_1350 : vector<200x1xf32>
    %jit3A_1354 = arith.constant 0.000000e+00 : f32
    %broadcast_in_dim3A_1355 = vector.broadcast %jit3A_1354 : f32 to vector<200x1xf32>
    %select_n3A_1356 = arith.select %lt3A_1331, %mul3A_1353, %broadcast_in_dim3A_1355 : vector<200x1xi1>, vector<200x1xf32>
    %sub3A_1357 = arith.constant 5.000000e-02 : f32
    %sub3A_1358 = vector.broadcast %sub3A_1357 : f32 to vector<200x1xf32>
    %sub3A_1359 = arith.subf %sqrt3A_1328, %sub3A_1358 : vector<200x1xf32>
    %div3A_1360 = arith.constant 5.000000e-03 : f32
    %div3A_1361 = vector.broadcast %div3A_1360 : f32 to vector<200x1xf32>
    %div3A_1362 = arith.divf %sub3A_1359, %div3A_1361 : vector<200x1xf32>
    %logistic3A_1363 = arith.negf %div3A_1362 : vector<200x1xf32>
    %logistic3A_1364 = math.exp %logistic3A_1363 : vector<200x1xf32>
    %logistic3A_1365 = arith.constant 1.000000e+00 : f32
    %logistic3A_1366 = vector.broadcast %logistic3A_1365 : f32 to vector<200x1xf32>
    %logistic3A_1367 = arith.addf %logistic3A_1366, %logistic3A_1364 : vector<200x1xf32>
    %logistic3A_1368 = arith.divf %logistic3A_1366, %logistic3A_1367 : vector<200x1xf32>
    %mul3A_1369 = arith.mulf %select_n3A_1356, %logistic3A_1368 : vector<200x1xf32>
    %mul3A_1370 = vector.broadcast %mul3A_1369 : vector<200x1xf32> to vector<200x8xf32>
    %mul3A_1371 = arith.mulf %exp3A_1339, %mul3A_1370 : vector<200x8xf32>
    %dot_general3A_1372 = arith.constant dense<0.000000e+00> : vector<200x128xf32>
    %dot_general3A_1373 = tpu.matmul %mul3A_1371, %get3A_22, %dot_general3A_1372 {dimension_numbers = #tpu.dot_dimension_numbers<[1], [0], [0], [1], [0, 0, 1, 1], [], []>, transpose_lhs_hint = false} : vector<200x8xf32>, vector<8x128xf32>, vector<200x128xf32> -> vector<200x128xf32>
    %slice3A_1374 = vector.extract_strided_slice %mul3A_537 {offsets = [1800, 0], sizes = [200, 128], strides = [1, 1]} : vector<3200x128xf32> to vector<200x128xf32>
    %mul3A_1375 = arith.mulf %slice3A_1374, %dot_general3A_1373 : vector<200x128xf32>
    %add3A_1376 = arith.addf %add3A_1321, %mul3A_1375 : vector<200x128xf32>
    %get3A_1377 = arith.constant 0 : index
    %get3A_1378 = arith.constant 10 : index
    %get3A_1379 = vector.load %arg2[%get3A_1377, %get3A_1378] : memref<200x16xf32, #tpu.memory_space<vmem>>, vector<200x1xf32>
    %add3A_1380 = arith.constant 9.99999996E-13 : f32
    %add3A_1381 = vector.broadcast %add3A_1380 : f32 to vector<200x1xf32>
    %add3A_1382 = arith.addf %get3A_1379, %add3A_1381 : vector<200x1xf32>
    %sqrt3A_1383 = math.sqrt %add3A_1382 : vector<200x1xf32>
    %lt3A_1384 = arith.constant 5.000000e-01 : f32
    %lt3A_1385 = vector.broadcast %lt3A_1384 : f32 to vector<200x1xf32>
    %lt3A_1386 = arith.cmpf olt, %sqrt3A_1383, %lt3A_1385 : vector<200x1xf32>
    %slice3A_1387 = vector.extract_strided_slice %add3A_549 {offsets = [2000, 0], sizes = [200, 8], strides = [1, 1]} : vector<3200x8xf32> to vector<200x8xf32>
    %jit3A_1388 = arith.constant -1.000000e+09 : f32
    %broadcast_in_dim3A_1389 = vector.shape_cast %lt3A_1386 : vector<200x1xi1> to vector<200x1xi1>
    %broadcast_in_dim3A_1390 = vector.broadcast %broadcast_in_dim3A_1389 : vector<200x1xi1> to vector<200x8xi1>
    %broadcast_in_dim3A_1391 = vector.broadcast %jit3A_1388 : f32 to vector<200x8xf32>
    %select_n3A_1392 = arith.select %broadcast_in_dim3A_1390, %slice3A_1387, %broadcast_in_dim3A_1391 : vector<200x8xi1>, vector<200x8xf32>
    %sub3A_1393 = arith.subf %select_n3A_1392, %max3A_822 : vector<200x8xf32>
    %exp3A_1394 = math.exp %sub3A_1393 : vector<200x8xf32>
    %add3A_1395 = arith.addf %add3A_1340, %exp3A_1394 : vector<200x8xf32>
    %mul3A_1396 = arith.constant 3.14159274 : f32
    %mul3A_1397 = vector.broadcast %mul3A_1396 : f32 to vector<200x1xf32>
    %mul3A_1398 = arith.mulf %mul3A_1397, %sqrt3A_1383 : vector<200x1xf32>
    %div3A_1399 = arith.constant 5.000000e-01 : f32
    %div3A_1400 = vector.broadcast %div3A_1399 : f32 to vector<200x1xf32>
    %div3A_1401 = arith.divf %mul3A_1398, %div3A_1400 : vector<200x1xf32>
    %cos3A_1402 = math.cos %div3A_1401 : vector<200x1xf32>
    %add3A_1403 = arith.constant 1.000000e+00 : f32
    %add3A_1404 = vector.broadcast %add3A_1403 : f32 to vector<200x1xf32>
    %add3A_1405 = arith.addf %cos3A_1402, %add3A_1404 : vector<200x1xf32>
    %mul3A_1406 = arith.constant 5.000000e-01 : f32
    %mul3A_1407 = vector.broadcast %mul3A_1406 : f32 to vector<200x1xf32>
    %mul3A_1408 = arith.mulf %mul3A_1407, %add3A_1405 : vector<200x1xf32>
    %jit3A_1409 = arith.constant 0.000000e+00 : f32
    %broadcast_in_dim3A_1410 = vector.broadcast %jit3A_1409 : f32 to vector<200x1xf32>
    %select_n3A_1411 = arith.select %lt3A_1386, %mul3A_1408, %broadcast_in_dim3A_1410 : vector<200x1xi1>, vector<200x1xf32>
    %sub3A_1412 = arith.constant 5.000000e-02 : f32
    %sub3A_1413 = vector.broadcast %sub3A_1412 : f32 to vector<200x1xf32>
    %sub3A_1414 = arith.subf %sqrt3A_1383, %sub3A_1413 : vector<200x1xf32>
    %div3A_1415 = arith.constant 5.000000e-03 : f32
    %div3A_1416 = vector.broadcast %div3A_1415 : f32 to vector<200x1xf32>
    %div3A_1417 = arith.divf %sub3A_1414, %div3A_1416 : vector<200x1xf32>
    %logistic3A_1418 = arith.negf %div3A_1417 : vector<200x1xf32>
    %logistic3A_1419 = math.exp %logistic3A_1418 : vector<200x1xf32>
    %logistic3A_1420 = arith.constant 1.000000e+00 : f32
    %logistic3A_1421 = vector.broadcast %logistic3A_1420 : f32 to vector<200x1xf32>
    %logistic3A_1422 = arith.addf %logistic3A_1421, %logistic3A_1419 : vector<200x1xf32>
    %logistic3A_1423 = arith.divf %logistic3A_1421, %logistic3A_1422 : vector<200x1xf32>
    %mul3A_1424 = arith.mulf %select_n3A_1411, %logistic3A_1423 : vector<200x1xf32>
    %mul3A_1425 = vector.broadcast %mul3A_1424 : vector<200x1xf32> to vector<200x8xf32>
    %mul3A_1426 = arith.mulf %exp3A_1394, %mul3A_1425 : vector<200x8xf32>
    %dot_general3A_1427 = arith.constant dense<0.000000e+00> : vector<200x128xf32>
    %dot_general3A_1428 = tpu.matmul %mul3A_1426, %get3A_22, %dot_general3A_1427 {dimension_numbers = #tpu.dot_dimension_numbers<[1], [0], [0], [1], [0, 0, 1, 1], [], []>, transpose_lhs_hint = false} : vector<200x8xf32>, vector<8x128xf32>, vector<200x128xf32> -> vector<200x128xf32>
    %slice3A_1429 = vector.extract_strided_slice %mul3A_537 {offsets = [2000, 0], sizes = [200, 128], strides = [1, 1]} : vector<3200x128xf32> to vector<200x128xf32>
    %mul3A_1430 = arith.mulf %slice3A_1429, %dot_general3A_1428 : vector<200x128xf32>
    %add3A_1431 = arith.addf %add3A_1376, %mul3A_1430 : vector<200x128xf32>
    %get3A_1432 = arith.constant 0 : index
    %get3A_1433 = arith.constant 11 : index
    %get3A_1434 = vector.load %arg2[%get3A_1432, %get3A_1433] : memref<200x16xf32, #tpu.memory_space<vmem>>, vector<200x1xf32>
    %add3A_1435 = arith.constant 9.99999996E-13 : f32
    %add3A_1436 = vector.broadcast %add3A_1435 : f32 to vector<200x1xf32>
    %add3A_1437 = arith.addf %get3A_1434, %add3A_1436 : vector<200x1xf32>
    %sqrt3A_1438 = math.sqrt %add3A_1437 : vector<200x1xf32>
    %lt3A_1439 = arith.constant 5.000000e-01 : f32
    %lt3A_1440 = vector.broadcast %lt3A_1439 : f32 to vector<200x1xf32>
    %lt3A_1441 = arith.cmpf olt, %sqrt3A_1438, %lt3A_1440 : vector<200x1xf32>
    %slice3A_1442 = vector.extract_strided_slice %add3A_549 {offsets = [2200, 0], sizes = [200, 8], strides = [1, 1]} : vector<3200x8xf32> to vector<200x8xf32>
    %jit3A_1443 = arith.constant -1.000000e+09 : f32
    %broadcast_in_dim3A_1444 = vector.shape_cast %lt3A_1441 : vector<200x1xi1> to vector<200x1xi1>
    %broadcast_in_dim3A_1445 = vector.broadcast %broadcast_in_dim3A_1444 : vector<200x1xi1> to vector<200x8xi1>
    %broadcast_in_dim3A_1446 = vector.broadcast %jit3A_1443 : f32 to vector<200x8xf32>
    %select_n3A_1447 = arith.select %broadcast_in_dim3A_1445, %slice3A_1442, %broadcast_in_dim3A_1446 : vector<200x8xi1>, vector<200x8xf32>
    %sub3A_1448 = arith.subf %select_n3A_1447, %max3A_822 : vector<200x8xf32>
    %exp3A_1449 = math.exp %sub3A_1448 : vector<200x8xf32>
    %add3A_1450 = arith.addf %add3A_1395, %exp3A_1449 : vector<200x8xf32>
    %mul3A_1451 = arith.constant 3.14159274 : f32
    %mul3A_1452 = vector.broadcast %mul3A_1451 : f32 to vector<200x1xf32>
    %mul3A_1453 = arith.mulf %mul3A_1452, %sqrt3A_1438 : vector<200x1xf32>
    %div3A_1454 = arith.constant 5.000000e-01 : f32
    %div3A_1455 = vector.broadcast %div3A_1454 : f32 to vector<200x1xf32>
    %div3A_1456 = arith.divf %mul3A_1453, %div3A_1455 : vector<200x1xf32>
    %cos3A_1457 = math.cos %div3A_1456 : vector<200x1xf32>
    %add3A_1458 = arith.constant 1.000000e+00 : f32
    %add3A_1459 = vector.broadcast %add3A_1458 : f32 to vector<200x1xf32>
    %add3A_1460 = arith.addf %cos3A_1457, %add3A_1459 : vector<200x1xf32>
    %mul3A_1461 = arith.constant 5.000000e-01 : f32
    %mul3A_1462 = vector.broadcast %mul3A_1461 : f32 to vector<200x1xf32>
    %mul3A_1463 = arith.mulf %mul3A_1462, %add3A_1460 : vector<200x1xf32>
    %jit3A_1464 = arith.constant 0.000000e+00 : f32
    %broadcast_in_dim3A_1465 = vector.broadcast %jit3A_1464 : f32 to vector<200x1xf32>
    %select_n3A_1466 = arith.select %lt3A_1441, %mul3A_1463, %broadcast_in_dim3A_1465 : vector<200x1xi1>, vector<200x1xf32>
    %sub3A_1467 = arith.constant 5.000000e-02 : f32
    %sub3A_1468 = vector.broadcast %sub3A_1467 : f32 to vector<200x1xf32>
    %sub3A_1469 = arith.subf %sqrt3A_1438, %sub3A_1468 : vector<200x1xf32>
    %div3A_1470 = arith.constant 5.000000e-03 : f32
    %div3A_1471 = vector.broadcast %div3A_1470 : f32 to vector<200x1xf32>
    %div3A_1472 = arith.divf %sub3A_1469, %div3A_1471 : vector<200x1xf32>
    %logistic3A_1473 = arith.negf %div3A_1472 : vector<200x1xf32>
    %logistic3A_1474 = math.exp %logistic3A_1473 : vector<200x1xf32>
    %logistic3A_1475 = arith.constant 1.000000e+00 : f32
    %logistic3A_1476 = vector.broadcast %logistic3A_1475 : f32 to vector<200x1xf32>
    %logistic3A_1477 = arith.addf %logistic3A_1476, %logistic3A_1474 : vector<200x1xf32>
    %logistic3A_1478 = arith.divf %logistic3A_1476, %logistic3A_1477 : vector<200x1xf32>
    %mul3A_1479 = arith.mulf %select_n3A_1466, %logistic3A_1478 : vector<200x1xf32>
    %mul3A_1480 = vector.broadcast %mul3A_1479 : vector<200x1xf32> to vector<200x8xf32>
    %mul3A_1481 = arith.mulf %exp3A_1449, %mul3A_1480 : vector<200x8xf32>
    %dot_general3A_1482 = arith.constant dense<0.000000e+00> : vector<200x128xf32>
    %dot_general3A_1483 = tpu.matmul %mul3A_1481, %get3A_22, %dot_general3A_1482 {dimension_numbers = #tpu.dot_dimension_numbers<[1], [0], [0], [1], [0, 0, 1, 1], [], []>, transpose_lhs_hint = false} : vector<200x8xf32>, vector<8x128xf32>, vector<200x128xf32> -> vector<200x128xf32>
    %slice3A_1484 = vector.extract_strided_slice %mul3A_537 {offsets = [2200, 0], sizes = [200, 128], strides = [1, 1]} : vector<3200x128xf32> to vector<200x128xf32>
    %mul3A_1485 = arith.mulf %slice3A_1484, %dot_general3A_1483 : vector<200x128xf32>
    %add3A_1486 = arith.addf %add3A_1431, %mul3A_1485 : vector<200x128xf32>
    %get3A_1487 = arith.constant 0 : index
    %get3A_1488 = arith.constant 12 : index
    %get3A_1489 = vector.load %arg2[%get3A_1487, %get3A_1488] : memref<200x16xf32, #tpu.memory_space<vmem>>, vector<200x1xf32>
    %add3A_1490 = arith.constant 9.99999996E-13 : f32
    %add3A_1491 = vector.broadcast %add3A_1490 : f32 to vector<200x1xf32>
    %add3A_1492 = arith.addf %get3A_1489, %add3A_1491 : vector<200x1xf32>
    %sqrt3A_1493 = math.sqrt %add3A_1492 : vector<200x1xf32>
    %lt3A_1494 = arith.constant 5.000000e-01 : f32
    %lt3A_1495 = vector.broadcast %lt3A_1494 : f32 to vector<200x1xf32>
    %lt3A_1496 = arith.cmpf olt, %sqrt3A_1493, %lt3A_1495 : vector<200x1xf32>
    %slice3A_1497 = vector.extract_strided_slice %add3A_549 {offsets = [2400, 0], sizes = [200, 8], strides = [1, 1]} : vector<3200x8xf32> to vector<200x8xf32>
    %jit3A_1498 = arith.constant -1.000000e+09 : f32
    %broadcast_in_dim3A_1499 = vector.shape_cast %lt3A_1496 : vector<200x1xi1> to vector<200x1xi1>
    %broadcast_in_dim3A_1500 = vector.broadcast %broadcast_in_dim3A_1499 : vector<200x1xi1> to vector<200x8xi1>
    %broadcast_in_dim3A_1501 = vector.broadcast %jit3A_1498 : f32 to vector<200x8xf32>
    %select_n3A_1502 = arith.select %broadcast_in_dim3A_1500, %slice3A_1497, %broadcast_in_dim3A_1501 : vector<200x8xi1>, vector<200x8xf32>
    %sub3A_1503 = arith.subf %select_n3A_1502, %max3A_822 : vector<200x8xf32>
    %exp3A_1504 = math.exp %sub3A_1503 : vector<200x8xf32>
    %add3A_1505 = arith.addf %add3A_1450, %exp3A_1504 : vector<200x8xf32>
    %mul3A_1506 = arith.constant 3.14159274 : f32
    %mul3A_1507 = vector.broadcast %mul3A_1506 : f32 to vector<200x1xf32>
    %mul3A_1508 = arith.mulf %mul3A_1507, %sqrt3A_1493 : vector<200x1xf32>
    %div3A_1509 = arith.constant 5.000000e-01 : f32
    %div3A_1510 = vector.broadcast %div3A_1509 : f32 to vector<200x1xf32>
    %div3A_1511 = arith.divf %mul3A_1508, %div3A_1510 : vector<200x1xf32>
    %cos3A_1512 = math.cos %div3A_1511 : vector<200x1xf32>
    %add3A_1513 = arith.constant 1.000000e+00 : f32
    %add3A_1514 = vector.broadcast %add3A_1513 : f32 to vector<200x1xf32>
    %add3A_1515 = arith.addf %cos3A_1512, %add3A_1514 : vector<200x1xf32>
    %mul3A_1516 = arith.constant 5.000000e-01 : f32
    %mul3A_1517 = vector.broadcast %mul3A_1516 : f32 to vector<200x1xf32>
    %mul3A_1518 = arith.mulf %mul3A_1517, %add3A_1515 : vector<200x1xf32>
    %jit3A_1519 = arith.constant 0.000000e+00 : f32
    %broadcast_in_dim3A_1520 = vector.broadcast %jit3A_1519 : f32 to vector<200x1xf32>
    %select_n3A_1521 = arith.select %lt3A_1496, %mul3A_1518, %broadcast_in_dim3A_1520 : vector<200x1xi1>, vector<200x1xf32>
    %sub3A_1522 = arith.constant 5.000000e-02 : f32
    %sub3A_1523 = vector.broadcast %sub3A_1522 : f32 to vector<200x1xf32>
    %sub3A_1524 = arith.subf %sqrt3A_1493, %sub3A_1523 : vector<200x1xf32>
    %div3A_1525 = arith.constant 5.000000e-03 : f32
    %div3A_1526 = vector.broadcast %div3A_1525 : f32 to vector<200x1xf32>
    %div3A_1527 = arith.divf %sub3A_1524, %div3A_1526 : vector<200x1xf32>
    %logistic3A_1528 = arith.negf %div3A_1527 : vector<200x1xf32>
    %logistic3A_1529 = math.exp %logistic3A_1528 : vector<200x1xf32>
    %logistic3A_1530 = arith.constant 1.000000e+00 : f32
    %logistic3A_1531 = vector.broadcast %logistic3A_1530 : f32 to vector<200x1xf32>
    %logistic3A_1532 = arith.addf %logistic3A_1531, %logistic3A_1529 : vector<200x1xf32>
    %logistic3A_1533 = arith.divf %logistic3A_1531, %logistic3A_1532 : vector<200x1xf32>
    %mul3A_1534 = arith.mulf %select_n3A_1521, %logistic3A_1533 : vector<200x1xf32>
    %mul3A_1535 = vector.broadcast %mul3A_1534 : vector<200x1xf32> to vector<200x8xf32>
    %mul3A_1536 = arith.mulf %exp3A_1504, %mul3A_1535 : vector<200x8xf32>
    %dot_general3A_1537 = arith.constant dense<0.000000e+00> : vector<200x128xf32>
    %dot_general3A_1538 = tpu.matmul %mul3A_1536, %get3A_22, %dot_general3A_1537 {dimension_numbers = #tpu.dot_dimension_numbers<[1], [0], [0], [1], [0, 0, 1, 1], [], []>, transpose_lhs_hint = false} : vector<200x8xf32>, vector<8x128xf32>, vector<200x128xf32> -> vector<200x128xf32>
    %slice3A_1539 = vector.extract_strided_slice %mul3A_537 {offsets = [2400, 0], sizes = [200, 128], strides = [1, 1]} : vector<3200x128xf32> to vector<200x128xf32>
    %mul3A_1540 = arith.mulf %slice3A_1539, %dot_general3A_1538 : vector<200x128xf32>
    %add3A_1541 = arith.addf %add3A_1486, %mul3A_1540 : vector<200x128xf32>
    %get3A_1542 = arith.constant 0 : index
    %get3A_1543 = arith.constant 13 : index
    %get3A_1544 = vector.load %arg2[%get3A_1542, %get3A_1543] : memref<200x16xf32, #tpu.memory_space<vmem>>, vector<200x1xf32>
    %add3A_1545 = arith.constant 9.99999996E-13 : f32
    %add3A_1546 = vector.broadcast %add3A_1545 : f32 to vector<200x1xf32>
    %add3A_1547 = arith.addf %get3A_1544, %add3A_1546 : vector<200x1xf32>
    %sqrt3A_1548 = math.sqrt %add3A_1547 : vector<200x1xf32>
    %lt3A_1549 = arith.constant 5.000000e-01 : f32
    %lt3A_1550 = vector.broadcast %lt3A_1549 : f32 to vector<200x1xf32>
    %lt3A_1551 = arith.cmpf olt, %sqrt3A_1548, %lt3A_1550 : vector<200x1xf32>
    %slice3A_1552 = vector.extract_strided_slice %add3A_549 {offsets = [2600, 0], sizes = [200, 8], strides = [1, 1]} : vector<3200x8xf32> to vector<200x8xf32>
    %jit3A_1553 = arith.constant -1.000000e+09 : f32
    %broadcast_in_dim3A_1554 = vector.shape_cast %lt3A_1551 : vector<200x1xi1> to vector<200x1xi1>
    %broadcast_in_dim3A_1555 = vector.broadcast %broadcast_in_dim3A_1554 : vector<200x1xi1> to vector<200x8xi1>
    %broadcast_in_dim3A_1556 = vector.broadcast %jit3A_1553 : f32 to vector<200x8xf32>
    %select_n3A_1557 = arith.select %broadcast_in_dim3A_1555, %slice3A_1552, %broadcast_in_dim3A_1556 : vector<200x8xi1>, vector<200x8xf32>
    %sub3A_1558 = arith.subf %select_n3A_1557, %max3A_822 : vector<200x8xf32>
    %exp3A_1559 = math.exp %sub3A_1558 : vector<200x8xf32>
    %add3A_1560 = arith.addf %add3A_1505, %exp3A_1559 : vector<200x8xf32>
    %mul3A_1561 = arith.constant 3.14159274 : f32
    %mul3A_1562 = vector.broadcast %mul3A_1561 : f32 to vector<200x1xf32>
    %mul3A_1563 = arith.mulf %mul3A_1562, %sqrt3A_1548 : vector<200x1xf32>
    %div3A_1564 = arith.constant 5.000000e-01 : f32
    %div3A_1565 = vector.broadcast %div3A_1564 : f32 to vector<200x1xf32>
    %div3A_1566 = arith.divf %mul3A_1563, %div3A_1565 : vector<200x1xf32>
    %cos3A_1567 = math.cos %div3A_1566 : vector<200x1xf32>
    %add3A_1568 = arith.constant 1.000000e+00 : f32
    %add3A_1569 = vector.broadcast %add3A_1568 : f32 to vector<200x1xf32>
    %add3A_1570 = arith.addf %cos3A_1567, %add3A_1569 : vector<200x1xf32>
    %mul3A_1571 = arith.constant 5.000000e-01 : f32
    %mul3A_1572 = vector.broadcast %mul3A_1571 : f32 to vector<200x1xf32>
    %mul3A_1573 = arith.mulf %mul3A_1572, %add3A_1570 : vector<200x1xf32>
    %jit3A_1574 = arith.constant 0.000000e+00 : f32
    %broadcast_in_dim3A_1575 = vector.broadcast %jit3A_1574 : f32 to vector<200x1xf32>
    %select_n3A_1576 = arith.select %lt3A_1551, %mul3A_1573, %broadcast_in_dim3A_1575 : vector<200x1xi1>, vector<200x1xf32>
    %sub3A_1577 = arith.constant 5.000000e-02 : f32
    %sub3A_1578 = vector.broadcast %sub3A_1577 : f32 to vector<200x1xf32>
    %sub3A_1579 = arith.subf %sqrt3A_1548, %sub3A_1578 : vector<200x1xf32>
    %div3A_1580 = arith.constant 5.000000e-03 : f32
    %div3A_1581 = vector.broadcast %div3A_1580 : f32 to vector<200x1xf32>
    %div3A_1582 = arith.divf %sub3A_1579, %div3A_1581 : vector<200x1xf32>
    %logistic3A_1583 = arith.negf %div3A_1582 : vector<200x1xf32>
    %logistic3A_1584 = math.exp %logistic3A_1583 : vector<200x1xf32>
    %logistic3A_1585 = arith.constant 1.000000e+00 : f32
    %logistic3A_1586 = vector.broadcast %logistic3A_1585 : f32 to vector<200x1xf32>
    %logistic3A_1587 = arith.addf %logistic3A_1586, %logistic3A_1584 : vector<200x1xf32>
    %logistic3A_1588 = arith.divf %logistic3A_1586, %logistic3A_1587 : vector<200x1xf32>
    %mul3A_1589 = arith.mulf %select_n3A_1576, %logistic3A_1588 : vector<200x1xf32>
    %mul3A_1590 = vector.broadcast %mul3A_1589 : vector<200x1xf32> to vector<200x8xf32>
    %mul3A_1591 = arith.mulf %exp3A_1559, %mul3A_1590 : vector<200x8xf32>
    %dot_general3A_1592 = arith.constant dense<0.000000e+00> : vector<200x128xf32>
    %dot_general3A_1593 = tpu.matmul %mul3A_1591, %get3A_22, %dot_general3A_1592 {dimension_numbers = #tpu.dot_dimension_numbers<[1], [0], [0], [1], [0, 0, 1, 1], [], []>, transpose_lhs_hint = false} : vector<200x8xf32>, vector<8x128xf32>, vector<200x128xf32> -> vector<200x128xf32>
    %slice3A_1594 = vector.extract_strided_slice %mul3A_537 {offsets = [2600, 0], sizes = [200, 128], strides = [1, 1]} : vector<3200x128xf32> to vector<200x128xf32>
    %mul3A_1595 = arith.mulf %slice3A_1594, %dot_general3A_1593 : vector<200x128xf32>
    %add3A_1596 = arith.addf %add3A_1541, %mul3A_1595 : vector<200x128xf32>
    %get3A_1597 = arith.constant 0 : index
    %get3A_1598 = arith.constant 14 : index
    %get3A_1599 = vector.load %arg2[%get3A_1597, %get3A_1598] : memref<200x16xf32, #tpu.memory_space<vmem>>, vector<200x1xf32>
    %add3A_1600 = arith.constant 9.99999996E-13 : f32
    %add3A_1601 = vector.broadcast %add3A_1600 : f32 to vector<200x1xf32>
    %add3A_1602 = arith.addf %get3A_1599, %add3A_1601 : vector<200x1xf32>
    %sqrt3A_1603 = math.sqrt %add3A_1602 : vector<200x1xf32>
    %lt3A_1604 = arith.constant 5.000000e-01 : f32
    %lt3A_1605 = vector.broadcast %lt3A_1604 : f32 to vector<200x1xf32>
    %lt3A_1606 = arith.cmpf olt, %sqrt3A_1603, %lt3A_1605 : vector<200x1xf32>
    %slice3A_1607 = vector.extract_strided_slice %add3A_549 {offsets = [2800, 0], sizes = [200, 8], strides = [1, 1]} : vector<3200x8xf32> to vector<200x8xf32>
    %jit3A_1608 = arith.constant -1.000000e+09 : f32
    %broadcast_in_dim3A_1609 = vector.shape_cast %lt3A_1606 : vector<200x1xi1> to vector<200x1xi1>
    %broadcast_in_dim3A_1610 = vector.broadcast %broadcast_in_dim3A_1609 : vector<200x1xi1> to vector<200x8xi1>
    %broadcast_in_dim3A_1611 = vector.broadcast %jit3A_1608 : f32 to vector<200x8xf32>
    %select_n3A_1612 = arith.select %broadcast_in_dim3A_1610, %slice3A_1607, %broadcast_in_dim3A_1611 : vector<200x8xi1>, vector<200x8xf32>
    %sub3A_1613 = arith.subf %select_n3A_1612, %max3A_822 : vector<200x8xf32>
    %exp3A_1614 = math.exp %sub3A_1613 : vector<200x8xf32>
    %add3A_1615 = arith.addf %add3A_1560, %exp3A_1614 : vector<200x8xf32>
    %mul3A_1616 = arith.constant 3.14159274 : f32
    %mul3A_1617 = vector.broadcast %mul3A_1616 : f32 to vector<200x1xf32>
    %mul3A_1618 = arith.mulf %mul3A_1617, %sqrt3A_1603 : vector<200x1xf32>
    %div3A_1619 = arith.constant 5.000000e-01 : f32
    %div3A_1620 = vector.broadcast %div3A_1619 : f32 to vector<200x1xf32>
    %div3A_1621 = arith.divf %mul3A_1618, %div3A_1620 : vector<200x1xf32>
    %cos3A_1622 = math.cos %div3A_1621 : vector<200x1xf32>
    %add3A_1623 = arith.constant 1.000000e+00 : f32
    %add3A_1624 = vector.broadcast %add3A_1623 : f32 to vector<200x1xf32>
    %add3A_1625 = arith.addf %cos3A_1622, %add3A_1624 : vector<200x1xf32>
    %mul3A_1626 = arith.constant 5.000000e-01 : f32
    %mul3A_1627 = vector.broadcast %mul3A_1626 : f32 to vector<200x1xf32>
    %mul3A_1628 = arith.mulf %mul3A_1627, %add3A_1625 : vector<200x1xf32>
    %jit3A_1629 = arith.constant 0.000000e+00 : f32
    %broadcast_in_dim3A_1630 = vector.broadcast %jit3A_1629 : f32 to vector<200x1xf32>
    %select_n3A_1631 = arith.select %lt3A_1606, %mul3A_1628, %broadcast_in_dim3A_1630 : vector<200x1xi1>, vector<200x1xf32>
    %sub3A_1632 = arith.constant 5.000000e-02 : f32
    %sub3A_1633 = vector.broadcast %sub3A_1632 : f32 to vector<200x1xf32>
    %sub3A_1634 = arith.subf %sqrt3A_1603, %sub3A_1633 : vector<200x1xf32>
    %div3A_1635 = arith.constant 5.000000e-03 : f32
    %div3A_1636 = vector.broadcast %div3A_1635 : f32 to vector<200x1xf32>
    %div3A_1637 = arith.divf %sub3A_1634, %div3A_1636 : vector<200x1xf32>
    %logistic3A_1638 = arith.negf %div3A_1637 : vector<200x1xf32>
    %logistic3A_1639 = math.exp %logistic3A_1638 : vector<200x1xf32>
    %logistic3A_1640 = arith.constant 1.000000e+00 : f32
    %logistic3A_1641 = vector.broadcast %logistic3A_1640 : f32 to vector<200x1xf32>
    %logistic3A_1642 = arith.addf %logistic3A_1641, %logistic3A_1639 : vector<200x1xf32>
    %logistic3A_1643 = arith.divf %logistic3A_1641, %logistic3A_1642 : vector<200x1xf32>
    %mul3A_1644 = arith.mulf %select_n3A_1631, %logistic3A_1643 : vector<200x1xf32>
    %mul3A_1645 = vector.broadcast %mul3A_1644 : vector<200x1xf32> to vector<200x8xf32>
    %mul3A_1646 = arith.mulf %exp3A_1614, %mul3A_1645 : vector<200x8xf32>
    %dot_general3A_1647 = arith.constant dense<0.000000e+00> : vector<200x128xf32>
    %dot_general3A_1648 = tpu.matmul %mul3A_1646, %get3A_22, %dot_general3A_1647 {dimension_numbers = #tpu.dot_dimension_numbers<[1], [0], [0], [1], [0, 0, 1, 1], [], []>, transpose_lhs_hint = false} : vector<200x8xf32>, vector<8x128xf32>, vector<200x128xf32> -> vector<200x128xf32>
    %slice3A_1649 = vector.extract_strided_slice %mul3A_537 {offsets = [2800, 0], sizes = [200, 128], strides = [1, 1]} : vector<3200x128xf32> to vector<200x128xf32>
    %mul3A_1650 = arith.mulf %slice3A_1649, %dot_general3A_1648 : vector<200x128xf32>
    %add3A_1651 = arith.addf %add3A_1596, %mul3A_1650 : vector<200x128xf32>
    %get3A_1652 = arith.constant 0 : index
    %get3A_1653 = arith.constant 15 : index
    %get3A_1654 = vector.load %arg2[%get3A_1652, %get3A_1653] : memref<200x16xf32, #tpu.memory_space<vmem>>, vector<200x1xf32>
    %add3A_1655 = arith.constant 9.99999996E-13 : f32
    %add3A_1656 = vector.broadcast %add3A_1655 : f32 to vector<200x1xf32>
    %add3A_1657 = arith.addf %get3A_1654, %add3A_1656 : vector<200x1xf32>
    %sqrt3A_1658 = math.sqrt %add3A_1657 : vector<200x1xf32>
    %lt3A_1659 = arith.constant 5.000000e-01 : f32
    %lt3A_1660 = vector.broadcast %lt3A_1659 : f32 to vector<200x1xf32>
    %lt3A_1661 = arith.cmpf olt, %sqrt3A_1658, %lt3A_1660 : vector<200x1xf32>
    %slice3A_1662 = vector.extract_strided_slice %add3A_549 {offsets = [3000, 0], sizes = [200, 8], strides = [1, 1]} : vector<3200x8xf32> to vector<200x8xf32>
    %jit3A_1663 = arith.constant -1.000000e+09 : f32
    %broadcast_in_dim3A_1664 = vector.shape_cast %lt3A_1661 : vector<200x1xi1> to vector<200x1xi1>
    %broadcast_in_dim3A_1665 = vector.broadcast %broadcast_in_dim3A_1664 : vector<200x1xi1> to vector<200x8xi1>
    %broadcast_in_dim3A_1666 = vector.broadcast %jit3A_1663 : f32 to vector<200x8xf32>
    %select_n3A_1667 = arith.select %broadcast_in_dim3A_1665, %slice3A_1662, %broadcast_in_dim3A_1666 : vector<200x8xi1>, vector<200x8xf32>
    %sub3A_1668 = arith.subf %select_n3A_1667, %max3A_822 : vector<200x8xf32>
    %exp3A_1669 = math.exp %sub3A_1668 : vector<200x8xf32>
    %add3A_1670 = arith.addf %add3A_1615, %exp3A_1669 : vector<200x8xf32>
    %mul3A_1671 = arith.constant 3.14159274 : f32
    %mul3A_1672 = vector.broadcast %mul3A_1671 : f32 to vector<200x1xf32>
    %mul3A_1673 = arith.mulf %mul3A_1672, %sqrt3A_1658 : vector<200x1xf32>
    %div3A_1674 = arith.constant 5.000000e-01 : f32
    %div3A_1675 = vector.broadcast %div3A_1674 : f32 to vector<200x1xf32>
    %div3A_1676 = arith.divf %mul3A_1673, %div3A_1675 : vector<200x1xf32>
    %cos3A_1677 = math.cos %div3A_1676 : vector<200x1xf32>
    %add3A_1678 = arith.constant 1.000000e+00 : f32
    %add3A_1679 = vector.broadcast %add3A_1678 : f32 to vector<200x1xf32>
    %add3A_1680 = arith.addf %cos3A_1677, %add3A_1679 : vector<200x1xf32>
    %mul3A_1681 = arith.constant 5.000000e-01 : f32
    %mul3A_1682 = vector.broadcast %mul3A_1681 : f32 to vector<200x1xf32>
    %mul3A_1683 = arith.mulf %mul3A_1682, %add3A_1680 : vector<200x1xf32>
    %jit3A_1684 = arith.constant 0.000000e+00 : f32
    %broadcast_in_dim3A_1685 = vector.broadcast %jit3A_1684 : f32 to vector<200x1xf32>
    %select_n3A_1686 = arith.select %lt3A_1661, %mul3A_1683, %broadcast_in_dim3A_1685 : vector<200x1xi1>, vector<200x1xf32>
    %sub3A_1687 = arith.constant 5.000000e-02 : f32
    %sub3A_1688 = vector.broadcast %sub3A_1687 : f32 to vector<200x1xf32>
    %sub3A_1689 = arith.subf %sqrt3A_1658, %sub3A_1688 : vector<200x1xf32>
    %div3A_1690 = arith.constant 5.000000e-03 : f32
    %div3A_1691 = vector.broadcast %div3A_1690 : f32 to vector<200x1xf32>
    %div3A_1692 = arith.divf %sub3A_1689, %div3A_1691 : vector<200x1xf32>
    %logistic3A_1693 = arith.negf %div3A_1692 : vector<200x1xf32>
    %logistic3A_1694 = math.exp %logistic3A_1693 : vector<200x1xf32>
    %logistic3A_1695 = arith.constant 1.000000e+00 : f32
    %logistic3A_1696 = vector.broadcast %logistic3A_1695 : f32 to vector<200x1xf32>
    %logistic3A_1697 = arith.addf %logistic3A_1696, %logistic3A_1694 : vector<200x1xf32>
    %logistic3A_1698 = arith.divf %logistic3A_1696, %logistic3A_1697 : vector<200x1xf32>
    %mul3A_1699 = arith.mulf %select_n3A_1686, %logistic3A_1698 : vector<200x1xf32>
    %mul3A_1700 = vector.broadcast %mul3A_1699 : vector<200x1xf32> to vector<200x8xf32>
    %mul3A_1701 = arith.mulf %exp3A_1669, %mul3A_1700 : vector<200x8xf32>
    %dot_general3A_1702 = arith.constant dense<0.000000e+00> : vector<200x128xf32>
    %dot_general3A_1703 = tpu.matmul %mul3A_1701, %get3A_22, %dot_general3A_1702 {dimension_numbers = #tpu.dot_dimension_numbers<[1], [0], [0], [1], [0, 0, 1, 1], [], []>, transpose_lhs_hint = false} : vector<200x8xf32>, vector<8x128xf32>, vector<200x128xf32> -> vector<200x128xf32>
    %slice3A_1704 = vector.extract_strided_slice %mul3A_537 {offsets = [3000, 0], sizes = [200, 128], strides = [1, 1]} : vector<3200x128xf32> to vector<200x128xf32>
    %mul3A_1705 = arith.mulf %slice3A_1704, %dot_general3A_1703 : vector<200x128xf32>
    %add3A_1706 = arith.addf %add3A_1651, %mul3A_1705 : vector<200x128xf32>
    %dot_general3A_1707 = arith.constant dense<0.000000e+00> : vector<200x128xf32>
    %dot_general3A_1708 = tpu.matmul %add3A_1670, %get3A_22, %dot_general3A_1707 {dimension_numbers = #tpu.dot_dimension_numbers<[1], [0], [0], [1], [0, 0, 1, 1], [], []>, transpose_lhs_hint = false} : vector<200x8xf32>, vector<8x128xf32>, vector<200x128xf32> -> vector<200x128xf32>
    %add3A_1709 = arith.constant 9.99999971E-10 : f32
    %add3A_1710 = vector.broadcast %add3A_1709 : f32 to vector<200x128xf32>
    %add3A_1711 = arith.addf %dot_general3A_1708, %add3A_1710 : vector<200x128xf32>
    %div3A_1712 = arith.divf %add3A_1706, %add3A_1711 : vector<200x128xf32>
    %get3A_1713 = arith.constant 0 : index
    %get3A_1714 = arith.constant 0 : index
    %get3A_1715 = vector.load %arg4[%get3A_1713, %get3A_1714] : memref<200x128xf32, #tpu.memory_space<vmem>>, vector<200x128xf32>
    %add3A_1716 = arith.addf %div3A_1712, %get3A_1715 : vector<200x128xf32>
    %swap3A_1717 = arith.constant 0 : index
    %swap3A_1718 = arith.constant 0 : index
    %swap3A_1719 = vector.load %arg12[%swap3A_1717, %swap3A_1718] : memref<200x128xf32, #tpu.memory_space<vmem>>, vector<200x128xf32>
    tpu.vector_store %arg12[%swap3A_1717, %swap3A_1718], %add3A_1716 {strides = array<i32>} : memref<200x128xf32, #tpu.memory_space<vmem>>, vector<200x128xf32>,
    return
  }
  func.func @transform_0(%arg0: i32) -> (i32, i32, i32) {
    %c0_i32 = arith.constant 0 : i32
    %c0_i32_0 = arith.constant 0 : i32
    %c0_i32_1 = arith.constant 0 : i32
    return %c0_i32, %arg0, %c0_i32_0 : i32, i32, i32
  }
  func.func @transform_1(%arg0: i32) -> (i32, i32) {
    %c0_i32 = arith.constant 0 : i32
    %c0_i32_0 = arith.constant 0 : i32
    return %arg0, %c0_i32 : i32, i32
  }
  func.func @transform_2(%arg0: i32) -> (i32, i32) {
    %c0_i32 = arith.constant 0 : i32
    %c0_i32_0 = arith.constant 0 : i32
    return %arg0, %c0_i32 : i32, i32
  }
  func.func @transform_3(%arg0: i32) -> (i32, i32) {
    %c0_i32 = arith.constant 0 : i32
    %c0_i32_0 = arith.constant 0 : i32
    return %arg0, %c0_i32 : i32, i32
  }
  func.func @transform_4(%arg0: i32) -> (i32, i32) {
    %c0_i32 = arith.constant 0 : i32
    %c0_i32_0 = arith.constant 0 : i32
    %c0_i32_1 = arith.constant 0 : i32
    return %c0_i32, %c0_i32_0 : i32, i32
  }
  func.func @transform_5(%arg0: i32) -> (i32, i32) {
    %c0_i32 = arith.constant 0 : i32
    %c0_i32_0 = arith.constant 0 : i32
    %c0_i32_1 = arith.constant 0 : i32
    return %c0_i32, %c0_i32_0 : i32, i32
  }
  func.func @transform_6(%arg0: i32) -> (i32, i32) {
    %c0_i32 = arith.constant 0 : i32
    %c0_i32_0 = arith.constant 0 : i32
    %c0_i32_1 = arith.constant 0 : i32
    return %c0_i32, %c0_i32_0 : i32, i32
  }
  func.func @transform_7(%arg0: i32) -> (i32, i32) {
    %c0_i32 = arith.constant 0 : i32
    %c0_i32_0 = arith.constant 0 : i32
    %c0_i32_1 = arith.constant 0 : i32
    return %c0_i32, %c0_i32_0 : i32, i32
  }
  func.func @transform_8(%arg0: i32) -> (i32, i32) {
    %c0_i32 = arith.constant 0 : i32
    %c0_i32_0 = arith.constant 0 : i32
    %c0_i32_1 = arith.constant 0 : i32
    return %c0_i32, %c0_i32_0 : i32, i32
  }
  func.func @transform_9(%arg0: i32) -> (i32, i32) {
    %c0_i32 = arith.constant 0 : i32
    %c0_i32_0 = arith.constant 0 : i32
    %c0_i32_1 = arith.constant 0 : i32
    return %c0_i32, %c0_i32_0 : i32, i32
  }
  func.func @transform_10(%arg0: i32) -> (i32, i32) {
    %c0_i32 = arith.constant 0 : i32
    %c0_i32_0 = arith.constant 0 : i32
    %c0_i32_1 = arith.constant 0 : i32
    return %c0_i32, %c0_i32_0 : i32, i32
  }
  func.func @transform_11(%arg0: i32) -> (i32, i32) {
    %c0_i32 = arith.constant 0 : i32
    %c0_i32_0 = arith.constant 0 : i32
    return %arg0, %c0_i32 : i32, i32
  }
}

</mosaic_0001>

<sc_bundles>
// kernel: kernel.12.cloned.1.call-start
scs
__scs_entry_jumppad:
0x0: {  	(pc) =	sbr.rel $0x88, $3  }
0x1: {  	(tag) =	ssettag $0x0;
	lr =	simm.s32 $0x1  }
0x2: {  	[smem:$0x3F93] =	sst lr;
	_ =	strace $0xD0000000  }
0x3: {  	_ = 	snop  }
0x4: {  	_ = 	snop  }
0x5: {  	_ = 	snop  }
0x6: {  	_ = 	snop  }
0x7: {  	_ = 	snop  }
__scs_overlays_trampoline_lowered:
0x8: {  	[smem:$0x3FA2] =	sst s0  }
0x9: {  	[smem:$0x3FA3] =	sst s1  }
0xa: {  	[smem:$0x3FA4] =	sst s2  }
0xb: {  	[smem:$0x3FA5] =	sst s3  }
0xc: {  	[smem:$0x3FA6] =	sst s4  }
0xd: {  	[smem:$0x3FA7] =	sst s5  }
0xe: {  	[smem:$0x3FA8] =	sst s6  }
0xf: {  	[smem:$0x3FA9] =	sst s7  }
0x10: {  	[smem:$0x3FAA] =	sst s8  }
0x11: {  	[smem:$0x3FAB] =	sst s9;
	s0 =	simm.s32 @!p0 $0x0  }
0x12: {  	s1 =	sld [smem:$0x3F91];
	s0 =	simm.s32 @p0 $0x1  }
0x13: {  	[smem:$0x3FAC] =	sst s0;
	s0 =	simm.s32 @!p1 $0x0  }
0x14: {  	s2 =	sld [smem:$0x3F90];
	s0 =	simm.s32 @p1 $0x1  }
0x15: {  	[smem:$0x3FAD] =	sst s0;
	s0 =	simm.s32 @!p2 $0x0  }
0x16: {  	s3 =	sld [smem:$0x3FDB];
	s0 =	simm.s32 @p2 $0x1  }
0x17: {  	s4 =	simm.s32 $0x1BF5;
	[smem:$0x3FAF] =	sst s0  }
0x18: {  	s0 =	sld [smem:$0x3F92];
	_ =	swait.ge [sflag:s4], $0x0  }
0x19: {  	s7 =	sld [smem:$0x3F93]  }
0x1a: {  	s8 =	sadd.s32 $0xFFFFE003, lr  }
0x1b: {  	s9 =	sadd.s32 $0xFFFFFEF7, lr;
	s5 =	simm.s32 $0xFFFFFFFF;
	p2 =	slt.u32 s8, $0xFFFFF086  }
0x1c: {  	p1 =	slt.u32 s9, $0xF7A;
	s5 =	simm.s32 @!p2 $0x0  }
0x1d: {  	s5 =	simm.s32 @p1 $0x1;
	p0 =	seq.s32 s7, s2  }
0x1e: {  	s7 =	smul.u32 @!p0 $0xF7A, s2;
	p2 =	seq.s32 @!p0 s5, $0x0  }
0x1f: {  	s9 =	smul.u32 $0xF7A, s1;
	s8 =	simm.s32 @!p0 $0x1BF5;
	p2 =	por !p2, p0  }
0x20: {  	[sflag:s8] =	ssyncset.s32 @!p0 $0xFFFFF086;
	s6 =	sadd.s32 @!p0 s3, s7;
	s7 =	simm.s32 @!p0 $0x108  }
0x21: {  	s3 =	sadd.s32 s3, s9;
	s6 =	sadd.s32 @!p0 $0x88, s6;
	s7 =	simm.s32 @p2 $0x1082  }
0x22: {  	[simem:s7], [sflag:s8] =	dma.local @!p0 [hbm:s6], $0xF7A  }
0x23: {  	s9 =	sor.u32 $0xD0000000, s2;
	s6 =	simm.s32 $0x108;
	_ =	swait.ge @!p0 [sflag:s8], $0x0  }
0x24: {  	s3 =	sadd.s32 $0x88, s3;
	s6 =	simm.s32 @!p1 $0x1082;
	[sflag:s4] =	ssyncset.s32 $0xFFFFF086  }
0x25: {  	[simem:s6], [sflag:s4] =	dma.local [hbm:s3], $0xF7A  }
0x26: {  	[smem:$0x3F93] =	sst s1;
	(tag) =	ssettag s2;
	_ =	strace s9  }
0x27: {  	s1 =	sld [smem:$0x3FA3]  }
0x28: {  	s2 =	sld [smem:$0x3FA4]  }
0x29: {  	s4 =	sld [smem:$0x3FA6]  }
0x2a: {  	p0 =	seq.s32 s5, $0x0;
	s5 =	sld [smem:$0x3FA7]  }
0x2b: {  	s6 =	sld [smem:$0x3FA8]  }
0x2c: {  	s7 =	sld [smem:$0x3FA9]  }
0x2d: {  	s3 =	simm.s32 $0x108;
	s8 =	sld [smem:$0x3FAA]  }
0x2e: {  	s3 =	simm.s32 @!p0 $0x1082;
	s9 =	sld [smem:$0x3FAB]  }
0x2f: {  	lr =	sadd.s32 s0, s3;
	s0 =	sld [smem:$0x3FA2]  }
0x30: {  	s3 =	sld [smem:$0x3FA5]  }
0x31: {  	[smem:$0x3FAE] =	sst s10  }
0x32: {  	s10 =	sld [smem:$0x3FAC];
	_ =	sdelay $0x3  }
0x33: {  	p0 =	seq.s32 s10, $0x1;
	s10 =	sld [smem:$0x3FAE];
	_ =	sdelay $0x3  }
0x34: {  	[smem:$0x3FAE] =	sst s10  }
0x35: {  	s10 =	sld [smem:$0x3FAD];
	_ =	sdelay $0x3  }
0x36: {  	p1 =	seq.s32 s10, $0x1;
	s10 =	sld [smem:$0x3FAE];
	_ =	sdelay $0x3  }
0x37: {  	[smem:$0x3FAE] =	sst s10  }
0x38: {  	s10 =	sld [smem:$0x3FAF]  }
0x39: {  	_ = 	snop;
	(pc) =	sbr.ind lr, $3  }
0x3a: {  	_ = 	snop  }
0x3b: {  	_ = 	snop  }
0x3c: {  	p2 =	seq.s32 s10, $0x1;
	s10 =	sld [smem:$0x3FAE]  }
0x3d: {  	_ =	shalt  }
0x3e: {  	_ =	shalt  }
0x3f: {  	_ =	shalt  }
0x40: {  	_ =	shalt  }
0x41: {  	_ =	shalt  }
0x42: {  	_ =	shalt  }
0x43: {  	_ =	shalt  }
0x44: {  	_ =	shalt  }
0x45: {  	_ =	shalt  }
0x46: {  	_ =	shalt  }
0x47: {  	_ =	shalt  }
0x48: {  	_ =	shalt  }
0x49: {  	_ =	shalt  }
0x4a: {  	_ =	shalt  }
0x4b: {  	_ =	shalt  }
0x4c: {  	_ =	shalt  }
0x4d: {  	_ =	shalt  }
0x4e: {  	_ =	shalt  }
0x4f: {  	_ =	shalt  }
0x50: {  	_ =	shalt  }
0x51: {  	_ =	shalt  }
0x52: {  	_ =	shalt  }
0x53: {  	_ =	shalt  }
0x54: {  	_ =	shalt  }
0x55: {  	_ =	shalt  }
0x56: {  	_ =	shalt  }
0x57: {  	_ =	shalt  }
0x58: {  	_ =	shalt  }
0x59: {  	_ =	shalt  }
0x5a: {  	_ =	shalt  }
0x5b: {  	_ =	shalt  }
0x5c: {  	_ =	shalt  }
0x5d: {  	_ =	shalt  }
0x5e: {  	_ =	shalt  }
0x5f: {  	_ =	shalt  }
0x60: {  	_ =	shalt  }
0x61: {  	_ =	shalt  }
0x62: {  	_ =	shalt  }
0x63: {  	_ =	shalt  }
0x64: {  	_ =	shalt  }
0x65: {  	_ =	shalt  }
0x66: {  	_ =	shalt  }
0x67: {  	_ =	shalt  }
0x68: {  	_ =	shalt  }
0x69: {  	_ =	shalt  }
0x6a: {  	_ =	shalt  }
0x6b: {  	_ =	shalt  }
0x6c: {  	_ =	shalt  }
0x6d: {  	_ =	shalt  }
0x6e: {  	_ =	shalt  }
0x6f: {  	_ =	shalt  }
0x70: {  	_ =	shalt  }
0x71: {  	_ =	shalt  }
0x72: {  	_ =	shalt  }
0x73: {  	_ =	shalt  }
0x74: {  	_ =	shalt  }
0x75: {  	_ =	shalt  }
0x76: {  	_ =	shalt  }
0x77: {  	_ =	shalt  }
0x78: {  	_ =	shalt  }
0x79: {  	_ =	shalt  }
0x7a: {  	_ =	shalt  }
0x7b: {  	_ =	shalt  }
0x7c: {  	_ =	shalt  }
0x7d: {  	_ =	shalt  }
0x7e: {  	_ =	shalt  }
0x7f: {  	_ =	shalt  }
0x80: {  	_ =	shalt  }
0x81: {  	_ =	shalt  }
0x82: {  	_ =	shalt  }
0x83: {  	_ =	shalt  }
0x84: {  	_ =	shalt  }
0x85: {  	_ =	shalt  }
0x86: {  	_ =	shalt  }
0x87: {  	_ =	shalt  }
.Lfunc_end0:
.L_simem_size_0:
called_computation.1_lowered:
.L_overlay_start_0:
0x88: {  	s2 =	sld [smem:$0x3FD9]  }
0x89: {  	s3 =	sld [smem:$0x3FFE];
	_ =	sdelay $0x1  }
0x8a: {  	s1 =	srdreg.scid  }
0x8b: {  	s0 =	sand.u32 $0x1, s1  }
0x8c: {  	s16 =	sshll.u32 s0, $0xA;
	s2 =	sadd.s32 s3, s2  }
0x8d: {  	s2 =	sadd.s32 s2, s16  }
0x8e: {  	[smem:$0x3FBA] =	sst s2  }
0x8f: {  	_ = 	snop  }
0x90: {  	(tm) =	ssettm $0x1  }
0x91: {  	s17 =	sld [smem:$0x3FFB];
	_ =	sdelay $0x3  }
0x92: {  	_ =	strace s17  }
0x93: {  	s2 =	sld [smem:$0x3FFC];
	_ =	sdelay $0x3  }
0x94: {  	_ =	strace s2  }
0x95: {  	s2 =	sld [smem:$0x3FFD];
	_ =	sdelay $0x3  }
0x96: {  	_ =	strace s2  }
0x97: {  	_ =	strace $0x8FFFFFFF  }
0x98: {  	s18 =	sld [smem:$0x3FDB];
	_ =	sdelay $0x1  }
0x99: {  	s19 =	simm.s32 $_scs_section_size  }
0x9a: {  	s4 =	simm.s32 $_size__tile_overlayer_lowered;
	s5 =	simm.s32 $_tile_overlayer_lowered  }
0x9b: {  	s22 =	simm.s32 $0x1BFF;
	s21 =	sshll.u32 s5, $0x1;
	s2 =	sadd.s32 s19, s18  }
0x9c: {  	s6 =	simm.s32 $0x0;
	s20 =	sshll.u32 s4, $0x1;
	s4 =	sadd.s32 s21, s2  }
0x9d: {  	[timem:s6], [sflag:s22] =	dma.local [hbm:s4], s20  }
0x9e: {  	_ =	swait.ge [sflag:s22], s20  }
0x9f: {  	s3 =	ssub.s32 $0x0, s20;
	[sflag:s22] =	ssyncset.done $0x0  }
0xa0: {  	[sflag:s22] =	ssyncadd.s32 s3;
	_ =	sdelay $0x1  }
0xa1: {  	s23 =	simm.s32 $0x1B8B  }
0xa2: {  	_ =	swait.ge [sflag:s23], $0x1  }
0xa3: {  	[sflag:s23] =	ssyncset.done $0x0  }
0xa4: {  	s25 =	simm.s32 $0x1B8E;
	s24 =	sld [smem:$0x3FFE];
	[sflag:s23] =	ssyncadd.s32 $0xFFFFFFFF  }
0xa5: {  	s26 =	simm.s32 $execute0_lowered;
	[smem:$0x3FD2] =	sst s25  }
0xa6: {  	s4 =	sshll.u32 s26, $0x1;
	_ =	strace $0x80000046;
	[dreg:$0x1] =	wrdreg $0xFFFFFFFF  }
0xa7: {  	s28 =	simm.s32 $_size_execute0_lowered;
	s2 =	sadd.s32 s2, s4;
	[dreg:$0x0] =	wrdreg $0x0  }
0xa8: {  	s4 =	sshll.u32 s28, $0x1;
	[dreg:$0x2] =	wrdreg s2  }
0xa9: {  	[dreg:$0x3] =	wrdreg s4  }
0xaa: {  	[dreg:$0x4] =	wrdreg $0xC0  }
0xab: {  	_ =	task [dreg:s6], $0x5FFFF  }
0xac: {  	[dreg:$0x1] =	wrdreg $0xFFFFFFFF  }
0xad: {  	[dreg:$0x0] =	wrdreg $0x60  }
0xae: {  	[dreg:$0x2] =	wrdreg s24  }
0xaf: {  	[dreg:$0x3] =	wrdreg $0xA  }
0xb0: {  	_ =	task.clear_ibuf [dreg:s6], $0x4FFFF;
	_ =	strace $0x90000046  }
0xb1: {  	s29 =	simm.s32 $0xA;
	_ =	strace $0x80000048  }
0xb2: {  	_ =	swait.ge [sflag:s29], $0x1  }
0xb3: {  	[sflag:s29] =	ssyncadd.s32 $0xFFFFFFFF  }
0xb4: {  	_ =	strace $0x90000048  }
0xb5: {  	_ =	sfence  }
0xb6: {  	s30 =	sld [smem:$0x0];
	_ =	sdelay $0x2  }
0xb7: {  	s31 =	sshll.u32 s1, $0xD;
	s1 =	sshrl.u32 s1, $0x2  }
0xb8: {  	s3 =	sand.u32 $0x4000, s31;
	s1 =	sadd.s32 s1, s30  }
0xb9: {  	s0 =	sor.u32 s3, s0;
	s1 =	sshll.u32 s1, $0x11  }
0xba: {  	s0 =	sor.u32 s1, s0  }
0xbb: {  	s0 =	sadd.s32 $0x8F2B, s0  }
0xbc: {  	[sflag:s0] =	ssyncadd.remote.s32 $0x1  }
0xbd: {  	_ =	sfence.sel $0xFFFF  }
0xbe: {  	[dreg:$0x0] =	wrdreg $0xFFFFFFFF;
	(pc) =	sbr.abs _section_cstart, $3  }
0xbf: {  	[dreg:$0x1] =	wrdreg $0xFFFFFFFF  }
0xc0: {  	_ =	task.clear_ibuf [dreg:s6], $0x2FFFF;
	_ =	strace $0x9FFFFFFF  }
0xc1: {  	(tm) =	ssettm $0x7FFFFFFF  }
tec
execute0_lowered:
.L_overlay_start_1:
0x0: {  	(tag) =	ssettag $0x1  }
0x1: {  	s0 =	srdreg.scid;
	s5 =	stileid.u32  }
0x2: {  	s1 =	rddreg [dreg:$0x0];
	s2 =	simm.s32 $0x0;
	s16 =	simm.s32 $0x1200  }
0x3: {  	s17 =	simm.s32 $0x1A00;
	s18 =	simm.s32 $0x2200;
	s19 =	simm.s32 $0x2A00  }
0x4: {  	s21 =	simm.s32 $0x3200;
	s22 =	simm.s32 $0x3A00;
	s23 =	simm.s32 $0x4200  }
0x5: {  	s24 =	simm.s32 $0x4A00;
	s6 =	simm.s32 $0x2;
	[smem:$0x7FF] =	sst s2  }
0x6: {  	s25 =	simm.s32 $0x5200;
	_ =	strace $0x80000047;
	[dreg:$0x3] =	wrdreg s16  }
0x7: {  	s7 =	simm.s32 $0xA00;
	s26 =	simm.s32 $0x5A00;
	[dreg:$0x4] =	wrdreg s17  }
0x8: {  	s8 =	simm.s32 $0x6200;
	s9 =	simm.s32 $0x6A00;
	[dreg:$0x5] =	wrdreg s18  }
0x9: {  	s10 =	simm.s32 $0x7200;
	s11 =	simm.s32 $0x7A00;
	[dreg:$0x6] =	wrdreg s19  }
0xa: {  	s12 =	simm.s32 $0x8200;
	s13 =	simm.s32 $0x8A00;
	[dreg:$0x7] =	wrdreg s21  }
0xb: {  	s28 =	simm.s32 $0xFA00;
	s29 =	simm.s32 $0x10200;
	[dreg:$0x8] =	wrdreg s22  }
0xc: {  	s30 =	simm.s32 $0x1;
	s31 =	simm.s32 $0x0;
	[dreg:$0x9] =	wrdreg s23  }
0xd: {  	s0 =	sand.u32 $0x1, s0;
	s3 =	smul.u32 $0x28000, s5;
	[dreg:$0xa] =	wrdreg s24  }
0xe: {  	s5 =	sshll.u32 s5, $0x1;
	s4 =	smul.u32 $0x14000, s0;
	[dreg:$0xb] =	wrdreg s25  }
0xf: {  	s5 =	sor.u32 s0, s5;
	s0 =	ssub.s32 $0x2, s0;
	[dreg:$0xc] =	wrdreg s26  }
0x10: {  	s16 =	simm.s32 $0xA200;
	s17 =	simm.s32 $0xAA00;
	s18 =	simm.s32 $0xB200  }
0x11: {  	s19 =	simm.s32 $0xBA00;
	s21 =	simm.s32 $0xCA00;
	s22 =	simm.s32 $0xD200  }
0x12: {  	s23 =	simm.s32 $0xDA00;
	s24 =	simm.s32 $0xE200;
	s25 =	simm.s32 $0xEA00  }
0x13: {  	s3 =	sadd.s32 s3, s1;
	s14 =	smul.u32 $0xA00, s5;
	s20 =	sshrl.u32 s0, $0x1  }
0x14: {  	s26 =	simm.s32 $0xF200;
	s3 =	sadd.s32 s4, s3;
	s0 =	ssub.s32 s0, s20  }
0x15: {  	s15 =	sadd.s32 $0xA4A00, s3;
	s3 =	sadd.s32 $0x56600, s1;
	s4 =	sshrl.u32 s14, $0x3  }
0x16: {  	v2 =	vlaneseq.u32;
	s0 =	smax.u32 s0, $0x1;
	[dreg:$0x2] =	wrdreg s15;
	s1 =	sadd.s32 s4, s1  }
0x17: {  	vm0 =	vmmov $0xffff;
	v1 =	vshrl.u32 v2, $0x3;
	s20 =	simm.s32 $0xC200;
	[dreg:$0xe] =	wrdreg s0;
	s1 =	sadd.s32 $0x53E00, s1  }
0x18: {  	v0 =	vand.u32 $0x7, v2;
	v2 =	vor.u32 $0x8, v2;
	v1 =	vmul.u32 $0x8, v1;
	s14 =	simm.s32 $0x9200;
	s15 =	simm.s32 $0x9A00;
	[dreg:$0xd] =	wrdreg s1  }
.LBB2_1:
0x19: {  	s0 =	rddreg [dreg:$0xd]  }
0x1a: {  	[tilespmem:s2], [sflag:$0x2] =	stream.linear.gather [hbm4b:s0+s2], $0xA00, $0x38;
	[tilespmem:$0x10A00] =	vst v63  }
0x1b: {  	_ =	swait.ge [sflag:s6], $0xA00  }
0x1c: {  	[sflag:s6] =	ssyncset.done $0x0  }
0x1d: {  	s1 =	simm.s32 $0x80;
	s0 =	simm.s32 $0x0;
	[sflag:s6] =	ssyncadd.s32 $0xFFFFF600  }
.LBB2_2:
0x1e: {  	v3 =	vld [tilespmem:s1+$0xFFFFFF80];
	_ =	sdelay $0x4  }
0x1f: {  	v4 =	vshll.u32 v3, $0x1  }
0x20: {  	v3 =	vand.u32 $0x7, v3;
	v4 =	vand.u32 $0xFFFFFFF0, v4  }
0x21: {  	v3 =	vor.u32 v3, v4  }
0x22: {  	v4 =	vperm.xlane v3, v0;
	_ =	sdelay $0x1  }
0x23: {  	v3 =	vperm.xlane v3, v2;
	v4 =	vadd.s32 v1, v4;
	_ =	sdelay $0x1  }
0x24: {  	v3 =	vadd.s32 v1, v3;
	_ =	sdelay $0x2  }
0x25: {  	[tilespmem:s7], [sflag:$0x1] =	stream.indirect_vreg.gather [hbm4b:s3+s2], $0x80, v4, vm0, $0xb8;
	[tilespmem:$0x10A00] =	vst v63  }
0x26: {  	s4 =	rddreg [dreg:$0x3]  }
0x27: {  	[tilespmem:s4], [sflag:$0x1] =	stream.indirect_vreg.gather [hbm4b:s3+s2], $0x80, v3, vm0, $0xb8;
	[tilespmem:$0x10A00] =	vst v63  }
0x28: {  	v3 =	vld [tilespmem:s1+$0xFFFFFF90];
	_ =	sdelay $0x4  }
0x29: {  	v49 =	vshll.u32 v3, $0x1  }
0x2a: {  	v3 =	vand.u32 $0x7, v3;
	v4 =	vand.u32 $0xFFFFFFF0, v49  }
0x2b: {  	v3 =	vor.u32 v3, v4  }
0x2c: {  	v4 =	vperm.xlane v3, v0;
	_ =	sdelay $0x1  }
0x2d: {  	v3 =	vperm.xlane v3, v2;
	v4 =	vadd.s32 v1, v4;
	_ =	sdelay $0x1  }
0x2e: {  	v3 =	vadd.s32 v1, v3;
	_ =	sdelay $0x1  }
0x2f: {  	s4 =	rddreg [dreg:$0x4]  }
0x30: {  	[tilespmem:s4], [sflag:$0x1] =	stream.indirect_vreg.gather [hbm4b:s3+s2], $0x80, v4, vm0, $0xb8;
	[tilespmem:$0x10A00] =	vst v63  }
0x31: {  	s5 =	rddreg [dreg:$0x5]  }
0x32: {  	[tilespmem:s5], [sflag:$0x1] =	stream.indirect_vreg.gather [hbm4b:s3+s2], $0x80, v3, vm0, $0xb8;
	[tilespmem:$0x10A00] =	vst v63  }
0x33: {  	v3 =	vld [tilespmem:s1+$0xFFFFFFA0];
	_ =	sdelay $0x4  }
0x34: {  	v50 =	vshll.u32 v3, $0x1  }
0x35: {  	v3 =	vand.u32 $0x7, v3;
	v4 =	vand.u32 $0xFFFFFFF0, v50  }
0x36: {  	v3 =	vor.u32 v3, v4  }
0x37: {  	v4 =	vperm.xlane v3, v0;
	_ =	sdelay $0x1  }
0x38: {  	v3 =	vperm.xlane v3, v2;
	v4 =	vadd.s32 v1, v4;
	_ =	sdelay $0x1  }
0x39: {  	v3 =	vadd.s32 v1, v3;
	_ =	sdelay $0x1  }
0x3a: {  	s4 =	rddreg [dreg:$0x6]  }
0x3b: {  	[tilespmem:s4], [sflag:$0x1] =	stream.indirect_vreg.gather [hbm4b:s3+s2], $0x80, v4, vm0, $0xb8;
	[tilespmem:$0x10A00] =	vst v63  }
0x3c: {  	s5 =	rddreg [dreg:$0x7]  }
0x3d: {  	[tilespmem:s5], [sflag:$0x1] =	stream.indirect_vreg.gather [hbm4b:s3+s2], $0x80, v3, vm0, $0xb8;
	[tilespmem:$0x10A00] =	vst v63  }
0x3e: {  	v3 =	vld [tilespmem:s1+$0xFFFFFFB0];
	_ =	sdelay $0x4  }
0x3f: {  	v51 =	vshll.u32 v3, $0x1  }
0x40: {  	v3 =	vand.u32 $0x7, v3;
	v4 =	vand.u32 $0xFFFFFFF0, v51  }
0x41: {  	v3 =	vor.u32 v3, v4  }
0x42: {  	v4 =	vperm.xlane v3, v0;
	_ =	sdelay $0x1  }
0x43: {  	v3 =	vperm.xlane v3, v2;
	v4 =	vadd.s32 v1, v4;
	_ =	sdelay $0x1  }
0x44: {  	v3 =	vadd.s32 v1, v3;
	_ =	sdelay $0x1  }
0x45: {  	s4 =	rddreg [dreg:$0x8]  }
0x46: {  	[tilespmem:s4], [sflag:$0x1] =	stream.indirect_vreg.gather [hbm4b:s3+s2], $0x80, v4, vm0, $0xb8;
	[tilespmem:$0x10A00] =	vst v63  }
0x47: {  	s5 =	rddreg [dreg:$0x9]  }
0x48: {  	[tilespmem:s5], [sflag:$0x1] =	stream.indirect_vreg.gather [hbm4b:s3+s2], $0x80, v3, vm0, $0xb8;
	[tilespmem:$0x10A00] =	vst v63  }
0x49: {  	v3 =	vld [tilespmem:s1+$0xFFFFFFC0];
	_ =	sdelay $0x4  }
0x4a: {  	v52 =	vshll.u32 v3, $0x1  }
0x4b: {  	v3 =	vand.u32 $0x7, v3;
	v4 =	vand.u32 $0xFFFFFFF0, v52  }
0x4c: {  	v3 =	vor.u32 v3, v4  }
0x4d: {  	v4 =	vperm.xlane v3, v0;
	_ =	sdelay $0x1  }
0x4e: {  	v3 =	vperm.xlane v3, v2;
	v4 =	vadd.s32 v1, v4;
	_ =	sdelay $0x1  }
0x4f: {  	v3 =	vadd.s32 v1, v3;
	_ =	sdelay $0x1  }
0x50: {  	s4 =	rddreg [dreg:$0xa]  }
0x51: {  	[tilespmem:s4], [sflag:$0x1] =	stream.indirect_vreg.gather [hbm4b:s3+s2], $0x80, v4, vm0, $0xb8;
	[tilespmem:$0x10A00] =	vst v63  }
0x52: {  	s5 =	rddreg [dreg:$0xb]  }
0x53: {  	[tilespmem:s5], [sflag:$0x1] =	stream.indirect_vreg.gather [hbm4b:s3+s2], $0x80, v3, vm0, $0xb8;
	[tilespmem:$0x10A00] =	vst v63  }
0x54: {  	v3 =	vld [tilespmem:s1+$0xFFFFFFD0];
	_ =	sdelay $0x4  }
0x55: {  	v53 =	vshll.u32 v3, $0x1  }
0x56: {  	v3 =	vand.u32 $0x7, v3;
	v4 =	vand.u32 $0xFFFFFFF0, v53  }
0x57: {  	v3 =	vor.u32 v3, v4  }
0x58: {  	v4 =	vperm.xlane v3, v0;
	_ =	sdelay $0x1  }
0x59: {  	v3 =	vperm.xlane v3, v2;
	v4 =	vadd.s32 v1, v4;
	_ =	sdelay $0x1  }
0x5a: {  	v3 =	vadd.s32 v1, v3;
	_ =	sdelay $0x1  }
0x5b: {  	s5 =	rddreg [dreg:$0xc]  }
0x5c: {  	[tilespmem:s5], [sflag:$0x1] =	stream.indirect_vreg.gather [hbm4b:s3+s2], $0x80, v4, vm0, $0xb8;
	[tilespmem:$0x10A00] =	vst v63  }
0x5d: {  	_ = 	snop  }
0x5e: {  	[tilespmem:s8], [sflag:$0x1] =	stream.indirect_vreg.gather [hbm4b:s3+s2], $0x80, v3, vm0, $0xb8;
	[tilespmem:$0x10A00] =	vst v63  }
0x5f: {  	v3 =	vld [tilespmem:s1+$0xFFFFFFE0];
	_ =	sdelay $0x4  }
0x60: {  	v54 =	vshll.u32 v3, $0x1  }
0x61: {  	v3 =	vand.u32 $0x7, v3;
	v4 =	vand.u32 $0xFFFFFFF0, v54  }
0x62: {  	v3 =	vor.u32 v3, v4  }
0x63: {  	v4 =	vperm.xlane v3, v0;
	_ =	sdelay $0x1  }
0x64: {  	v3 =	vperm.xlane v3, v2;
	v4 =	vadd.s32 v1, v4;
	_ =	sdelay $0x1  }
0x65: {  	v3 =	vadd.s32 v1, v3;
	_ =	sdelay $0x2  }
0x66: {  	[tilespmem:s9], [sflag:$0x1] =	stream.indirect_vreg.gather [hbm4b:s3+s2], $0x80, v4, vm0, $0xb8;
	[tilespmem:$0x10A00] =	vst v63  }
0x67: {  	_ = 	snop  }
0x68: {  	[tilespmem:s10], [sflag:$0x1] =	stream.indirect_vreg.gather [hbm4b:s3+s2], $0x80, v3, vm0, $0xb8;
	[tilespmem:$0x10A00] =	vst v63  }
0x69: {  	v3 =	vld [tilespmem:s1+$0xFFFFFFF0];
	_ =	sdelay $0x4  }
0x6a: {  	v55 =	vshll.u32 v3, $0x1  }
0x6b: {  	v3 =	vand.u32 $0x7, v3;
	v4 =	vand.u32 $0xFFFFFFF0, v55  }
0x6c: {  	v3 =	vor.u32 v3, v4  }
0x6d: {  	v4 =	vperm.xlane v3, v0;
	_ =	sdelay $0x1  }
0x6e: {  	v3 =	vperm.xlane v3, v2;
	v4 =	vadd.s32 v1, v4;
	_ =	sdelay $0x1  }
0x6f: {  	v3 =	vadd.s32 v1, v3;
	_ =	sdelay $0x2  }
0x70: {  	[tilespmem:s11], [sflag:$0x1] =	stream.indirect_vreg.gather [hbm4b:s3+s2], $0x80, v4, vm0, $0xb8;
	[tilespmem:$0x10A00] =	vst v63  }
0x71: {  	_ = 	snop  }
0x72: {  	[tilespmem:s12], [sflag:$0x1] =	stream.indirect_vreg.gather [hbm4b:s3+s2], $0x80, v3, vm0, $0xb8;
	[tilespmem:$0x10A00] =	vst v63  }
0x73: {  	v3 =	vld [tilespmem:s1+$0x0];
	_ =	sdelay $0x4  }
0x74: {  	v56 =	vshll.u32 v3, $0x1  }
0x75: {  	v3 =	vand.u32 $0x7, v3;
	v4 =	vand.u32 $0xFFFFFFF0, v56  }
0x76: {  	v3 =	vor.u32 v3, v4  }
0x77: {  	v4 =	vperm.xlane v3, v0;
	_ =	sdelay $0x1  }
0x78: {  	v3 =	vperm.xlane v3, v2;
	v4 =	vadd.s32 v1, v4;
	_ =	sdelay $0x1  }
0x79: {  	v3 =	vadd.s32 v1, v3;
	_ =	sdelay $0x2  }
0x7a: {  	[tilespmem:s13], [sflag:$0x1] =	stream.indirect_vreg.gather [hbm4b:s3+s2], $0x80, v4, vm0, $0xb8;
	[tilespmem:$0x10A00] =	vst v63  }
0x7b: {  	_ = 	snop  }
0x7c: {  	[tilespmem:s14], [sflag:$0x1] =	stream.indirect_vreg.gather [hbm4b:s3+s2], $0x80, v3, vm0, $0xb8;
	[tilespmem:$0x10A00] =	vst v63  }
0x7d: {  	v3 =	vld [tilespmem:s1+$0x10];
	_ =	sdelay $0x4  }
0x7e: {  	v57 =	vshll.u32 v3, $0x1  }
0x7f: {  	v3 =	vand.u32 $0x7, v3;
	v4 =	vand.u32 $0xFFFFFFF0, v57  }
0x80: {  	v3 =	vor.u32 v3, v4  }
0x81: {  	v4 =	vperm.xlane v3, v0;
	_ =	sdelay $0x1  }
0x82: {  	v3 =	vperm.xlane v3, v2;
	v4 =	vadd.s32 v1, v4;
	_ =	sdelay $0x1  }
0x83: {  	v3 =	vadd.s32 v1, v3;
	_ =	sdelay $0x2  }
0x84: {  	[tilespmem:s15], [sflag:$0x1] =	stream.indirect_vreg.gather [hbm4b:s3+s2], $0x80, v4, vm0, $0xb8;
	[tilespmem:$0x10A00] =	vst v63  }
0x85: {  	_ = 	snop  }
0x86: {  	[tilespmem:s16], [sflag:$0x1] =	stream.indirect_vreg.gather [hbm4b:s3+s2], $0x80, v3, vm0, $0xb8;
	[tilespmem:$0x10A00] =	vst v63  }
0x87: {  	v3 =	vld [tilespmem:s1+$0x20];
	_ =	sdelay $0x4  }
0x88: {  	v58 =	vshll.u32 v3, $0x1  }
0x89: {  	v3 =	vand.u32 $0x7, v3;
	v4 =	vand.u32 $0xFFFFFFF0, v58  }
0x8a: {  	v3 =	vor.u32 v3, v4  }
0x8b: {  	v4 =	vperm.xlane v3, v0;
	_ =	sdelay $0x1  }
0x8c: {  	v3 =	vperm.xlane v3, v2;
	v4 =	vadd.s32 v1, v4;
	_ =	sdelay $0x1  }
0x8d: {  	v3 =	vadd.s32 v1, v3;
	_ =	sdelay $0x2  }
0x8e: {  	[tilespmem:s17], [sflag:$0x1] =	stream.indirect_vreg.gather [hbm4b:s3+s2], $0x80, v4, vm0, $0xb8;
	[tilespmem:$0x10A00] =	vst v63  }
0x8f: {  	_ = 	snop  }
0x90: {  	[tilespmem:s18], [sflag:$0x1] =	stream.indirect_vreg.gather [hbm4b:s3+s2], $0x80, v3, vm0, $0xb8;
	[tilespmem:$0x10A00] =	vst v63  }
0x91: {  	v3 =	vld [tilespmem:s1+$0x30];
	_ =	sdelay $0x4  }
0x92: {  	v59 =	vshll.u32 v3, $0x1  }
0x93: {  	v3 =	vand.u32 $0x7, v3;
	v4 =	vand.u32 $0xFFFFFFF0, v59  }
0x94: {  	v3 =	vor.u32 v3, v4  }
0x95: {  	v4 =	vperm.xlane v3, v0;
	_ =	sdelay $0x1  }
0x96: {  	v3 =	vperm.xlane v3, v2;
	v4 =	vadd.s32 v1, v4;
	_ =	sdelay $0x1  }
0x97: {  	v3 =	vadd.s32 v1, v3;
	_ =	sdelay $0x2  }
0x98: {  	[tilespmem:s19], [sflag:$0x1] =	stream.indirect_vreg.gather [hbm4b:s3+s2], $0x80, v4, vm0, $0xb8;
	[tilespmem:$0x10A00] =	vst v63  }
0x99: {  	_ = 	snop  }
0x9a: {  	[tilespmem:s20], [sflag:$0x1] =	stream.indirect_vreg.gather [hbm4b:s3+s2], $0x80, v3, vm0, $0xb8;
	[tilespmem:$0x10A00] =	vst v63  }
0x9b: {  	v3 =	vld [tilespmem:s1+$0x40];
	_ =	sdelay $0x4  }
0x9c: {  	v60 =	vshll.u32 v3, $0x1  }
0x9d: {  	v3 =	vand.u32 $0x7, v3;
	v4 =	vand.u32 $0xFFFFFFF0, v60  }
0x9e: {  	v3 =	vor.u32 v3, v4  }
0x9f: {  	v4 =	vperm.xlane v3, v0;
	_ =	sdelay $0x1  }
0xa0: {  	v3 =	vperm.xlane v3, v2;
	v4 =	vadd.s32 v1, v4;
	_ =	sdelay $0x1  }
0xa1: {  	v3 =	vadd.s32 v1, v3;
	_ =	sdelay $0x2  }
0xa2: {  	[tilespmem:s21], [sflag:$0x1] =	stream.indirect_vreg.gather [hbm4b:s3+s2], $0x80, v4, vm0, $0xb8;
	[tilespmem:$0x10A00] =	vst v63  }
0xa3: {  	_ = 	snop  }
0xa4: {  	[tilespmem:s22], [sflag:$0x1] =	stream.indirect_vreg.gather [hbm4b:s3+s2], $0x80, v3, vm0, $0xb8;
	[tilespmem:$0x10A00] =	vst v63  }
0xa5: {  	v3 =	vld [tilespmem:s1+$0x50];
	_ =	sdelay $0x4  }
0xa6: {  	v61 =	vshll.u32 v3, $0x1  }
0xa7: {  	v3 =	vand.u32 $0x7, v3;
	v4 =	vand.u32 $0xFFFFFFF0, v61  }
0xa8: {  	v3 =	vor.u32 v3, v4  }
0xa9: {  	v4 =	vperm.xlane v3, v0;
	_ =	sdelay $0x1  }
0xaa: {  	v3 =	vperm.xlane v3, v2;
	v4 =	vadd.s32 v1, v4;
	_ =	sdelay $0x1  }
0xab: {  	v3 =	vadd.s32 v1, v3;
	_ =	sdelay $0x2  }
0xac: {  	[tilespmem:s23], [sflag:$0x1] =	stream.indirect_vreg.gather [hbm4b:s3+s2], $0x80, v4, vm0, $0xb8;
	[tilespmem:$0x10A00] =	vst v63  }
0xad: {  	_ = 	snop  }
0xae: {  	[tilespmem:s24], [sflag:$0x1] =	stream.indirect_vreg.gather [hbm4b:s3+s2], $0x80, v3, vm0, $0xb8;
	[tilespmem:$0x10A00] =	vst v63  }
0xaf: {  	v3 =	vld [tilespmem:s1+$0x60];
	_ =	sdelay $0x4  }
0xb0: {  	v62 =	vshll.u32 v3, $0x1  }
0xb1: {  	v3 =	vand.u32 $0x7, v3;
	v4 =	vand.u32 $0xFFFFFFF0, v62  }
0xb2: {  	v3 =	vor.u32 v3, v4  }
0xb3: {  	v4 =	vperm.xlane v3, v0;
	_ =	sdelay $0x1  }
0xb4: {  	v3 =	vperm.xlane v3, v2;
	v4 =	vadd.s32 v1, v4;
	_ =	sdelay $0x1  }
0xb5: {  	v3 =	vadd.s32 v1, v3;
	_ =	sdelay $0x2  }
0xb6: {  	[tilespmem:s25], [sflag:$0x1] =	stream.indirect_vreg.gather [hbm4b:s3+s2], $0x80, v4, vm0, $0xb8;
	[tilespmem:$0x10A00] =	vst v63  }
0xb7: {  	_ = 	snop  }
0xb8: {  	[tilespmem:s26], [sflag:$0x1] =	stream.indirect_vreg.gather [hbm4b:s3+s2], $0x80, v3, vm0, $0xb8;
	[tilespmem:$0x10A00] =	vst v63  }
0xb9: {  	v3 =	vld [tilespmem:s1+$0x70];
	_ =	sdelay $0x4  }
0xba: {  	v63 =	vshll.u32 v3, $0x1  }
0xbb: {  	v3 =	vand.u32 $0x7, v3;
	v4 =	vand.u32 $0xFFFFFFF0, v63  }
0xbc: {  	v3 =	vor.u32 v3, v4  }
0xbd: {  	v4 =	vperm.xlane v3, v0;
	_ =	sdelay $0x1  }
0xbe: {  	v3 =	vperm.xlane v3, v2;
	v4 =	vadd.s32 v1, v4;
	_ =	sdelay $0x1  }
0xbf: {  	v3 =	vadd.s32 v1, v3;
	_ =	sdelay $0x2  }
0xc0: {  	[tilespmem:s28], [sflag:$0x1] =	stream.indirect_vreg.gather [hbm4b:s3+s2], $0x80, v4, vm0, $0xb8;
	[tilespmem:$0x10A00] =	vst v63  }
0xc1: {  	_ = 	snop  }
0xc2: {  	[tilespmem:s29], [sflag:$0x1] =	stream.indirect_vreg.gather [hbm4b:s3+s2], $0x80, v3, vm0, $0xb8;
	[tilespmem:$0x10A00] =	vst v63  }
0xc3: {  	_ =	swait.ge [sflag:s30], $0x8000  }
0xc4: {  	[sflag:s30] =	ssyncset.done $0x0  }
0xc5: {  	[sflag:s30] =	ssyncadd.s32 $0xFFFF8000  }
0xc6: {  	_ =	swait.ge [sflag:s30], $0x8000  }
0xc7: {  	p0 =	sne.s32 s0, $0x12000;
	s5 =	rddreg [dreg:$0x2];
	[sflag:s30] =	ssyncset.done $0x0  }
.Ltmp0:
0xc8: {  	[sflag:s30] =	ssyncadd.s32 $0xFFFF8000;
	s4 =	sadd.s32 s0, s5;
	(pc) =	sbr.rel @p0 .LBB2_2-.Ltmp0, $4  }
0xc9: {  	[hbm4b:s4+s2] =	stream.linear.scatter [tilespmem:s7], [sflag:$0x2], $0x10000, $0x38;
	[tilespmem:$0x10A00] =	vst v63  }
0xca: {  	_ =	swait.ge [sflag:s6], $0x10000  }
0xcb: {  	[sflag:s6] =	ssyncset.done $0x0  }
0xcc: {  	s1 =	sadd.s32 $0x100, s1;
	s0 =	sadd.s32 $0x2000, s0;
	[sflag:s6] =	ssyncadd.s32 $0xFFFF0000  }
0xcd: {  	s31 =	sadd.s32 $0x1, s31;
	s0 =	rddreg [dreg:$0xe]  }
0xce: {  	p0 =	sne.s32 s31, s0  }
.Ltmp1:
0xcf: {  	_ = 	snop;
	(pc) =	sbr.rel @p0 .LBB2_1-.Ltmp1, $1  }
0xd0: {  	_ =	sdelay $0x3  }
0xd1: {  	_ =	sfence.sel $0x180000  }
0xd2: {  	[bflag:$0x0] =	sbarrier.arrive $0xFFFF  }
0xd3: {  	_ =	strace $0x90000047  }
0xd4: {  	s0 =	stileid.u32;
	[bflag:$0x2] =	sbarrier.arrive $0xFFFF  }
0xd5: {  	p0 =	sne.s32 s0, $0x0;
	s0 =	rddreg [dreg:$0x1]  }
0xd6: {  	s0 =	sadd.s32 @!p0 $0x100000, s0  }
0xd7: {  	[sflag:s0] =	ssyncadd.tile.s32 @!p0 $0x1;
	_ =	shalt  }
.Lfunc_end2:
_tile_overlayer_lowered:
.L_overlay_start_2:
0xd8: {  	(tag) =	ssettag $0x2  }
0xd9: {  	s0 =	rddreg [dreg:$0x0];
	s2 =	stileid.u32  }
0xda: {  	s1 =	rddreg [dreg:$0x1];
	p0 =	sne.s32 s2, $0x0  }
0xdb: {  	s3 =	rddreg [dreg:$0x2];
	[bflag:$0x3] =	sbarrier.arrive $0xFFFF;
	s2 =	simm.s32 @!p0 $0x1C02  }
0xdc: {  	[timem:s3], [sflag:s2] =	dma.local @!p0 [hbm:s0], s1  }
0xdd: {  	s0 =	simm.s32 @!p0 $0x2  }
0xde: {  	_ =	swait.ge @!p0 [sflag:s0], s1  }
0xdf: {  	s1 =	ssub.s32 @!p0 $0x0, s1;
	[sflag:s0] =	ssyncset.done @!p0 $0x0  }
0xe0: {  	[sflag:s0] =	ssyncadd.s32 @!p0 s1  }
0xe1: {  	[bflag:$0x3] =	sbarrier.arrive $0xFFFF  }
0xe2: {  	_ =	shalt  }

// kernel: kernel.9.cloned.1.call-start
scs
__scs_entry_jumppad:
0x0: {  	(pc) =	sbr.rel $0x88, $3  }
0x1: {  	(tag) =	ssettag $0x0;
	lr =	simm.s32 $0x1  }
0x2: {  	[smem:$0x3F93] =	sst lr;
	_ =	strace $0xD0000000  }
0x3: {  	_ = 	snop  }
0x4: {  	_ = 	snop  }
0x5: {  	_ = 	snop  }
0x6: {  	_ = 	snop  }
0x7: {  	_ = 	snop  }
__scs_overlays_trampoline_lowered:
0x8: {  	[smem:$0x3FA2] =	sst s0  }
0x9: {  	[smem:$0x3FA3] =	sst s1  }
0xa: {  	[smem:$0x3FA4] =	sst s2  }
0xb: {  	[smem:$0x3FA5] =	sst s3  }
0xc: {  	[smem:$0x3FA6] =	sst s4  }
0xd: {  	[smem:$0x3FA7] =	sst s5  }
0xe: {  	[smem:$0x3FA8] =	sst s6  }
0xf: {  	[smem:$0x3FA9] =	sst s7  }
0x10: {  	[smem:$0x3FAA] =	sst s8  }
0x11: {  	[smem:$0x3FAB] =	sst s9;
	s0 =	simm.s32 @!p0 $0x0  }
0x12: {  	s1 =	sld [smem:$0x3F91];
	s0 =	simm.s32 @p0 $0x1  }
0x13: {  	[smem:$0x3FAC] =	sst s0;
	s0 =	simm.s32 @!p1 $0x0  }
0x14: {  	s2 =	sld [smem:$0x3F90];
	s0 =	simm.s32 @p1 $0x1  }
0x15: {  	[smem:$0x3FAD] =	sst s0;
	s0 =	simm.s32 @!p2 $0x0  }
0x16: {  	s3 =	sld [smem:$0x3FDB];
	s0 =	simm.s32 @p2 $0x1  }
0x17: {  	s4 =	simm.s32 $0x1BF5;
	[smem:$0x3FAF] =	sst s0  }
0x18: {  	s0 =	sld [smem:$0x3F92];
	_ =	swait.ge [sflag:s4], $0x0  }
0x19: {  	s7 =	sld [smem:$0x3F93]  }
0x1a: {  	s8 =	sadd.s32 $0xFFFFE003, lr  }
0x1b: {  	s9 =	sadd.s32 $0xFFFFFEF7, lr;
	s5 =	simm.s32 $0xFFFFFFFF;
	p2 =	slt.u32 s8, $0xFFFFF086  }
0x1c: {  	p1 =	slt.u32 s9, $0xF7A;
	s5 =	simm.s32 @!p2 $0x0  }
0x1d: {  	s5 =	simm.s32 @p1 $0x1;
	p0 =	seq.s32 s7, s2  }
0x1e: {  	s7 =	smul.u32 @!p0 $0xF7A, s2;
	p2 =	seq.s32 @!p0 s5, $0x0  }
0x1f: {  	s9 =	smul.u32 $0xF7A, s1;
	s8 =	simm.s32 @!p0 $0x1BF5;
	p2 =	por !p2, p0  }
0x20: {  	[sflag:s8] =	ssyncset.s32 @!p0 $0xFFFFF086;
	s6 =	sadd.s32 @!p0 s3, s7;
	s7 =	simm.s32 @!p0 $0x108  }
0x21: {  	s3 =	sadd.s32 s3, s9;
	s6 =	sadd.s32 @!p0 $0x88, s6;
	s7 =	simm.s32 @p2 $0x1082  }
0x22: {  	[simem:s7], [sflag:s8] =	dma.local @!p0 [hbm:s6], $0xF7A  }
0x23: {  	s9 =	sor.u32 $0xD0000000, s2;
	s6 =	simm.s32 $0x108;
	_ =	swait.ge @!p0 [sflag:s8], $0x0  }
0x24: {  	s3 =	sadd.s32 $0x88, s3;
	s6 =	simm.s32 @!p1 $0x1082;
	[sflag:s4] =	ssyncset.s32 $0xFFFFF086  }
0x25: {  	[simem:s6], [sflag:s4] =	dma.local [hbm:s3], $0xF7A  }
0x26: {  	[smem:$0x3F93] =	sst s1;
	(tag) =	ssettag s2;
	_ =	strace s9  }
0x27: {  	s1 =	sld [smem:$0x3FA3]  }
0x28: {  	s2 =	sld [smem:$0x3FA4]  }
0x29: {  	s4 =	sld [smem:$0x3FA6]  }
0x2a: {  	p0 =	seq.s32 s5, $0x0;
	s5 =	sld [smem:$0x3FA7]  }
0x2b: {  	s6 =	sld [smem:$0x3FA8]  }
0x2c: {  	s7 =	sld [smem:$0x3FA9]  }
0x2d: {  	s3 =	simm.s32 $0x108;
	s8 =	sld [smem:$0x3FAA]  }
0x2e: {  	s3 =	simm.s32 @!p0 $0x1082;
	s9 =	sld [smem:$0x3FAB]  }
0x2f: {  	lr =	sadd.s32 s0, s3;
	s0 =	sld [smem:$0x3FA2]  }
0x30: {  	s3 =	sld [smem:$0x3FA5]  }
0x31: {  	[smem:$0x3FAE] =	sst s10  }
0x32: {  	s10 =	sld [smem:$0x3FAC];
	_ =	sdelay $0x3  }
0x33: {  	p0 =	seq.s32 s10, $0x1;
	s10 =	sld [smem:$0x3FAE];
	_ =	sdelay $0x3  }
0x34: {  	[smem:$0x3FAE] =	sst s10  }
0x35: {  	s10 =	sld [smem:$0x3FAD];
	_ =	sdelay $0x3  }
0x36: {  	p1 =	seq.s32 s10, $0x1;
	s10 =	sld [smem:$0x3FAE];
	_ =	sdelay $0x3  }
0x37: {  	[smem:$0x3FAE] =	sst s10  }
0x38: {  	s10 =	sld [smem:$0x3FAF]  }
0x39: {  	_ = 	snop;
	(pc) =	sbr.ind lr, $3  }
0x3a: {  	_ = 	snop  }
0x3b: {  	_ = 	snop  }
0x3c: {  	p2 =	seq.s32 s10, $0x1;
	s10 =	sld [smem:$0x3FAE]  }
0x3d: {  	_ =	shalt  }
0x3e: {  	_ =	shalt  }
0x3f: {  	_ =	shalt  }
0x40: {  	_ =	shalt  }
0x41: {  	_ =	shalt  }
0x42: {  	_ =	shalt  }
0x43: {  	_ =	shalt  }
0x44: {  	_ =	shalt  }
0x45: {  	_ =	shalt  }
0x46: {  	_ =	shalt  }
0x47: {  	_ =	shalt  }
0x48: {  	_ =	shalt  }
0x49: {  	_ =	shalt  }
0x4a: {  	_ =	shalt  }
0x4b: {  	_ =	shalt  }
0x4c: {  	_ =	shalt  }
0x4d: {  	_ =	shalt  }
0x4e: {  	_ =	shalt  }
0x4f: {  	_ =	shalt  }
0x50: {  	_ =	shalt  }
0x51: {  	_ =	shalt  }
0x52: {  	_ =	shalt  }
0x53: {  	_ =	shalt  }
0x54: {  	_ =	shalt  }
0x55: {  	_ =	shalt  }
0x56: {  	_ =	shalt  }
0x57: {  	_ =	shalt  }
0x58: {  	_ =	shalt  }
0x59: {  	_ =	shalt  }
0x5a: {  	_ =	shalt  }
0x5b: {  	_ =	shalt  }
0x5c: {  	_ =	shalt  }
0x5d: {  	_ =	shalt  }
0x5e: {  	_ =	shalt  }
0x5f: {  	_ =	shalt  }
0x60: {  	_ =	shalt  }
0x61: {  	_ =	shalt  }
0x62: {  	_ =	shalt  }
0x63: {  	_ =	shalt  }
0x64: {  	_ =	shalt  }
0x65: {  	_ =	shalt  }
0x66: {  	_ =	shalt  }
0x67: {  	_ =	shalt  }
0x68: {  	_ =	shalt  }
0x69: {  	_ =	shalt  }
0x6a: {  	_ =	shalt  }
0x6b: {  	_ =	shalt  }
0x6c: {  	_ =	shalt  }
0x6d: {  	_ =	shalt  }
0x6e: {  	_ =	shalt  }
0x6f: {  	_ =	shalt  }
0x70: {  	_ =	shalt  }
0x71: {  	_ =	shalt  }
0x72: {  	_ =	shalt  }
0x73: {  	_ =	shalt  }
0x74: {  	_ =	shalt  }
0x75: {  	_ =	shalt  }
0x76: {  	_ =	shalt  }
0x77: {  	_ =	shalt  }
0x78: {  	_ =	shalt  }
0x79: {  	_ =	shalt  }
0x7a: {  	_ =	shalt  }
0x7b: {  	_ =	shalt  }
0x7c: {  	_ =	shalt  }
0x7d: {  	_ =	shalt  }
0x7e: {  	_ =	shalt  }
0x7f: {  	_ =	shalt  }
0x80: {  	_ =	shalt  }
0x81: {  	_ =	shalt  }
0x82: {  	_ =	shalt  }
0x83: {  	_ =	shalt  }
0x84: {  	_ =	shalt  }
0x85: {  	_ =	shalt  }
0x86: {  	_ =	shalt  }
0x87: {  	_ =	shalt  }
.Lfunc_end0:
.L_simem_size_0:
called_computation_lowered:
.L_overlay_start_0:
0x88: {  	s2 =	sld [smem:$0x3FD9]  }
0x89: {  	s3 =	sld [smem:$0x3FFE];
	_ =	sdelay $0x1  }
0x8a: {  	s1 =	srdreg.scid  }
0x8b: {  	s0 =	sand.u32 $0x1, s1  }
0x8c: {  	s17 =	sshll.u32 s0, $0xA;
	s2 =	sadd.s32 s3, s2  }
0x8d: {  	s2 =	sadd.s32 s2, s17  }
0x8e: {  	[smem:$0x3FBA] =	sst s2  }
0x8f: {  	_ = 	snop  }
0x90: {  	(tm) =	ssettm $0x1  }
0x91: {  	s18 =	sld [smem:$0x3FFB];
	_ =	sdelay $0x3  }
0x92: {  	_ =	strace s18  }
0x93: {  	s2 =	sld [smem:$0x3FFC];
	_ =	sdelay $0x3  }
0x94: {  	_ =	strace s2  }
0x95: {  	s2 =	sld [smem:$0x3FFD];
	_ =	sdelay $0x3  }
0x96: {  	_ =	strace s2  }
0x97: {  	_ =	strace $0x8FFFFFFF  }
0x98: {  	s19 =	sld [smem:$0x3FDB];
	_ =	sdelay $0x1  }
0x99: {  	s20 =	simm.s32 $_scs_section_size  }
0x9a: {  	s4 =	simm.s32 $_size__tile_overlayer_lowered;
	s5 =	simm.s32 $_tile_overlayer_lowered  }
0x9b: {  	s6 =	simm.s32 $0x1BFF;
	s21 =	sshll.u32 s5, $0x1;
	s3 =	sadd.s32 s20, s19  }
0x9c: {  	s22 =	simm.s32 $0x0;
	s4 =	sshll.u32 s4, $0x1;
	s5 =	sadd.s32 s21, s3  }
0x9d: {  	[timem:s22], [sflag:s6] =	dma.local [hbm:s5], s4  }
0x9e: {  	_ =	swait.ge [sflag:s6], s4  }
0x9f: {  	s4 =	ssub.s32 $0x0, s4;
	[sflag:s6] =	ssyncset.done $0x0  }
0xa0: {  	[sflag:s6] =	ssyncadd.s32 s4;
	_ =	sdelay $0x1  }
0xa1: {  	s23 =	simm.s32 $0x1B8B  }
0xa2: {  	_ =	swait.ge [sflag:s23], $0x1  }
0xa3: {  	[sflag:s23] =	ssyncset.done $0x0  }
0xa4: {  	[sflag:s23] =	ssyncadd.s32 $0xFFFFFFFF  }
0xa5: {  	s4 =	sld [smem:$0x0]  }
0xa6: {  	s5 =	sand.u32 $0xFFFFFFFE, s1  }
0xa7: {  	p0 =	sne.s32 s1, s5  }
0xa8: {  	s5 =	sshll.u32 @p0 s5, $0xE  }
0xa9: {  	s5 =	sadd.s32 @p0 $0x11B8D, s5;
	s6 =	sshll.u32 @p0 s4, $0x11  }
0xaa: {  	s5 =	sor.u32 @p0 s6, s5  }
0xab: {  	[sflag:s5] =	ssyncadd.remote.s32 @p0 $0x1;
	_ =	sdelay $0x1  }
0xac: {  	s5 =	simm.s32 @p0 $0x1B8D  }
0xad: {  	_ =	swait.eq @p0 [sflag:s5], $0x1  }
0xae: {  	[sflag:s5] =	ssyncadd.s32 @p0 $0xFFFFFFFF  }
0xaf: {  	s6 =	sshll.u32 @!p0 s1, $0xE  }
0xb0: {  	s6 =	sor.u32 @!p0 $0x4000, s6;
	s5 =	simm.s32 @!p0 $0x1B8D  }
0xb1: {  	s4 =	sshll.u32 @!p0 s4, $0x11;
	s6 =	sadd.s32 @!p0 $0x11B8D, s6;
	_ =	swait.eq @!p0 [sflag:s5], $0x1  }
0xb2: {  	s4 =	sor.u32 @!p0 s4, s6;
	[sflag:s5] =	ssyncadd.s32 @!p0 $0xFFFFFFFF  }
0xb3: {  	s25 =	simm.s32 $0x1B8E;
	s24 =	sld [smem:$0x3FFE];
	[sflag:s4] =	ssyncadd.remote.s32 @!p0 $0x1  }
0xb4: {  	s26 =	simm.s32 $execute0_lowered;
	[smem:$0x3FD2] =	sst s25  }
0xb5: {  	s5 =	sshll.u32 s26, $0x1;
	_ =	strace $0x80000049;
	[dreg:$0x1] =	wrdreg $0xFFFFFFFF  }
0xb6: {  	s28 =	simm.s32 $_size_execute0_lowered;
	s3 =	sadd.s32 s3, s5;
	[dreg:$0x0] =	wrdreg $0x0  }
0xb7: {  	s5 =	sshll.u32 s28, $0x1;
	[dreg:$0x2] =	wrdreg s3  }
0xb8: {  	[dreg:$0x3] =	wrdreg s5  }
0xb9: {  	[dreg:$0x4] =	wrdreg $0xC0  }
0xba: {  	_ =	task [dreg:s22], $0x5FFFF  }
0xbb: {  	[dreg:$0x1] =	wrdreg $0xFFFFFFFF  }
0xbc: {  	[dreg:$0x0] =	wrdreg $0x60  }
0xbd: {  	[dreg:$0x2] =	wrdreg s24  }
0xbe: {  	[dreg:$0x3] =	wrdreg $0x9  }
0xbf: {  	_ =	task.clear_ibuf [dreg:s22], $0x4FFFF;
	_ =	strace $0x90000049  }
0xc0: {  	s29 =	simm.s32 $0x9;
	_ =	strace $0x8000004B  }
0xc1: {  	_ =	swait.ge [sflag:s29], $0x1  }
0xc2: {  	[sflag:s29] =	ssyncadd.s32 $0xFFFFFFFF  }
0xc3: {  	_ =	strace $0x9000004B  }
0xc4: {  	_ =	sfence  }
0xc5: {  	s30 =	sld [smem:$0x0];
	_ =	sdelay $0x2  }
0xc6: {  	s31 =	sshll.u32 s1, $0xD;
	s1 =	sshrl.u32 s1, $0x2  }
0xc7: {  	s4 =	sand.u32 $0x4000, s31;
	s1 =	sadd.s32 s1, s30  }
0xc8: {  	s0 =	sor.u32 s4, s0;
	s1 =	sshll.u32 s1, $0x11  }
0xc9: {  	s0 =	sor.u32 s1, s0  }
0xca: {  	s0 =	sadd.s32 $0x8F2B, s0  }
0xcb: {  	[sflag:s0] =	ssyncadd.remote.s32 $0x1  }
0xcc: {  	_ =	sfence.sel $0xFFFF  }
0xcd: {  	[dreg:$0x0] =	wrdreg $0xFFFFFFFF;
	(pc) =	sbr.abs _section_cstart, $3  }
0xce: {  	[dreg:$0x1] =	wrdreg $0xFFFFFFFF  }
0xcf: {  	_ =	task.clear_ibuf [dreg:s22], $0x2FFFF;
	_ =	strace $0x9FFFFFFF  }
0xd0: {  	(tm) =	ssettm $0x7FFFFFFF  }
0xd1: {  	_ =	shalt  }
tec
execute0_lowered:
.L_overlay_start_1:
0x0: {  	(tag) =	ssettag $0x1  }
0x1: {  	s0 =	srdreg.scid;
	s5 =	stileid.u32  }
0x2: {  	s1 =	rddreg [dreg:$0x0];
	s2 =	simm.s32 $0x0;
	s16 =	simm.s32 $0x1200  }
0x3: {  	s17 =	simm.s32 $0x1A00;
	s18 =	simm.s32 $0x2200;
	s19 =	simm.s32 $0x2A00  }
0x4: {  	s21 =	simm.s32 $0x3200;
	s22 =	simm.s32 $0x3A00;
	s23 =	simm.s32 $0x4200  }
0x5: {  	s24 =	simm.s32 $0x4A00;
	s6 =	simm.s32 $0x2;
	[smem:$0x7FF] =	sst s2  }
0x6: {  	s25 =	simm.s32 $0x5200;
	_ =	strace $0x8000004A;
	[dreg:$0x3] =	wrdreg s16  }
0x7: {  	s7 =	simm.s32 $0xA00;
	s26 =	simm.s32 $0x5A00;
	[dreg:$0x4] =	wrdreg s17  }
0x8: {  	s8 =	simm.s32 $0x6200;
	s9 =	simm.s32 $0x6A00;
	[dreg:$0x5] =	wrdreg s18  }
0x9: {  	s10 =	simm.s32 $0x7200;
	s11 =	simm.s32 $0x7A00;
	[dreg:$0x6] =	wrdreg s19  }
0xa: {  	s12 =	simm.s32 $0x8200;
	s13 =	simm.s32 $0x8A00;
	[dreg:$0x7] =	wrdreg s21  }
0xb: {  	s28 =	simm.s32 $0xFA00;
	s29 =	simm.s32 $0x10200;
	[dreg:$0x8] =	wrdreg s22  }
0xc: {  	s30 =	simm.s32 $0x1;
	s31 =	simm.s32 $0x0;
	[dreg:$0x9] =	wrdreg s23  }
0xd: {  	s0 =	sand.u32 $0x1, s0;
	s3 =	smul.u32 $0x28000, s5;
	[dreg:$0xa] =	wrdreg s24  }
0xe: {  	s5 =	sshll.u32 s5, $0x1;
	s4 =	smul.u32 $0x14000, s0;
	[dreg:$0xb] =	wrdreg s25  }
0xf: {  	s5 =	sor.u32 s0, s5;
	s0 =	ssub.s32 $0x2, s0;
	[dreg:$0xc] =	wrdreg s26  }
0x10: {  	s16 =	simm.s32 $0xA200;
	s17 =	simm.s32 $0xAA00;
	s18 =	simm.s32 $0xB200  }
0x11: {  	s19 =	simm.s32 $0xBA00;
	s21 =	simm.s32 $0xCA00;
	s22 =	simm.s32 $0xD200  }
0x12: {  	s23 =	simm.s32 $0xDA00;
	s24 =	simm.s32 $0xE200;
	s25 =	simm.s32 $0xEA00  }
0x13: {  	s3 =	sadd.s32 s3, s1;
	s14 =	smul.u32 $0xA00, s5;
	s20 =	sshrl.u32 s0, $0x1  }
0x14: {  	s26 =	simm.s32 $0xF200;
	s3 =	sadd.s32 s4, s3;
	s0 =	ssub.s32 s0, s20  }
0x15: {  	s15 =	sadd.s32 $0x327200, s3;
	s3 =	sadd.s32 $0x56600, s1;
	s4 =	sshrl.u32 s14, $0x3  }
0x16: {  	v2 =	vlaneseq.u32;
	s0 =	smax.u32 s0, $0x1;
	[dreg:$0x2] =	wrdreg s15;
	s1 =	sadd.s32 s4, s1  }
0x17: {  	vm0 =	vmmov $0xffff;
	v1 =	vshrl.u32 v2, $0x3;
	s20 =	simm.s32 $0xC200;
	[dreg:$0xe] =	wrdreg s0;
	s1 =	sadd.s32 $0x324A00, s1  }
0x18: {  	v0 =	vand.u32 $0x7, v2;
	v2 =	vor.u32 $0x8, v2;
	v1 =	vmul.u32 $0x8, v1;
	s14 =	simm.s32 $0x9200;
	s15 =	simm.s32 $0x9A00;
	[dreg:$0xd] =	wrdreg s1  }
.LBB2_1:
0x19: {  	s0 =	rddreg [dreg:$0xd]  }
0x1a: {  	[tilespmem:s2], [sflag:$0x2] =	stream.linear.gather [hbm4b:s0+s2], $0xA00, $0x38;
	[tilespmem:$0x10A00] =	vst v63  }
0x1b: {  	_ =	swait.ge [sflag:s6], $0xA00  }
0x1c: {  	[sflag:s6] =	ssyncset.done $0x0  }
0x1d: {  	s1 =	simm.s32 $0x80;
	s0 =	simm.s32 $0x0;
	[sflag:s6] =	ssyncadd.s32 $0xFFFFF600  }
.LBB2_2:
0x1e: {  	v3 =	vld [tilespmem:s1+$0xFFFFFF80];
	_ =	sdelay $0x4  }
0x1f: {  	v4 =	vshll.u32 v3, $0x1  }
0x20: {  	v3 =	vand.u32 $0x7, v3;
	v4 =	vand.u32 $0xFFFFFFF0, v4  }
0x21: {  	v3 =	vor.u32 v3, v4  }
0x22: {  	v4 =	vperm.xlane v3, v0;
	_ =	sdelay $0x1  }
0x23: {  	v3 =	vperm.xlane v3, v2;
	v4 =	vadd.s32 v1, v4;
	_ =	sdelay $0x1  }
0x24: {  	v3 =	vadd.s32 v1, v3;
	_ =	sdelay $0x2  }
0x25: {  	[tilespmem:s7], [sflag:$0x1] =	stream.indirect_vreg.gather [hbm4b:s3+s2], $0x80, v4, vm0, $0xb8;
	[tilespmem:$0x10A00] =	vst v63  }
0x26: {  	s4 =	rddreg [dreg:$0x3]  }
0x27: {  	[tilespmem:s4], [sflag:$0x1] =	stream.indirect_vreg.gather [hbm4b:s3+s2], $0x80, v3, vm0, $0xb8;
	[tilespmem:$0x10A00] =	vst v63  }
0x28: {  	v3 =	vld [tilespmem:s1+$0xFFFFFF90];
	_ =	sdelay $0x4  }
0x29: {  	v49 =	vshll.u32 v3, $0x1  }
0x2a: {  	v3 =	vand.u32 $0x7, v3;
	v4 =	vand.u32 $0xFFFFFFF0, v49  }
0x2b: {  	v3 =	vor.u32 v3, v4  }
0x2c: {  	v4 =	vperm.xlane v3, v0;
	_ =	sdelay $0x1  }
0x2d: {  	v3 =	vperm.xlane v3, v2;
	v4 =	vadd.s32 v1, v4;
	_ =	sdelay $0x1  }
0x2e: {  	v3 =	vadd.s32 v1, v3;
	_ =	sdelay $0x1  }
0x2f: {  	s4 =	rddreg [dreg:$0x4]  }
0x30: {  	[tilespmem:s4], [sflag:$0x1] =	stream.indirect_vreg.gather [hbm4b:s3+s2], $0x80, v4, vm0, $0xb8;
	[tilespmem:$0x10A00] =	vst v63  }
0x31: {  	s5 =	rddreg [dreg:$0x5]  }
0x32: {  	[tilespmem:s5], [sflag:$0x1] =	stream.indirect_vreg.gather [hbm4b:s3+s2], $0x80, v3, vm0, $0xb8;
	[tilespmem:$0x10A00] =	vst v63  }
0x33: {  	v3 =	vld [tilespmem:s1+$0xFFFFFFA0];
	_ =	sdelay $0x4  }
0x34: {  	v50 =	vshll.u32 v3, $0x1  }
0x35: {  	v3 =	vand.u32 $0x7, v3;
	v4 =	vand.u32 $0xFFFFFFF0, v50  }
0x36: {  	v3 =	vor.u32 v3, v4  }
0x37: {  	v4 =	vperm.xlane v3, v0;
	_ =	sdelay $0x1  }
0x38: {  	v3 =	vperm.xlane v3, v2;
	v4 =	vadd.s32 v1, v4;
	_ =	sdelay $0x1  }
0x39: {  	v3 =	vadd.s32 v1, v3;
	_ =	sdelay $0x1  }
0x3a: {  	s4 =	rddreg [dreg:$0x6]  }
0x3b: {  	[tilespmem:s4], [sflag:$0x1] =	stream.indirect_vreg.gather [hbm4b:s3+s2], $0x80, v4, vm0, $0xb8;
	[tilespmem:$0x10A00] =	vst v63  }
0x3c: {  	s5 =	rddreg [dreg:$0x7]  }
0x3d: {  	[tilespmem:s5], [sflag:$0x1] =	stream.indirect_vreg.gather [hbm4b:s3+s2], $0x80, v3, vm0, $0xb8;
	[tilespmem:$0x10A00] =	vst v63  }
0x3e: {  	v3 =	vld [tilespmem:s1+$0xFFFFFFB0];
	_ =	sdelay $0x4  }
0x3f: {  	v51 =	vshll.u32 v3, $0x1  }
0x40: {  	v3 =	vand.u32 $0x7, v3;
	v4 =	vand.u32 $0xFFFFFFF0, v51  }
0x41: {  	v3 =	vor.u32 v3, v4  }
0x42: {  	v4 =	vperm.xlane v3, v0;
	_ =	sdelay $0x1  }
0x43: {  	v3 =	vperm.xlane v3, v2;
	v4 =	vadd.s32 v1, v4;
	_ =	sdelay $0x1  }
0x44: {  	v3 =	vadd.s32 v1, v3;
	_ =	sdelay $0x1  }
0x45: {  	s4 =	rddreg [dreg:$0x8]  }
0x46: {  	[tilespmem:s4], [sflag:$0x1] =	stream.indirect_vreg.gather [hbm4b:s3+s2], $0x80, v4, vm0, $0xb8;
	[tilespmem:$0x10A00] =	vst v63  }
0x47: {  	s5 =	rddreg [dreg:$0x9]  }
0x48: {  	[tilespmem:s5], [sflag:$0x1] =	stream.indirect_vreg.gather [hbm4b:s3+s2], $0x80, v3, vm0, $0xb8;
	[tilespmem:$0x10A00] =	vst v63  }
0x49: {  	v3 =	vld [tilespmem:s1+$0xFFFFFFC0];
	_ =	sdelay $0x4  }
0x4a: {  	v52 =	vshll.u32 v3, $0x1  }
0x4b: {  	v3 =	vand.u32 $0x7, v3;
	v4 =	vand.u32 $0xFFFFFFF0, v52  }
0x4c: {  	v3 =	vor.u32 v3, v4  }
0x4d: {  	v4 =	vperm.xlane v3, v0;
	_ =	sdelay $0x1  }
0x4e: {  	v3 =	vperm.xlane v3, v2;
	v4 =	vadd.s32 v1, v4;
	_ =	sdelay $0x1  }
0x4f: {  	v3 =	vadd.s32 v1, v3;
	_ =	sdelay $0x1  }
0x50: {  	s4 =	rddreg [dreg:$0xa]  }
0x51: {  	[tilespmem:s4], [sflag:$0x1] =	stream.indirect_vreg.gather [hbm4b:s3+s2], $0x80, v4, vm0, $0xb8;
	[tilespmem:$0x10A00] =	vst v63  }
0x52: {  	s5 =	rddreg [dreg:$0xb]  }
0x53: {  	[tilespmem:s5], [sflag:$0x1] =	stream.indirect_vreg.gather [hbm4b:s3+s2], $0x80, v3, vm0, $0xb8;
	[tilespmem:$0x10A00] =	vst v63  }
0x54: {  	v3 =	vld [tilespmem:s1+$0xFFFFFFD0];
	_ =	sdelay $0x4  }
0x55: {  	v53 =	vshll.u32 v3, $0x1  }
0x56: {  	v3 =	vand.u32 $0x7, v3;
	v4 =	vand.u32 $0xFFFFFFF0, v53  }
0x57: {  	v3 =	vor.u32 v3, v4  }
0x58: {  	v4 =	vperm.xlane v3, v0;
	_ =	sdelay $0x1  }
0x59: {  	v3 =	vperm.xlane v3, v2;
	v4 =	vadd.s32 v1, v4;
	_ =	sdelay $0x1  }
0x5a: {  	v3 =	vadd.s32 v1, v3;
	_ =	sdelay $0x1  }
0x5b: {  	s5 =	rddreg [dreg:$0xc]  }
0x5c: {  	[tilespmem:s5], [sflag:$0x1] =	stream.indirect_vreg.gather [hbm4b:s3+s2], $0x80, v4, vm0, $0xb8;
	[tilespmem:$0x10A00] =	vst v63  }
0x5d: {  	_ = 	snop  }
0x5e: {  	[tilespmem:s8], [sflag:$0x1] =	stream.indirect_vreg.gather [hbm4b:s3+s2], $0x80, v3, vm0, $0xb8;
	[tilespmem:$0x10A00] =	vst v63  }
0x5f: {  	v3 =	vld [tilespmem:s1+$0xFFFFFFE0];
	_ =	sdelay $0x4  }
0x60: {  	v54 =	vshll.u32 v3, $0x1  }
0x61: {  	v3 =	vand.u32 $0x7, v3;
	v4 =	vand.u32 $0xFFFFFFF0, v54  }
0x62: {  	v3 =	vor.u32 v3, v4  }
0x63: {  	v4 =	vperm.xlane v3, v0;
	_ =	sdelay $0x1  }
0x64: {  	v3 =	vperm.xlane v3, v2;
	v4 =	vadd.s32 v1, v4;
	_ =	sdelay $0x1  }
0x65: {  	v3 =	vadd.s32 v1, v3;
	_ =	sdelay $0x2  }
0x66: {  	[tilespmem:s9], [sflag:$0x1] =	stream.indirect_vreg.gather [hbm4b:s3+s2], $0x80, v4, vm0, $0xb8;
	[tilespmem:$0x10A00] =	vst v63  }
0x67: {  	_ = 	snop  }
0x68: {  	[tilespmem:s10], [sflag:$0x1] =	stream.indirect_vreg.gather [hbm4b:s3+s2], $0x80, v3, vm0, $0xb8;
	[tilespmem:$0x10A00] =	vst v63  }
0x69: {  	v3 =	vld [tilespmem:s1+$0xFFFFFFF0];
	_ =	sdelay $0x4  }
0x6a: {  	v55 =	vshll.u32 v3, $0x1  }
0x6b: {  	v3 =	vand.u32 $0x7, v3;
	v4 =	vand.u32 $0xFFFFFFF0, v55  }
0x6c: {  	v3 =	vor.u32 v3, v4  }
0x6d: {  	v4 =	vperm.xlane v3, v0;
	_ =	sdelay $0x1  }
0x6e: {  	v3 =	vperm.xlane v3, v2;
	v4 =	vadd.s32 v1, v4;
	_ =	sdelay $0x1  }
0x6f: {  	v3 =	vadd.s32 v1, v3;
	_ =	sdelay $0x2  }
0x70: {  	[tilespmem:s11], [sflag:$0x1] =	stream.indirect_vreg.gather [hbm4b:s3+s2], $0x80, v4, vm0, $0xb8;
	[tilespmem:$0x10A00] =	vst v63  }
0x71: {  	_ = 	snop  }
0x72: {  	[tilespmem:s12], [sflag:$0x1] =	stream.indirect_vreg.gather [hbm4b:s3+s2], $0x80, v3, vm0, $0xb8;
	[tilespmem:$0x10A00] =	vst v63  }
0x73: {  	v3 =	vld [tilespmem:s1+$0x0];
	_ =	sdelay $0x4  }
0x74: {  	v56 =	vshll.u32 v3, $0x1  }
0x75: {  	v3 =	vand.u32 $0x7, v3;
	v4 =	vand.u32 $0xFFFFFFF0, v56  }
0x76: {  	v3 =	vor.u32 v3, v4  }
0x77: {  	v4 =	vperm.xlane v3, v0;
	_ =	sdelay $0x1  }
0x78: {  	v3 =	vperm.xlane v3, v2;
	v4 =	vadd.s32 v1, v4;
	_ =	sdelay $0x1  }
0x79: {  	v3 =	vadd.s32 v1, v3;
	_ =	sdelay $0x2  }
0x7a: {  	[tilespmem:s13], [sflag:$0x1] =	stream.indirect_vreg.gather [hbm4b:s3+s2], $0x80, v4, vm0, $0xb8;
	[tilespmem:$0x10A00] =	vst v63  }
0x7b: {  	_ = 	snop  }
0x7c: {  	[tilespmem:s14], [sflag:$0x1] =	stream.indirect_vreg.gather [hbm4b:s3+s2], $0x80, v3, vm0, $0xb8;
	[tilespmem:$0x10A00] =	vst v63  }
0x7d: {  	v3 =	vld [tilespmem:s1+$0x10];
	_ =	sdelay $0x4  }
0x7e: {  	v57 =	vshll.u32 v3, $0x1  }
0x7f: {  	v3 =	vand.u32 $0x7, v3;
	v4 =	vand.u32 $0xFFFFFFF0, v57  }
0x80: {  	v3 =	vor.u32 v3, v4  }
0x81: {  	v4 =	vperm.xlane v3, v0;
	_ =	sdelay $0x1  }
0x82: {  	v3 =	vperm.xlane v3, v2;
	v4 =	vadd.s32 v1, v4;
	_ =	sdelay $0x1  }
0x83: {  	v3 =	vadd.s32 v1, v3;
	_ =	sdelay $0x2  }
0x84: {  	[tilespmem:s15], [sflag:$0x1] =	stream.indirect_vreg.gather [hbm4b:s3+s2], $0x80, v4, vm0, $0xb8;
	[tilespmem:$0x10A00] =	vst v63  }
0x85: {  	_ = 	snop  }
0x86: {  	[tilespmem:s16], [sflag:$0x1] =	stream.indirect_vreg.gather [hbm4b:s3+s2], $0x80, v3, vm0, $0xb8;
	[tilespmem:$0x10A00] =	vst v63  }
0x87: {  	v3 =	vld [tilespmem:s1+$0x20];
	_ =	sdelay $0x4  }
0x88: {  	v58 =	vshll.u32 v3, $0x1  }
0x89: {  	v3 =	vand.u32 $0x7, v3;
	v4 =	vand.u32 $0xFFFFFFF0, v58  }
0x8a: {  	v3 =	vor.u32 v3, v4  }
0x8b: {  	v4 =	vperm.xlane v3, v0;
	_ =	sdelay $0x1  }
0x8c: {  	v3 =	vperm.xlane v3, v2;
	v4 =	vadd.s32 v1, v4;
	_ =	sdelay $0x1  }
0x8d: {  	v3 =	vadd.s32 v1, v3;
	_ =	sdelay $0x2  }
0x8e: {  	[tilespmem:s17], [sflag:$0x1] =	stream.indirect_vreg.gather [hbm4b:s3+s2], $0x80, v4, vm0, $0xb8;
	[tilespmem:$0x10A00] =	vst v63  }
0x8f: {  	_ = 	snop  }
0x90: {  	[tilespmem:s18], [sflag:$0x1] =	stream.indirect_vreg.gather [hbm4b:s3+s2], $0x80, v3, vm0, $0xb8;
	[tilespmem:$0x10A00] =	vst v63  }
0x91: {  	v3 =	vld [tilespmem:s1+$0x30];
	_ =	sdelay $0x4  }
0x92: {  	v59 =	vshll.u32 v3, $0x1  }
0x93: {  	v3 =	vand.u32 $0x7, v3;
	v4 =	vand.u32 $0xFFFFFFF0, v59  }
0x94: {  	v3 =	vor.u32 v3, v4  }
0x95: {  	v4 =	vperm.xlane v3, v0;
	_ =	sdelay $0x1  }
0x96: {  	v3 =	vperm.xlane v3, v2;
	v4 =	vadd.s32 v1, v4;
	_ =	sdelay $0x1  }
0x97: {  	v3 =	vadd.s32 v1, v3;
	_ =	sdelay $0x2  }
0x98: {  	[tilespmem:s19], [sflag:$0x1] =	stream.indirect_vreg.gather [hbm4b:s3+s2], $0x80, v4, vm0, $0xb8;
	[tilespmem:$0x10A00] =	vst v63  }
0x99: {  	_ = 	snop  }
0x9a: {  	[tilespmem:s20], [sflag:$0x1] =	stream.indirect_vreg.gather [hbm4b:s3+s2], $0x80, v3, vm0, $0xb8;
	[tilespmem:$0x10A00] =	vst v63  }
0x9b: {  	v3 =	vld [tilespmem:s1+$0x40];
	_ =	sdelay $0x4  }
0x9c: {  	v60 =	vshll.u32 v3, $0x1  }
0x9d: {  	v3 =	vand.u32 $0x7, v3;
	v4 =	vand.u32 $0xFFFFFFF0, v60  }
0x9e: {  	v3 =	vor.u32 v3, v4  }
0x9f: {  	v4 =	vperm.xlane v3, v0;
	_ =	sdelay $0x1  }
0xa0: {  	v3 =	vperm.xlane v3, v2;
	v4 =	vadd.s32 v1, v4;
	_ =	sdelay $0x1  }
0xa1: {  	v3 =	vadd.s32 v1, v3;
	_ =	sdelay $0x2  }
0xa2: {  	[tilespmem:s21], [sflag:$0x1] =	stream.indirect_vreg.gather [hbm4b:s3+s2], $0x80, v4, vm0, $0xb8;
	[tilespmem:$0x10A00] =	vst v63  }
0xa3: {  	_ = 	snop  }
0xa4: {  	[tilespmem:s22], [sflag:$0x1] =	stream.indirect_vreg.gather [hbm4b:s3+s2], $0x80, v3, vm0, $0xb8;
	[tilespmem:$0x10A00] =	vst v63  }
0xa5: {  	v3 =	vld [tilespmem:s1+$0x50];
	_ =	sdelay $0x4  }
0xa6: {  	v61 =	vshll.u32 v3, $0x1  }
0xa7: {  	v3 =	vand.u32 $0x7, v3;
	v4 =	vand.u32 $0xFFFFFFF0, v61  }
0xa8: {  	v3 =	vor.u32 v3, v4  }
0xa9: {  	v4 =	vperm.xlane v3, v0;
	_ =	sdelay $0x1  }
0xaa: {  	v3 =	vperm.xlane v3, v2;
	v4 =	vadd.s32 v1, v4;
	_ =	sdelay $0x1  }
0xab: {  	v3 =	vadd.s32 v1, v3;
	_ =	sdelay $0x2  }
0xac: {  	[tilespmem:s23], [sflag:$0x1] =	stream.indirect_vreg.gather [hbm4b:s3+s2], $0x80, v4, vm0, $0xb8;
	[tilespmem:$0x10A00] =	vst v63  }
0xad: {  	_ = 	snop  }
0xae: {  	[tilespmem:s24], [sflag:$0x1] =	stream.indirect_vreg.gather [hbm4b:s3+s2], $0x80, v3, vm0, $0xb8;
	[tilespmem:$0x10A00] =	vst v63  }
0xaf: {  	v3 =	vld [tilespmem:s1+$0x60];
	_ =	sdelay $0x4  }
0xb0: {  	v62 =	vshll.u32 v3, $0x1  }
0xb1: {  	v3 =	vand.u32 $0x7, v3;
	v4 =	vand.u32 $0xFFFFFFF0, v62  }
0xb2: {  	v3 =	vor.u32 v3, v4  }
0xb3: {  	v4 =	vperm.xlane v3, v0;
	_ =	sdelay $0x1  }
0xb4: {  	v3 =	vperm.xlane v3, v2;
	v4 =	vadd.s32 v1, v4;
	_ =	sdelay $0x1  }
0xb5: {  	v3 =	vadd.s32 v1, v3;
	_ =	sdelay $0x2  }
0xb6: {  	[tilespmem:s25], [sflag:$0x1] =	stream.indirect_vreg.gather [hbm4b:s3+s2], $0x80, v4, vm0, $0xb8;
	[tilespmem:$0x10A00] =	vst v63  }
0xb7: {  	_ = 	snop  }
0xb8: {  	[tilespmem:s26], [sflag:$0x1] =	stream.indirect_vreg.gather [hbm4b:s3+s2], $0x80, v3, vm0, $0xb8;
	[tilespmem:$0x10A00] =	vst v63  }
0xb9: {  	v3 =	vld [tilespmem:s1+$0x70];
	_ =	sdelay $0x4  }
0xba: {  	v63 =	vshll.u32 v3, $0x1  }
0xbb: {  	v3 =	vand.u32 $0x7, v3;
	v4 =	vand.u32 $0xFFFFFFF0, v63  }
0xbc: {  	v3 =	vor.u32 v3, v4  }
0xbd: {  	v4 =	vperm.xlane v3, v0;
	_ =	sdelay $0x1  }
0xbe: {  	v3 =	vperm.xlane v3, v2;
	v4 =	vadd.s32 v1, v4;
	_ =	sdelay $0x1  }
0xbf: {  	v3 =	vadd.s32 v1, v3;
	_ =	sdelay $0x2  }
0xc0: {  	[tilespmem:s28], [sflag:$0x1] =	stream.indirect_vreg.gather [hbm4b:s3+s2], $0x80, v4, vm0, $0xb8;
	[tilespmem:$0x10A00] =	vst v63  }
0xc1: {  	_ = 	snop  }
0xc2: {  	[tilespmem:s29], [sflag:$0x1] =	stream.indirect_vreg.gather [hbm4b:s3+s2], $0x80, v3, vm0, $0xb8;
	[tilespmem:$0x10A00] =	vst v63  }
0xc3: {  	_ =	swait.ge [sflag:s30], $0x8000  }
0xc4: {  	[sflag:s30] =	ssyncset.done $0x0  }
0xc5: {  	[sflag:s30] =	ssyncadd.s32 $0xFFFF8000  }
0xc6: {  	_ =	swait.ge [sflag:s30], $0x8000  }
0xc7: {  	p0 =	sne.s32 s0, $0x12000;
	s5 =	rddreg [dreg:$0x2];
	[sflag:s30] =	ssyncset.done $0x0  }
.Ltmp0:
0xc8: {  	[sflag:s30] =	ssyncadd.s32 $0xFFFF8000;
	s4 =	sadd.s32 s0, s5;
	(pc) =	sbr.rel @p0 .LBB2_2-.Ltmp0, $4  }
0xc9: {  	[hbm4b:s4+s2] =	stream.linear.scatter [tilespmem:s7], [sflag:$0x2], $0x10000, $0x38;
	[tilespmem:$0x10A00] =	vst v63  }
0xca: {  	_ =	swait.ge [sflag:s6], $0x10000  }
0xcb: {  	[sflag:s6] =	ssyncset.done $0x0  }
0xcc: {  	s1 =	sadd.s32 $0x100, s1;
	s0 =	sadd.s32 $0x2000, s0;
	[sflag:s6] =	ssyncadd.s32 $0xFFFF0000  }
0xcd: {  	s31 =	sadd.s32 $0x1, s31;
	s0 =	rddreg [dreg:$0xe]  }
0xce: {  	p0 =	sne.s32 s31, s0  }
.Ltmp1:
0xcf: {  	_ = 	snop;
	(pc) =	sbr.rel @p0 .LBB2_1-.Ltmp1, $1  }
0xd0: {  	_ =	sdelay $0x3  }
0xd1: {  	_ =	sfence.sel $0x180000  }
0xd2: {  	[bflag:$0x0] =	sbarrier.arrive $0xFFFF  }
0xd3: {  	_ =	strace $0x9000004A  }
0xd4: {  	s0 =	stileid.u32;
	[bflag:$0x2] =	sbarrier.arrive $0xFFFF  }
0xd5: {  	p0 =	sne.s32 s0, $0x0;
	s0 =	rddreg [dreg:$0x1]  }
0xd6: {  	s0 =	sadd.s32 @!p0 $0x100000, s0  }
0xd7: {  	[sflag:s0] =	ssyncadd.tile.s32 @!p0 $0x1;
	_ =	shalt  }
.Lfunc_end2:
_tile_overlayer_lowered:
.L_overlay_start_2:
0xd8: {  	(tag) =	ssettag $0x2  }
0xd9: {  	s0 =	rddreg [dreg:$0x0];
	s2 =	stileid.u32  }
0xda: {  	s1 =	rddreg [dreg:$0x1];
	p0 =	sne.s32 s2, $0x0  }
0xdb: {  	s3 =	rddreg [dreg:$0x2];
	[bflag:$0x3] =	sbarrier.arrive $0xFFFF;
	s2 =	simm.s32 @!p0 $0x1C02  }
0xdc: {  	[timem:s3], [sflag:s2] =	dma.local @!p0 [hbm:s0], s1  }
0xdd: {  	s0 =	simm.s32 @!p0 $0x2  }
0xde: {  	_ =	swait.ge @!p0 [sflag:s0], s1  }
0xdf: {  	s1 =	ssub.s32 @!p0 $0x0, s1;
	[sflag:s0] =	ssyncset.done @!p0 $0x0  }
0xe0: {  	[sflag:s0] =	ssyncadd.s32 @!p0 s1  }
0xe1: {  	[bflag:$0x3] =	sbarrier.arrive $0xFFFF  }
0xe2: {  	_ =	shalt  }

</sc_bundles>
